<compile_context>
chip_gen: v7x
topology: tpu7x:2x2x1
jax: 0.10.2.dev20260603
libtpu: 0.0.44.dev20260713+nightly
codegen_flags: <defaults>
</compile_context>

<pallas_src>
import functools

import jax
import jax.numpy as jnp
from jax import lax
from jax.experimental import pallas as pl
from jax.experimental.pallas import tpu as pltpu
from jax.experimental.pallas import tpu_sc as plsc

NUM_CLASSES = 1000
FEATURE_DIM = 1024
BATCH = 4096
TOPK = 8
TEMP = 0.07
CPAD = 1024
ROW_BLK = 1024
NWORKERS = 32
RPW = BATCH // NWORKERS


def _sim_body(conf_ref, p_ref, f_ref, hc_ref, e_ref, pn_ref):
    i = pl.program_id(0)

    @pl.when(i == 0)
    def _prep():
        conf = conf_ref[...]
        cols = lax.broadcasted_iota(jnp.int32, conf.shape, 1)
        cur = conf
        idxs = []
        for _ in range(TOPK):
            m = jnp.max(cur, axis=1, keepdims=True)
            idx = jnp.min(jnp.where(cur == m, cols, 2 * CPAD), axis=1,
                          keepdims=True)
            idxs.append(idx)
            cur = jnp.where(cols == idx, float("-inf"), cur)
        hc = jnp.concatenate(idxs, axis=1)
        hct = jnp.transpose(hc)
        hc_ref[...] = jnp.concatenate(
            [hct, jnp.zeros((TOPK, CPAD - NUM_CLASSES), jnp.int32)], axis=1)
        p = p_ref[...]
        n = jnp.sqrt(jnp.sum(p * p, axis=1, keepdims=True))
        pn_ref[0:NUM_CLASSES, :] = p / jnp.maximum(n, 1e-12)
        pn_ref[NUM_CLASSES:CPAD, :] = jnp.zeros(
            (CPAD - NUM_CLASSES, FEATURE_DIM), jnp.float32)

    @pl.when(i > 0)
    def _sim():
        f = f_ref[...]
        n = jnp.sqrt(jnp.sum(f * f, axis=1, keepdims=True))
        fn = f * (1.0 / jnp.maximum(n, 1e-12))
        s = lax.dot_general(fn, pn_ref[...], (((1,), (1,)), ((), ())),
                            preferred_element_type=jnp.float32)
        for g in range(CPAD // 128):
            e_ref[:, g, :] = s[:, g * 128:(g + 1) * 128]


def _sc_gather_body(e_hbm, lab_hbm, hc_hbm, out_hbm, lab_v, hc_v, o_v,
                    idx_refs, val_refs, sem):
    wid = lax.axis_index("s") * 2 + lax.axis_index("c")
    base = wid * RPW
    pltpu.sync_copy(hc_hbm, hc_v)
    pltpu.sync_copy(lab_hbm.at[pl.ds(base, RPW)], lab_v)
    iota = lax.broadcasted_iota(jnp.int32, (16,), 0)
    descs = []
    for j in range(1 + TOPK):
        for g in range(RPW // 16):
            grow = g * 16
            labv = lab_v[pl.ds(grow, 16)]
            rowbase = (base + grow + iota) * CPAD
            if j == 0:
                idx_refs[0][pl.ds(grow, 16)] = rowbase + labv
            else:
                colj = plsc.load_gather(hc_v, [(j - 1) * CPAD + labv])
                idx_refs[j][pl.ds(grow, 16)] = rowbase + colj
        descs.append(pltpu.async_copy(e_hbm.at[idx_refs[j]], val_refs[j], sem))
    for d in descs:
        d.wait()
    for g in range(RPW // 16):
        grow = g * 16
        pos = jnp.exp(val_refs[0][pl.ds(grow, 16)] * (1.0 / TEMP))
        acc = jnp.exp(val_refs[1][pl.ds(grow, 16)] * (1.0 / TEMP))
        for j in range(2, 1 + TOPK):
            acc = acc + jnp.exp(val_refs[j][pl.ds(grow, 16)] * (1.0 / TEMP))
        o_v[pl.ds(grow, 16)] = pos / (pos + acc * (1.0 / TOPK))
    pltpu.sync_copy(o_v, out_hbm.at[wid])


def _loss_body(g_ref, out_ref):
    loss = -jnp.log(g_ref[...])
    out_ref[...] = (jnp.sum(loss) * (1.0 / BATCH)).reshape(1, 1)


def kernel(features, labels, prototypes, confusion_matrix):
    nblk = BATCH // ROW_BLK
    hct, e3 = pl.pallas_call(
        _sim_body,
        grid=(1 + nblk,),
        in_specs=[
            pl.BlockSpec((NUM_CLASSES, NUM_CLASSES), lambda i: (0, 0)),
            pl.BlockSpec((NUM_CLASSES, FEATURE_DIM), lambda i: (0, 0)),
            pl.BlockSpec((ROW_BLK, FEATURE_DIM),
                         lambda i: (jnp.maximum(i - 1, 0), 0)),
        ],
        out_specs=[
            pl.BlockSpec((TOPK, CPAD), lambda i: (0, 0)),
            pl.BlockSpec((ROW_BLK, CPAD // 128, 128),
                         lambda i: (jnp.maximum(i - 1, 0), 0, 0)),
        ],
        out_shape=[jax.ShapeDtypeStruct((TOPK, CPAD), jnp.int32),
                   jax.ShapeDtypeStruct((BATCH, CPAD // 128, 128),
                                        jnp.float32)],
        scratch_shapes=[pltpu.VMEM((CPAD, FEATURE_DIM), jnp.float32)],
    )(confusion_matrix, prototypes, features)
    sc_gather = functools.partial(
        pl.kernel,
        mesh=plsc.VectorSubcoreMesh(core_axis_name="c", subcore_axis_name="s"),
        compiler_params=pltpu.CompilerParams(needs_layout_passes=False),
        out_type=jax.ShapeDtypeStruct((NWORKERS, RPW), jnp.float32),
        scratch_types=[
            pltpu.VMEM((RPW,), jnp.int32),
            pltpu.VMEM((TOPK * CPAD,), jnp.int32),
            pltpu.VMEM((RPW,), jnp.float32),
            [pltpu.VMEM((RPW,), jnp.int32) for _ in range(1 + TOPK)],
            [pltpu.VMEM((RPW,), jnp.float32) for _ in range(1 + TOPK)],
            pltpu.SemaphoreType.DMA,
        ],
    )(_sc_gather_body)
    ratio = sc_gather(e3.reshape(BATCH * CPAD), labels.astype(jnp.int32),
                      hct.reshape(TOPK * CPAD))
    loss = pl.pallas_call(
        _loss_body,
        out_shape=jax.ShapeDtypeStruct((1, 1), jnp.float32),
    )(ratio)
    return loss[0, 0]

# --- scband reference (transcript-rebuilt; emitter-appended) ---
"""Pipeline reference for scband-hard-negative-mining-proto-17128329577054 (READ-ONLY COPY).

The authoritative reference and input builder live on the scoring server;
editing this copy changes nothing except your own understanding.
"""

import jax, jax.numpy as jnp
import numpy as np

NUM_CLASSES = 1000
FEATURE_DIM = 1024
B = 4096
K = 8
TEMP = 0.07


def _normalize(x, axis=1, eps=1e-12):
    n = jnp.linalg.norm(x, axis=axis, keepdims=True)
    return x / jnp.maximum(n, eps)


def setup_inputs(seed: int = 0) -> dict:
    key = jax.random.key(seed)
    k1, k2, k3, k4 = jax.random.split(key, 4)
    features = jax.random.normal(k1, (B, FEATURE_DIM), dtype=jnp.float32)
    labels = jax.random.randint(k2, (B,), 0, NUM_CLASSES)
    # learned prototypes (nn.Parameter, non-zero so normalization is well-defined)
    prototypes = jax.random.normal(k3, (NUM_CLASSES, FEATURE_DIM), dtype=jnp.float32)
    # accumulated confusion-matrix buffer (non-negative counts)
    confusion_matrix = jax.random.uniform(k4, (NUM_CLASSES, NUM_CLASSES), dtype=jnp.float32) * 10.0
    return {"features": features, "labels": labels, "prototypes": prototypes, "confusion_matrix": confusion_matrix}


def reference(features, labels, prototypes, confusion_matrix):
    # compute_contrastive_loss
    f = _normalize(features, axis=1)
    p = _normalize(prototypes, axis=1)
    # positive similarity: cosine sim with class prototype (both unit-norm -> dot)
    pos_proto = jnp.take(p, labels, axis=0)           # [B, D] gather
    pos_sim = jnp.sum(f * pos_proto, axis=1)          # [B]
    # hard negative classes: top-k rows of confusion matrix per label
    class_conf = jnp.take(confusion_matrix, labels, axis=0)  # [B, C] gather
    _, hard_classes = jax.lax.top_k(class_conf, K)           # [B, K]
    hn_protos = jnp.take(p, hard_classes, axis=0)            # [B, K, D] gather
    # neg_sim = features[B,1,D] @ hn_protos^T[B,D,K] -> [B,K]
    neg_sim = jnp.einsum('bd,bkd->bk', f, hn_protos) / TEMP
    weighted_neg_sim = jnp.exp(neg_sim).mean(axis=1)         # [B]
    pos_exp = jnp.exp(pos_sim / TEMP)
    loss = -jnp.log(pos_exp / (pos_exp + weighted_neg_sim))
    return loss.mean()

if __name__ == "__main__":
    import jax
    _d = setup_inputs()
    print(jax.jit(kernel)(*tuple(_d.values())))

</pallas_src>

<mosaic_0001>
#map = affine_map<(d0, d1) -> (0)>
#map1 = affine_map<(d0, d1) -> (0, 0)>
module attributes {stable_mosaic.version = 14 : i64} {
  func.func @_sc_gather_body(%arg0: i32, %arg1: i32, %arg2: memref<4194304xf32, #tpu.memory_space<hbm>>, %arg3: memref<4096xi32, #tpu.memory_space<hbm>>, %arg4: memref<8192xi32, #tpu.memory_space<hbm>>, %arg5: memref<32x128xf32, #tpu.memory_space<hbm>>, %arg6: memref<128xi32, #tpu.memory_space<vmem>>, %arg7: memref<8192xi32, #tpu.memory_space<vmem>>, %arg8: memref<128xf32, #tpu.memory_space<vmem>>, %arg9: memref<128xi32, #tpu.memory_space<vmem>>, %arg10: memref<128xi32, #tpu.memory_space<vmem>>, %arg11: memref<128xi32, #tpu.memory_space<vmem>>, %arg12: memref<128xi32, #tpu.memory_space<vmem>>, %arg13: memref<128xi32, #tpu.memory_space<vmem>>, %arg14: memref<128xi32, #tpu.memory_space<vmem>>, %arg15: memref<128xi32, #tpu.memory_space<vmem>>, %arg16: memref<128xi32, #tpu.memory_space<vmem>>, %arg17: memref<128xi32, #tpu.memory_space<vmem>>, %arg18: memref<128xf32, #tpu.memory_space<vmem>>, %arg19: memref<128xf32, #tpu.memory_space<vmem>>, %arg20: memref<128xf32, #tpu.memory_space<vmem>>, %arg21: memref<128xf32, #tpu.memory_space<vmem>>, %arg22: memref<128xf32, #tpu.memory_space<vmem>>, %arg23: memref<128xf32, #tpu.memory_space<vmem>>, %arg24: memref<128xf32, #tpu.memory_space<vmem>>, %arg25: memref<128xf32, #tpu.memory_space<vmem>>, %arg26: memref<128xf32, #tpu.memory_space<vmem>>, %arg27: memref<!tpu.dma_semaphore, #tpu.memory_space<semaphore_mem>>) attributes {dimension_semantics = [#tpu.dimension_semantics<core_parallel>, #tpu.dimension_semantics<subcore_parallel>], iteration_bounds = array<i64: 2, 16>, scalar_prefetch = 0 : i64, scratch_operands = 22 : i64, tpu.core_type = #tpu.core_type<sc_vector_subcore>, window_params = [{transform_indices = #map}, {transform_indices = #map}, {transform_indices = #map}, {transform_indices = #map1}]} {
    %mul3A = arith.constant 2 : i32
    %mul3A_0 = arith.muli %arg1, %mul3A : i32
    %add3A = arith.addi %mul3A_0, %arg0 : i32
    %mul3A_1 = arith.constant 128 : i32
    %mul3A_2 = arith.muli %add3A, %mul3A_1 : i32
    "tpu.region"() ({
      %run_scoped3A = tpu.sem_alloc : memref<!tpu.dma_semaphore, #tpu.memory_space<semaphore_mem>>
      tpu.enqueue_dma source(%arg4 : memref<8192xi32, #tpu.memory_space<hbm>>) target(%arg7 : memref<8192xi32, #tpu.memory_space<vmem>>) target_semaphore(%run_scoped3A : memref<!tpu.dma_semaphore, #tpu.memory_space<semaphore_mem>>)
      tpu.wait_dma2 semaphore(%run_scoped3A : memref<!tpu.dma_semaphore, #tpu.memory_space<semaphore_mem>>) src(%arg4 : memref<8192xi32, #tpu.memory_space<hbm>>) dst(%arg7 : memref<8192xi32, #tpu.memory_space<vmem>>)
      tpu.yield
    }) : () -> ()
    "tpu.region"() ({
      %run_scoped3A = tpu.sem_alloc : memref<!tpu.dma_semaphore, #tpu.memory_space<semaphore_mem>>
      %dma_start3A_1696 = tpu.memref_slice %arg3[%mul3A_2] : memref<4096xi32, #tpu.memory_space<hbm>> -> memref<128xi32, #tpu.memory_space<hbm>>
      %dma_start3A_1697 = tpu.memref_slice %arg3[%mul3A_2] : memref<4096xi32, #tpu.memory_space<hbm>> -> memref<128xi32, #tpu.memory_space<hbm>>
      tpu.enqueue_dma source(%dma_start3A_1697 : memref<128xi32, #tpu.memory_space<hbm>>) target(%arg6 : memref<128xi32, #tpu.memory_space<vmem>>) target_semaphore(%run_scoped3A : memref<!tpu.dma_semaphore, #tpu.memory_space<semaphore_mem>>)
      %dma_wait3A_1698 = tpu.memref_slice %arg3[%mul3A_2] : memref<4096xi32, #tpu.memory_space<hbm>> -> memref<128xi32, #tpu.memory_space<hbm>>
      %dma_wait3A_1699 = tpu.memref_slice %arg3[%mul3A_2] : memref<4096xi32, #tpu.memory_space<hbm>> -> memref<128xi32, #tpu.memory_space<hbm>>
      tpu.wait_dma2 semaphore(%run_scoped3A : memref<!tpu.dma_semaphore, #tpu.memory_space<semaphore_mem>>) src(%dma_wait3A_1699 : memref<128xi32, #tpu.memory_space<hbm>>) dst(%arg6 : memref<128xi32, #tpu.memory_space<vmem>>)
      tpu.yield
    }) : () -> ()
    %iota3A = tpu.iota {dimensions = array<i32: 0>} : vector<16xi32>
    %get3A = arith.constant 0 : index
    %get3A_3 = tpu.vector_load %arg6[%get3A] {strides = array<i32>} : memref<128xi32, #tpu.memory_space<vmem>>, vector<16xi32>,
    %add3A_4 = arith.constant 0 : i32
    %add3A_5 = arith.addi %mul3A_2, %add3A_4 : i32
    %add3A_6 = vector.broadcast %add3A_5 : i32 to vector<16xi32>
    %add3A_7 = arith.addi %add3A_6, %iota3A : vector<16xi32>
    %mul3A_8 = arith.constant 1024 : i32
    %mul3A_9 = vector.broadcast %mul3A_8 : i32 to vector<16xi32>
    %mul3A_10 = arith.muli %add3A_7, %mul3A_9 : vector<16xi32>
    %add3A_11 = arith.addi %mul3A_10, %get3A_3 : vector<16xi32>
    %swap3A = arith.constant 0 : index
    %swap3A_12 = tpu.vector_load %arg9[%swap3A] {strides = array<i32>} : memref<128xi32, #tpu.memory_space<vmem>>, vector<16xi32>,
    tpu.vector_store %arg9[%swap3A], %add3A_11 {strides = array<i32>} : memref<128xi32, #tpu.memory_space<vmem>>, vector<16xi32>,
    %get3A_13 = arith.constant 16 : index
    %get3A_14 = tpu.vector_load %arg6[%get3A_13] {strides = array<i32>} : memref<128xi32, #tpu.memory_space<vmem>>, vector<16xi32>,
    %add3A_15 = arith.constant 16 : i32
    %add3A_16 = arith.addi %mul3A_2, %add3A_15 : i32
    %add3A_17 = vector.broadcast %add3A_16 : i32 to vector<16xi32>
    %add3A_18 = arith.addi %add3A_17, %iota3A : vector<16xi32>
    %mul3A_19 = arith.constant 1024 : i32
    %mul3A_20 = vector.broadcast %mul3A_19 : i32 to vector<16xi32>
    %mul3A_21 = arith.muli %add3A_18, %mul3A_20 : vector<16xi32>
    %add3A_22 = arith.addi %mul3A_21, %get3A_14 : vector<16xi32>
    %swap3A_23 = arith.constant 16 : index
    %swap3A_24 = tpu.vector_load %arg9[%swap3A_23] {strides = array<i32>} : memref<128xi32, #tpu.memory_space<vmem>>, vector<16xi32>,
    tpu.vector_store %arg9[%swap3A_23], %add3A_22 {strides = array<i32>} : memref<128xi32, #tpu.memory_space<vmem>>, vector<16xi32>,
    %get3A_25 = arith.constant 32 : index
    %get3A_26 = tpu.vector_load %arg6[%get3A_25] {strides = array<i32>} : memref<128xi32, #tpu.memory_space<vmem>>, vector<16xi32>,
    %add3A_27 = arith.constant 32 : i32
    %add3A_28 = arith.addi %mul3A_2, %add3A_27 : i32
    %add3A_29 = vector.broadcast %add3A_28 : i32 to vector<16xi32>
    %add3A_30 = arith.addi %add3A_29, %iota3A : vector<16xi32>
    %mul3A_31 = arith.constant 1024 : i32
    %mul3A_32 = vector.broadcast %mul3A_31 : i32 to vector<16xi32>
    %mul3A_33 = arith.muli %add3A_30, %mul3A_32 : vector<16xi32>
    %add3A_34 = arith.addi %mul3A_33, %get3A_26 : vector<16xi32>
    %swap3A_35 = arith.constant 32 : index
    %swap3A_36 = tpu.vector_load %arg9[%swap3A_35] {strides = array<i32>} : memref<128xi32, #tpu.memory_space<vmem>>, vector<16xi32>,
    tpu.vector_store %arg9[%swap3A_35], %add3A_34 {strides = array<i32>} : memref<128xi32, #tpu.memory_space<vmem>>, vector<16xi32>,
    %get3A_37 = arith.constant 48 : index
    %get3A_38 = tpu.vector_load %arg6[%get3A_37] {strides = array<i32>} : memref<128xi32, #tpu.memory_space<vmem>>, vector<16xi32>,
    %add3A_39 = arith.constant 48 : i32
    %add3A_40 = arith.addi %mul3A_2, %add3A_39 : i32
    %add3A_41 = vector.broadcast %add3A_40 : i32 to vector<16xi32>
    %add3A_42 = arith.addi %add3A_41, %iota3A : vector<16xi32>
    %mul3A_43 = arith.constant 1024 : i32
    %mul3A_44 = vector.broadcast %mul3A_43 : i32 to vector<16xi32>
    %mul3A_45 = arith.muli %add3A_42, %mul3A_44 : vector<16xi32>
    %add3A_46 = arith.addi %mul3A_45, %get3A_38 : vector<16xi32>
    %swap3A_47 = arith.constant 48 : index
    %swap3A_48 = tpu.vector_load %arg9[%swap3A_47] {strides = array<i32>} : memref<128xi32, #tpu.memory_space<vmem>>, vector<16xi32>,
    tpu.vector_store %arg9[%swap3A_47], %add3A_46 {strides = array<i32>} : memref<128xi32, #tpu.memory_space<vmem>>, vector<16xi32>,
    %get3A_49 = arith.constant 64 : index
    %get3A_50 = tpu.vector_load %arg6[%get3A_49] {strides = array<i32>} : memref<128xi32, #tpu.memory_space<vmem>>, vector<16xi32>,
    %add3A_51 = arith.constant 64 : i32
    %add3A_52 = arith.addi %mul3A_2, %add3A_51 : i32
    %add3A_53 = vector.broadcast %add3A_52 : i32 to vector<16xi32>
    %add3A_54 = arith.addi %add3A_53, %iota3A : vector<16xi32>
    %mul3A_55 = arith.constant 1024 : i32
    %mul3A_56 = vector.broadcast %mul3A_55 : i32 to vector<16xi32>
    %mul3A_57 = arith.muli %add3A_54, %mul3A_56 : vector<16xi32>
    %add3A_58 = arith.addi %mul3A_57, %get3A_50 : vector<16xi32>
    %swap3A_59 = arith.constant 64 : index
    %swap3A_60 = tpu.vector_load %arg9[%swap3A_59] {strides = array<i32>} : memref<128xi32, #tpu.memory_space<vmem>>, vector<16xi32>,
    tpu.vector_store %arg9[%swap3A_59], %add3A_58 {strides = array<i32>} : memref<128xi32, #tpu.memory_space<vmem>>, vector<16xi32>,
    %get3A_61 = arith.constant 80 : index
    %get3A_62 = tpu.vector_load %arg6[%get3A_61] {strides = array<i32>} : memref<128xi32, #tpu.memory_space<vmem>>, vector<16xi32>,
    %add3A_63 = arith.constant 80 : i32
    %add3A_64 = arith.addi %mul3A_2, %add3A_63 : i32
    %add3A_65 = vector.broadcast %add3A_64 : i32 to vector<16xi32>
    %add3A_66 = arith.addi %add3A_65, %iota3A : vector<16xi32>
    %mul3A_67 = arith.constant 1024 : i32
    %mul3A_68 = vector.broadcast %mul3A_67 : i32 to vector<16xi32>
    %mul3A_69 = arith.muli %add3A_66, %mul3A_68 : vector<16xi32>
    %add3A_70 = arith.addi %mul3A_69, %get3A_62 : vector<16xi32>
    %swap3A_71 = arith.constant 80 : index
    %swap3A_72 = tpu.vector_load %arg9[%swap3A_71] {strides = array<i32>} : memref<128xi32, #tpu.memory_space<vmem>>, vector<16xi32>,
    tpu.vector_store %arg9[%swap3A_71], %add3A_70 {strides = array<i32>} : memref<128xi32, #tpu.memory_space<vmem>>, vector<16xi32>,
    %get3A_73 = arith.constant 96 : index
    %get3A_74 = tpu.vector_load %arg6[%get3A_73] {strides = array<i32>} : memref<128xi32, #tpu.memory_space<vmem>>, vector<16xi32>,
    %add3A_75 = arith.constant 96 : i32
    %add3A_76 = arith.addi %mul3A_2, %add3A_75 : i32
    %add3A_77 = vector.broadcast %add3A_76 : i32 to vector<16xi32>
    %add3A_78 = arith.addi %add3A_77, %iota3A : vector<16xi32>
    %mul3A_79 = arith.constant 1024 : i32
    %mul3A_80 = vector.broadcast %mul3A_79 : i32 to vector<16xi32>
    %mul3A_81 = arith.muli %add3A_78, %mul3A_80 : vector<16xi32>
    %add3A_82 = arith.addi %mul3A_81, %get3A_74 : vector<16xi32>
    %swap3A_83 = arith.constant 96 : index
    %swap3A_84 = tpu.vector_load %arg9[%swap3A_83] {strides = array<i32>} : memref<128xi32, #tpu.memory_space<vmem>>, vector<16xi32>,
    tpu.vector_store %arg9[%swap3A_83], %add3A_82 {strides = array<i32>} : memref<128xi32, #tpu.memory_space<vmem>>, vector<16xi32>,
    %get3A_85 = arith.constant 112 : index
    %get3A_86 = tpu.vector_load %arg6[%get3A_85] {strides = array<i32>} : memref<128xi32, #tpu.memory_space<vmem>>, vector<16xi32>,
    %add3A_87 = arith.constant 112 : i32
    %add3A_88 = arith.addi %mul3A_2, %add3A_87 : i32
    %add3A_89 = vector.broadcast %add3A_88 : i32 to vector<16xi32>
    %add3A_90 = arith.addi %add3A_89, %iota3A : vector<16xi32>
    %mul3A_91 = arith.constant 1024 : i32
    %mul3A_92 = vector.broadcast %mul3A_91 : i32 to vector<16xi32>
    %mul3A_93 = arith.muli %add3A_90, %mul3A_92 : vector<16xi32>
    %add3A_94 = arith.addi %mul3A_93, %get3A_86 : vector<16xi32>
    %swap3A_95 = arith.constant 112 : index
    %swap3A_96 = tpu.vector_load %arg9[%swap3A_95] {strides = array<i32>} : memref<128xi32, #tpu.memory_space<vmem>>, vector<16xi32>,
    tpu.vector_store %arg9[%swap3A_95], %add3A_94 {strides = array<i32>} : memref<128xi32, #tpu.memory_space<vmem>>, vector<16xi32>,
    %dma_start3A = arith.constant 0 : i32
    %dma_start3A_97 = tpu.memref_slice %arg2[%dma_start3A] : memref<4194304xf32, #tpu.memory_space<hbm>> -> memref<4194304xf32, #tpu.memory_space<hbm>>
    tpu.enqueue_indirect_dma source(%dma_start3A_97 : memref<4194304xf32, #tpu.memory_space<hbm>>) target(%arg18 : memref<128xf32, #tpu.memory_space<vmem>>) offsets(%arg9 : memref<128xi32, #tpu.memory_space<vmem>>) semaphore(%arg27 : memref<!tpu.dma_semaphore, #tpu.memory_space<semaphore_mem>>)
    %get3A_98 = arith.constant 0 : index
    %get3A_99 = tpu.vector_load %arg6[%get3A_98] {strides = array<i32>} : memref<128xi32, #tpu.memory_space<vmem>>, vector<16xi32>,
    %add3A_100 = arith.constant 0 : i32
    %add3A_101 = arith.addi %mul3A_2, %add3A_100 : i32
    %add3A_102 = vector.broadcast %add3A_101 : i32 to vector<16xi32>
    %add3A_103 = arith.addi %add3A_102, %iota3A : vector<16xi32>
    %mul3A_104 = arith.constant 1024 : i32
    %mul3A_105 = vector.broadcast %mul3A_104 : i32 to vector<16xi32>
    %mul3A_106 = arith.muli %add3A_103, %mul3A_105 : vector<16xi32>
    %add3A_107 = arith.constant 0 : i32
    %add3A_108 = vector.broadcast %add3A_107 : i32 to vector<16xi32>
    %add3A_109 = arith.addi %add3A_108, %get3A_99 : vector<16xi32>
    %gather3A = tpu.vector_load_idx %arg7[%add3A_109] : memref<8192xi32, #tpu.memory_space<vmem>>[vector<16xi32>], vector<16xi32>,
    %add3A_110 = arith.addi %mul3A_106, %gather3A : vector<16xi32>
    %swap3A_111 = arith.constant 0 : index
    %swap3A_112 = tpu.vector_load %arg10[%swap3A_111] {strides = array<i32>} : memref<128xi32, #tpu.memory_space<vmem>>, vector<16xi32>,
    tpu.vector_store %arg10[%swap3A_111], %add3A_110 {strides = array<i32>} : memref<128xi32, #tpu.memory_space<vmem>>, vector<16xi32>,
    %get3A_113 = arith.constant 16 : index
    %get3A_114 = tpu.vector_load %arg6[%get3A_113] {strides = array<i32>} : memref<128xi32, #tpu.memory_space<vmem>>, vector<16xi32>,
    %add3A_115 = arith.constant 16 : i32
    %add3A_116 = arith.addi %mul3A_2, %add3A_115 : i32
    %add3A_117 = vector.broadcast %add3A_116 : i32 to vector<16xi32>
    %add3A_118 = arith.addi %add3A_117, %iota3A : vector<16xi32>
    %mul3A_119 = arith.constant 1024 : i32
    %mul3A_120 = vector.broadcast %mul3A_119 : i32 to vector<16xi32>
    %mul3A_121 = arith.muli %add3A_118, %mul3A_120 : vector<16xi32>
    %add3A_122 = arith.constant 0 : i32
    %add3A_123 = vector.broadcast %add3A_122 : i32 to vector<16xi32>
    %add3A_124 = arith.addi %add3A_123, %get3A_114 : vector<16xi32>
    %gather3A_125 = tpu.vector_load_idx %arg7[%add3A_124] : memref<8192xi32, #tpu.memory_space<vmem>>[vector<16xi32>], vector<16xi32>,
    %add3A_126 = arith.addi %mul3A_121, %gather3A_125 : vector<16xi32>
    %swap3A_127 = arith.constant 16 : index
    %swap3A_128 = tpu.vector_load %arg10[%swap3A_127] {strides = array<i32>} : memref<128xi32, #tpu.memory_space<vmem>>, vector<16xi32>,
    tpu.vector_store %arg10[%swap3A_127], %add3A_126 {strides = array<i32>} : memref<128xi32, #tpu.memory_space<vmem>>, vector<16xi32>,
    %get3A_129 = arith.constant 32 : index
    %get3A_130 = tpu.vector_load %arg6[%get3A_129] {strides = array<i32>} : memref<128xi32, #tpu.memory_space<vmem>>, vector<16xi32>,
    %add3A_131 = arith.constant 32 : i32
    %add3A_132 = arith.addi %mul3A_2, %add3A_131 : i32
    %add3A_133 = vector.broadcast %add3A_132 : i32 to vector<16xi32>
    %add3A_134 = arith.addi %add3A_133, %iota3A : vector<16xi32>
    %mul3A_135 = arith.constant 1024 : i32
    %mul3A_136 = vector.broadcast %mul3A_135 : i32 to vector<16xi32>
    %mul3A_137 = arith.muli %add3A_134, %mul3A_136 : vector<16xi32>
    %add3A_138 = arith.constant 0 : i32
    %add3A_139 = vector.broadcast %add3A_138 : i32 to vector<16xi32>
    %add3A_140 = arith.addi %add3A_139, %get3A_130 : vector<16xi32>
    %gather3A_141 = tpu.vector_load_idx %arg7[%add3A_140] : memref<8192xi32, #tpu.memory_space<vmem>>[vector<16xi32>], vector<16xi32>,
    %add3A_142 = arith.addi %mul3A_137, %gather3A_141 : vector<16xi32>
    %swap3A_143 = arith.constant 32 : index
    %swap3A_144 = tpu.vector_load %arg10[%swap3A_143] {strides = array<i32>} : memref<128xi32, #tpu.memory_space<vmem>>, vector<16xi32>,
    tpu.vector_store %arg10[%swap3A_143], %add3A_142 {strides = array<i32>} : memref<128xi32, #tpu.memory_space<vmem>>, vector<16xi32>,
    %get3A_145 = arith.constant 48 : index
    %get3A_146 = tpu.vector_load %arg6[%get3A_145] {strides = array<i32>} : memref<128xi32, #tpu.memory_space<vmem>>, vector<16xi32>,
    %add3A_147 = arith.constant 48 : i32
    %add3A_148 = arith.addi %mul3A_2, %add3A_147 : i32
    %add3A_149 = vector.broadcast %add3A_148 : i32 to vector<16xi32>
    %add3A_150 = arith.addi %add3A_149, %iota3A : vector<16xi32>
    %mul3A_151 = arith.constant 1024 : i32
    %mul3A_152 = vector.broadcast %mul3A_151 : i32 to vector<16xi32>
    %mul3A_153 = arith.muli %add3A_150, %mul3A_152 : vector<16xi32>
    %add3A_154 = arith.constant 0 : i32
    %add3A_155 = vector.broadcast %add3A_154 : i32 to vector<16xi32>
    %add3A_156 = arith.addi %add3A_155, %get3A_146 : vector<16xi32>
    %gather3A_157 = tpu.vector_load_idx %arg7[%add3A_156] : memref<8192xi32, #tpu.memory_space<vmem>>[vector<16xi32>], vector<16xi32>,
    %add3A_158 = arith.addi %mul3A_153, %gather3A_157 : vector<16xi32>
    %swap3A_159 = arith.constant 48 : index
    %swap3A_160 = tpu.vector_load %arg10[%swap3A_159] {strides = array<i32>} : memref<128xi32, #tpu.memory_space<vmem>>, vector<16xi32>,
    tpu.vector_store %arg10[%swap3A_159], %add3A_158 {strides = array<i32>} : memref<128xi32, #tpu.memory_space<vmem>>, vector<16xi32>,
    %get3A_161 = arith.constant 64 : index
    %get3A_162 = tpu.vector_load %arg6[%get3A_161] {strides = array<i32>} : memref<128xi32, #tpu.memory_space<vmem>>, vector<16xi32>,
    %add3A_163 = arith.constant 64 : i32
    %add3A_164 = arith.addi %mul3A_2, %add3A_163 : i32
    %add3A_165 = vector.broadcast %add3A_164 : i32 to vector<16xi32>
    %add3A_166 = arith.addi %add3A_165, %iota3A : vector<16xi32>
    %mul3A_167 = arith.constant 1024 : i32
    %mul3A_168 = vector.broadcast %mul3A_167 : i32 to vector<16xi32>
    %mul3A_169 = arith.muli %add3A_166, %mul3A_168 : vector<16xi32>
    %add3A_170 = arith.constant 0 : i32
    %add3A_171 = vector.broadcast %add3A_170 : i32 to vector<16xi32>
    %add3A_172 = arith.addi %add3A_171, %get3A_162 : vector<16xi32>
    %gather3A_173 = tpu.vector_load_idx %arg7[%add3A_172] : memref<8192xi32, #tpu.memory_space<vmem>>[vector<16xi32>], vector<16xi32>,
    %add3A_174 = arith.addi %mul3A_169, %gather3A_173 : vector<16xi32>
    %swap3A_175 = arith.constant 64 : index
    %swap3A_176 = tpu.vector_load %arg10[%swap3A_175] {strides = array<i32>} : memref<128xi32, #tpu.memory_space<vmem>>, vector<16xi32>,
    tpu.vector_store %arg10[%swap3A_175], %add3A_174 {strides = array<i32>} : memref<128xi32, #tpu.memory_space<vmem>>, vector<16xi32>,
    %get3A_177 = arith.constant 80 : index
    %get3A_178 = tpu.vector_load %arg6[%get3A_177] {strides = array<i32>} : memref<128xi32, #tpu.memory_space<vmem>>, vector<16xi32>,
    %add3A_179 = arith.constant 80 : i32
    %add3A_180 = arith.addi %mul3A_2, %add3A_179 : i32
    %add3A_181 = vector.broadcast %add3A_180 : i32 to vector<16xi32>
    %add3A_182 = arith.addi %add3A_181, %iota3A : vector<16xi32>
    %mul3A_183 = arith.constant 1024 : i32
    %mul3A_184 = vector.broadcast %mul3A_183 : i32 to vector<16xi32>
    %mul3A_185 = arith.muli %add3A_182, %mul3A_184 : vector<16xi32>
    %add3A_186 = arith.constant 0 : i32
    %add3A_187 = vector.broadcast %add3A_186 : i32 to vector<16xi32>
    %add3A_188 = arith.addi %add3A_187, %get3A_178 : vector<16xi32>
    %gather3A_189 = tpu.vector_load_idx %arg7[%add3A_188] : memref<8192xi32, #tpu.memory_space<vmem>>[vector<16xi32>], vector<16xi32>,
    %add3A_190 = arith.addi %mul3A_185, %gather3A_189 : vector<16xi32>
    %swap3A_191 = arith.constant 80 : index
    %swap3A_192 = tpu.vector_load %arg10[%swap3A_191] {strides = array<i32>} : memref<128xi32, #tpu.memory_space<vmem>>, vector<16xi32>,
    tpu.vector_store %arg10[%swap3A_191], %add3A_190 {strides = array<i32>} : memref<128xi32, #tpu.memory_space<vmem>>, vector<16xi32>,
    %get3A_193 = arith.constant 96 : index
    %get3A_194 = tpu.vector_load %arg6[%get3A_193] {strides = array<i32>} : memref<128xi32, #tpu.memory_space<vmem>>, vector<16xi32>,
    %add3A_195 = arith.constant 96 : i32
    %add3A_196 = arith.addi %mul3A_2, %add3A_195 : i32
    %add3A_197 = vector.broadcast %add3A_196 : i32 to vector<16xi32>
    %add3A_198 = arith.addi %add3A_197, %iota3A : vector<16xi32>
    %mul3A_199 = arith.constant 1024 : i32
    %mul3A_200 = vector.broadcast %mul3A_199 : i32 to vector<16xi32>
    %mul3A_201 = arith.muli %add3A_198, %mul3A_200 : vector<16xi32>
    %add3A_202 = arith.constant 0 : i32
    %add3A_203 = vector.broadcast %add3A_202 : i32 to vector<16xi32>
    %add3A_204 = arith.addi %add3A_203, %get3A_194 : vector<16xi32>
    %gather3A_205 = tpu.vector_load_idx %arg7[%add3A_204] : memref<8192xi32, #tpu.memory_space<vmem>>[vector<16xi32>], vector<16xi32>,
    %add3A_206 = arith.addi %mul3A_201, %gather3A_205 : vector<16xi32>
    %swap3A_207 = arith.constant 96 : index
    %swap3A_208 = tpu.vector_load %arg10[%swap3A_207] {strides = array<i32>} : memref<128xi32, #tpu.memory_space<vmem>>, vector<16xi32>,
    tpu.vector_store %arg10[%swap3A_207], %add3A_206 {strides = array<i32>} : memref<128xi32, #tpu.memory_space<vmem>>, vector<16xi32>,
    %get3A_209 = arith.constant 112 : index
    %get3A_210 = tpu.vector_load %arg6[%get3A_209] {strides = array<i32>} : memref<128xi32, #tpu.memory_space<vmem>>, vector<16xi32>,
    %add3A_211 = arith.constant 112 : i32
    %add3A_212 = arith.addi %mul3A_2, %add3A_211 : i32
    %add3A_213 = vector.broadcast %add3A_212 : i32 to vector<16xi32>
    %add3A_214 = arith.addi %add3A_213, %iota3A : vector<16xi32>
    %mul3A_215 = arith.constant 1024 : i32
    %mul3A_216 = vector.broadcast %mul3A_215 : i32 to vector<16xi32>
    %mul3A_217 = arith.muli %add3A_214, %mul3A_216 : vector<16xi32>
    %add3A_218 = arith.constant 0 : i32
    %add3A_219 = vector.broadcast %add3A_218 : i32 to vector<16xi32>
    %add3A_220 = arith.addi %add3A_219, %get3A_210 : vector<16xi32>
    %gather3A_221 = tpu.vector_load_idx %arg7[%add3A_220] : memref<8192xi32, #tpu.memory_space<vmem>>[vector<16xi32>], vector<16xi32>,
    %add3A_222 = arith.addi %mul3A_217, %gather3A_221 : vector<16xi32>
    %swap3A_223 = arith.constant 112 : index
    %swap3A_224 = tpu.vector_load %arg10[%swap3A_223] {strides = array<i32>} : memref<128xi32, #tpu.memory_space<vmem>>, vector<16xi32>,
    tpu.vector_store %arg10[%swap3A_223], %add3A_222 {strides = array<i32>} : memref<128xi32, #tpu.memory_space<vmem>>, vector<16xi32>,
    %dma_start3A_225 = arith.constant 0 : i32
    %dma_start3A_226 = tpu.memref_slice %arg2[%dma_start3A_225] : memref<4194304xf32, #tpu.memory_space<hbm>> -> memref<4194304xf32, #tpu.memory_space<hbm>>
    tpu.enqueue_indirect_dma source(%dma_start3A_226 : memref<4194304xf32, #tpu.memory_space<hbm>>) target(%arg19 : memref<128xf32, #tpu.memory_space<vmem>>) offsets(%arg10 : memref<128xi32, #tpu.memory_space<vmem>>) semaphore(%arg27 : memref<!tpu.dma_semaphore, #tpu.memory_space<semaphore_mem>>)
    %get3A_227 = arith.constant 0 : index
    %get3A_228 = tpu.vector_load %arg6[%get3A_227] {strides = array<i32>} : memref<128xi32, #tpu.memory_space<vmem>>, vector<16xi32>,
    %add3A_229 = arith.constant 0 : i32
    %add3A_230 = arith.addi %mul3A_2, %add3A_229 : i32
    %add3A_231 = vector.broadcast %add3A_230 : i32 to vector<16xi32>
    %add3A_232 = arith.addi %add3A_231, %iota3A : vector<16xi32>
    %mul3A_233 = arith.constant 1024 : i32
    %mul3A_234 = vector.broadcast %mul3A_233 : i32 to vector<16xi32>
    %mul3A_235 = arith.muli %add3A_232, %mul3A_234 : vector<16xi32>
    %add3A_236 = arith.constant 1024 : i32
    %add3A_237 = vector.broadcast %add3A_236 : i32 to vector<16xi32>
    %add3A_238 = arith.addi %add3A_237, %get3A_228 : vector<16xi32>
    %gather3A_239 = tpu.vector_load_idx %arg7[%add3A_238] : memref<8192xi32, #tpu.memory_space<vmem>>[vector<16xi32>], vector<16xi32>,
    %add3A_240 = arith.addi %mul3A_235, %gather3A_239 : vector<16xi32>
    %swap3A_241 = arith.constant 0 : index
    %swap3A_242 = tpu.vector_load %arg11[%swap3A_241] {strides = array<i32>} : memref<128xi32, #tpu.memory_space<vmem>>, vector<16xi32>,
    tpu.vector_store %arg11[%swap3A_241], %add3A_240 {strides = array<i32>} : memref<128xi32, #tpu.memory_space<vmem>>, vector<16xi32>,
    %get3A_243 = arith.constant 16 : index
    %get3A_244 = tpu.vector_load %arg6[%get3A_243] {strides = array<i32>} : memref<128xi32, #tpu.memory_space<vmem>>, vector<16xi32>,
    %add3A_245 = arith.constant 16 : i32
    %add3A_246 = arith.addi %mul3A_2, %add3A_245 : i32
    %add3A_247 = vector.broadcast %add3A_246 : i32 to vector<16xi32>
    %add3A_248 = arith.addi %add3A_247, %iota3A : vector<16xi32>
    %mul3A_249 = arith.constant 1024 : i32
    %mul3A_250 = vector.broadcast %mul3A_249 : i32 to vector<16xi32>
    %mul3A_251 = arith.muli %add3A_248, %mul3A_250 : vector<16xi32>
    %add3A_252 = arith.constant 1024 : i32
    %add3A_253 = vector.broadcast %add3A_252 : i32 to vector<16xi32>
    %add3A_254 = arith.addi %add3A_253, %get3A_244 : vector<16xi32>
    %gather3A_255 = tpu.vector_load_idx %arg7[%add3A_254] : memref<8192xi32, #tpu.memory_space<vmem>>[vector<16xi32>], vector<16xi32>,
    %add3A_256 = arith.addi %mul3A_251, %gather3A_255 : vector<16xi32>
    %swap3A_257 = arith.constant 16 : index
    %swap3A_258 = tpu.vector_load %arg11[%swap3A_257] {strides = array<i32>} : memref<128xi32, #tpu.memory_space<vmem>>, vector<16xi32>,
    tpu.vector_store %arg11[%swap3A_257], %add3A_256 {strides = array<i32>} : memref<128xi32, #tpu.memory_space<vmem>>, vector<16xi32>,
    %get3A_259 = arith.constant 32 : index
    %get3A_260 = tpu.vector_load %arg6[%get3A_259] {strides = array<i32>} : memref<128xi32, #tpu.memory_space<vmem>>, vector<16xi32>,
    %add3A_261 = arith.constant 32 : i32
    %add3A_262 = arith.addi %mul3A_2, %add3A_261 : i32
    %add3A_263 = vector.broadcast %add3A_262 : i32 to vector<16xi32>
    %add3A_264 = arith.addi %add3A_263, %iota3A : vector<16xi32>
    %mul3A_265 = arith.constant 1024 : i32
    %mul3A_266 = vector.broadcast %mul3A_265 : i32 to vector<16xi32>
    %mul3A_267 = arith.muli %add3A_264, %mul3A_266 : vector<16xi32>
    %add3A_268 = arith.constant 1024 : i32
    %add3A_269 = vector.broadcast %add3A_268 : i32 to vector<16xi32>
    %add3A_270 = arith.addi %add3A_269, %get3A_260 : vector<16xi32>
    %gather3A_271 = tpu.vector_load_idx %arg7[%add3A_270] : memref<8192xi32, #tpu.memory_space<vmem>>[vector<16xi32>], vector<16xi32>,
    %add3A_272 = arith.addi %mul3A_267, %gather3A_271 : vector<16xi32>
    %swap3A_273 = arith.constant 32 : index
    %swap3A_274 = tpu.vector_load %arg11[%swap3A_273] {strides = array<i32>} : memref<128xi32, #tpu.memory_space<vmem>>, vector<16xi32>,
    tpu.vector_store %arg11[%swap3A_273], %add3A_272 {strides = array<i32>} : memref<128xi32, #tpu.memory_space<vmem>>, vector<16xi32>,
    %get3A_275 = arith.constant 48 : index
    %get3A_276 = tpu.vector_load %arg6[%get3A_275] {strides = array<i32>} : memref<128xi32, #tpu.memory_space<vmem>>, vector<16xi32>,
    %add3A_277 = arith.constant 48 : i32
    %add3A_278 = arith.addi %mul3A_2, %add3A_277 : i32
    %add3A_279 = vector.broadcast %add3A_278 : i32 to vector<16xi32>
    %add3A_280 = arith.addi %add3A_279, %iota3A : vector<16xi32>
    %mul3A_281 = arith.constant 1024 : i32
    %mul3A_282 = vector.broadcast %mul3A_281 : i32 to vector<16xi32>
    %mul3A_283 = arith.muli %add3A_280, %mul3A_282 : vector<16xi32>
    %add3A_284 = arith.constant 1024 : i32
    %add3A_285 = vector.broadcast %add3A_284 : i32 to vector<16xi32>
    %add3A_286 = arith.addi %add3A_285, %get3A_276 : vector<16xi32>
    %gather3A_287 = tpu.vector_load_idx %arg7[%add3A_286] : memref<8192xi32, #tpu.memory_space<vmem>>[vector<16xi32>], vector<16xi32>,
    %add3A_288 = arith.addi %mul3A_283, %gather3A_287 : vector<16xi32>
    %swap3A_289 = arith.constant 48 : index
    %swap3A_290 = tpu.vector_load %arg11[%swap3A_289] {strides = array<i32>} : memref<128xi32, #tpu.memory_space<vmem>>, vector<16xi32>,
    tpu.vector_store %arg11[%swap3A_289], %add3A_288 {strides = array<i32>} : memref<128xi32, #tpu.memory_space<vmem>>, vector<16xi32>,
    %get3A_291 = arith.constant 64 : index
    %get3A_292 = tpu.vector_load %arg6[%get3A_291] {strides = array<i32>} : memref<128xi32, #tpu.memory_space<vmem>>, vector<16xi32>,
    %add3A_293 = arith.constant 64 : i32
    %add3A_294 = arith.addi %mul3A_2, %add3A_293 : i32
    %add3A_295 = vector.broadcast %add3A_294 : i32 to vector<16xi32>
    %add3A_296 = arith.addi %add3A_295, %iota3A : vector<16xi32>
    %mul3A_297 = arith.constant 1024 : i32
    %mul3A_298 = vector.broadcast %mul3A_297 : i32 to vector<16xi32>
    %mul3A_299 = arith.muli %add3A_296, %mul3A_298 : vector<16xi32>
    %add3A_300 = arith.constant 1024 : i32
    %add3A_301 = vector.broadcast %add3A_300 : i32 to vector<16xi32>
    %add3A_302 = arith.addi %add3A_301, %get3A_292 : vector<16xi32>
    %gather3A_303 = tpu.vector_load_idx %arg7[%add3A_302] : memref<8192xi32, #tpu.memory_space<vmem>>[vector<16xi32>], vector<16xi32>,
    %add3A_304 = arith.addi %mul3A_299, %gather3A_303 : vector<16xi32>
    %swap3A_305 = arith.constant 64 : index
    %swap3A_306 = tpu.vector_load %arg11[%swap3A_305] {strides = array<i32>} : memref<128xi32, #tpu.memory_space<vmem>>, vector<16xi32>,
    tpu.vector_store %arg11[%swap3A_305], %add3A_304 {strides = array<i32>} : memref<128xi32, #tpu.memory_space<vmem>>, vector<16xi32>,
    %get3A_307 = arith.constant 80 : index
    %get3A_308 = tpu.vector_load %arg6[%get3A_307] {strides = array<i32>} : memref<128xi32, #tpu.memory_space<vmem>>, vector<16xi32>,
    %add3A_309 = arith.constant 80 : i32
    %add3A_310 = arith.addi %mul3A_2, %add3A_309 : i32
    %add3A_311 = vector.broadcast %add3A_310 : i32 to vector<16xi32>
    %add3A_312 = arith.addi %add3A_311, %iota3A : vector<16xi32>
    %mul3A_313 = arith.constant 1024 : i32
    %mul3A_314 = vector.broadcast %mul3A_313 : i32 to vector<16xi32>
    %mul3A_315 = arith.muli %add3A_312, %mul3A_314 : vector<16xi32>
    %add3A_316 = arith.constant 1024 : i32
    %add3A_317 = vector.broadcast %add3A_316 : i32 to vector<16xi32>
    %add3A_318 = arith.addi %add3A_317, %get3A_308 : vector<16xi32>
    %gather3A_319 = tpu.vector_load_idx %arg7[%add3A_318] : memref<8192xi32, #tpu.memory_space<vmem>>[vector<16xi32>], vector<16xi32>,
    %add3A_320 = arith.addi %mul3A_315, %gather3A_319 : vector<16xi32>
    %swap3A_321 = arith.constant 80 : index
    %swap3A_322 = tpu.vector_load %arg11[%swap3A_321] {strides = array<i32>} : memref<128xi32, #tpu.memory_space<vmem>>, vector<16xi32>,
    tpu.vector_store %arg11[%swap3A_321], %add3A_320 {strides = array<i32>} : memref<128xi32, #tpu.memory_space<vmem>>, vector<16xi32>,
    %get3A_323 = arith.constant 96 : index
    %get3A_324 = tpu.vector_load %arg6[%get3A_323] {strides = array<i32>} : memref<128xi32, #tpu.memory_space<vmem>>, vector<16xi32>,
    %add3A_325 = arith.constant 96 : i32
    %add3A_326 = arith.addi %mul3A_2, %add3A_325 : i32
    %add3A_327 = vector.broadcast %add3A_326 : i32 to vector<16xi32>
    %add3A_328 = arith.addi %add3A_327, %iota3A : vector<16xi32>
    %mul3A_329 = arith.constant 1024 : i32
    %mul3A_330 = vector.broadcast %mul3A_329 : i32 to vector<16xi32>
    %mul3A_331 = arith.muli %add3A_328, %mul3A_330 : vector<16xi32>
    %add3A_332 = arith.constant 1024 : i32
    %add3A_333 = vector.broadcast %add3A_332 : i32 to vector<16xi32>
    %add3A_334 = arith.addi %add3A_333, %get3A_324 : vector<16xi32>
    %gather3A_335 = tpu.vector_load_idx %arg7[%add3A_334] : memref<8192xi32, #tpu.memory_space<vmem>>[vector<16xi32>], vector<16xi32>,
    %add3A_336 = arith.addi %mul3A_331, %gather3A_335 : vector<16xi32>
    %swap3A_337 = arith.constant 96 : index
    %swap3A_338 = tpu.vector_load %arg11[%swap3A_337] {strides = array<i32>} : memref<128xi32, #tpu.memory_space<vmem>>, vector<16xi32>,
    tpu.vector_store %arg11[%swap3A_337], %add3A_336 {strides = array<i32>} : memref<128xi32, #tpu.memory_space<vmem>>, vector<16xi32>,
    %get3A_339 = arith.constant 112 : index
    %get3A_340 = tpu.vector_load %arg6[%get3A_339] {strides = array<i32>} : memref<128xi32, #tpu.memory_space<vmem>>, vector<16xi32>,
    %add3A_341 = arith.constant 112 : i32
    %add3A_342 = arith.addi %mul3A_2, %add3A_341 : i32
    %add3A_343 = vector.broadcast %add3A_342 : i32 to vector<16xi32>
    %add3A_344 = arith.addi %add3A_343, %iota3A : vector<16xi32>
    %mul3A_345 = arith.constant 1024 : i32
    %mul3A_346 = vector.broadcast %mul3A_345 : i32 to vector<16xi32>
    %mul3A_347 = arith.muli %add3A_344, %mul3A_346 : vector<16xi32>
    %add3A_348 = arith.constant 1024 : i32
    %add3A_349 = vector.broadcast %add3A_348 : i32 to vector<16xi32>
    %add3A_350 = arith.addi %add3A_349, %get3A_340 : vector<16xi32>
    %gather3A_351 = tpu.vector_load_idx %arg7[%add3A_350] : memref<8192xi32, #tpu.memory_space<vmem>>[vector<16xi32>], vector<16xi32>,
    %add3A_352 = arith.addi %mul3A_347, %gather3A_351 : vector<16xi32>
    %swap3A_353 = arith.constant 112 : index
    %swap3A_354 = tpu.vector_load %arg11[%swap3A_353] {strides = array<i32>} : memref<128xi32, #tpu.memory_space<vmem>>, vector<16xi32>,
    tpu.vector_store %arg11[%swap3A_353], %add3A_352 {strides = array<i32>} : memref<128xi32, #tpu.memory_space<vmem>>, vector<16xi32>,
    %dma_start3A_355 = arith.constant 0 : i32
    %dma_start3A_356 = tpu.memref_slice %arg2[%dma_start3A_355] : memref<4194304xf32, #tpu.memory_space<hbm>> -> memref<4194304xf32, #tpu.memory_space<hbm>>
    tpu.enqueue_indirect_dma source(%dma_start3A_356 : memref<4194304xf32, #tpu.memory_space<hbm>>) target(%arg20 : memref<128xf32, #tpu.memory_space<vmem>>) offsets(%arg11 : memref<128xi32, #tpu.memory_space<vmem>>) semaphore(%arg27 : memref<!tpu.dma_semaphore, #tpu.memory_space<semaphore_mem>>)
    %get3A_357 = arith.constant 0 : index
    %get3A_358 = tpu.vector_load %arg6[%get3A_357] {strides = array<i32>} : memref<128xi32, #tpu.memory_space<vmem>>, vector<16xi32>,
    %add3A_359 = arith.constant 0 : i32
    %add3A_360 = arith.addi %mul3A_2, %add3A_359 : i32
    %add3A_361 = vector.broadcast %add3A_360 : i32 to vector<16xi32>
    %add3A_362 = arith.addi %add3A_361, %iota3A : vector<16xi32>
    %mul3A_363 = arith.constant 1024 : i32
    %mul3A_364 = vector.broadcast %mul3A_363 : i32 to vector<16xi32>
    %mul3A_365 = arith.muli %add3A_362, %mul3A_364 : vector<16xi32>
    %add3A_366 = arith.constant 2048 : i32
    %add3A_367 = vector.broadcast %add3A_366 : i32 to vector<16xi32>
    %add3A_368 = arith.addi %add3A_367, %get3A_358 : vector<16xi32>
    %gather3A_369 = tpu.vector_load_idx %arg7[%add3A_368] : memref<8192xi32, #tpu.memory_space<vmem>>[vector<16xi32>], vector<16xi32>,
    %add3A_370 = arith.addi %mul3A_365, %gather3A_369 : vector<16xi32>
    %swap3A_371 = arith.constant 0 : index
    %swap3A_372 = tpu.vector_load %arg12[%swap3A_371] {strides = array<i32>} : memref<128xi32, #tpu.memory_space<vmem>>, vector<16xi32>,
    tpu.vector_store %arg12[%swap3A_371], %add3A_370 {strides = array<i32>} : memref<128xi32, #tpu.memory_space<vmem>>, vector<16xi32>,
    %get3A_373 = arith.constant 16 : index
    %get3A_374 = tpu.vector_load %arg6[%get3A_373] {strides = array<i32>} : memref<128xi32, #tpu.memory_space<vmem>>, vector<16xi32>,
    %add3A_375 = arith.constant 16 : i32
    %add3A_376 = arith.addi %mul3A_2, %add3A_375 : i32
    %add3A_377 = vector.broadcast %add3A_376 : i32 to vector<16xi32>
    %add3A_378 = arith.addi %add3A_377, %iota3A : vector<16xi32>
    %mul3A_379 = arith.constant 1024 : i32
    %mul3A_380 = vector.broadcast %mul3A_379 : i32 to vector<16xi32>
    %mul3A_381 = arith.muli %add3A_378, %mul3A_380 : vector<16xi32>
    %add3A_382 = arith.constant 2048 : i32
    %add3A_383 = vector.broadcast %add3A_382 : i32 to vector<16xi32>
    %add3A_384 = arith.addi %add3A_383, %get3A_374 : vector<16xi32>
    %gather3A_385 = tpu.vector_load_idx %arg7[%add3A_384] : memref<8192xi32, #tpu.memory_space<vmem>>[vector<16xi32>], vector<16xi32>,
    %add3A_386 = arith.addi %mul3A_381, %gather3A_385 : vector<16xi32>
    %swap3A_387 = arith.constant 16 : index
    %swap3A_388 = tpu.vector_load %arg12[%swap3A_387] {strides = array<i32>} : memref<128xi32, #tpu.memory_space<vmem>>, vector<16xi32>,
    tpu.vector_store %arg12[%swap3A_387], %add3A_386 {strides = array<i32>} : memref<128xi32, #tpu.memory_space<vmem>>, vector<16xi32>,
    %get3A_389 = arith.constant 32 : index
    %get3A_390 = tpu.vector_load %arg6[%get3A_389] {strides = array<i32>} : memref<128xi32, #tpu.memory_space<vmem>>, vector<16xi32>,
    %add3A_391 = arith.constant 32 : i32
    %add3A_392 = arith.addi %mul3A_2, %add3A_391 : i32
    %add3A_393 = vector.broadcast %add3A_392 : i32 to vector<16xi32>
    %add3A_394 = arith.addi %add3A_393, %iota3A : vector<16xi32>
    %mul3A_395 = arith.constant 1024 : i32
    %mul3A_396 = vector.broadcast %mul3A_395 : i32 to vector<16xi32>
    %mul3A_397 = arith.muli %add3A_394, %mul3A_396 : vector<16xi32>
    %add3A_398 = arith.constant 2048 : i32
    %add3A_399 = vector.broadcast %add3A_398 : i32 to vector<16xi32>
    %add3A_400 = arith.addi %add3A_399, %get3A_390 : vector<16xi32>
    %gather3A_401 = tpu.vector_load_idx %arg7[%add3A_400] : memref<8192xi32, #tpu.memory_space<vmem>>[vector<16xi32>], vector<16xi32>,
    %add3A_402 = arith.addi %mul3A_397, %gather3A_401 : vector<16xi32>
    %swap3A_403 = arith.constant 32 : index
    %swap3A_404 = tpu.vector_load %arg12[%swap3A_403] {strides = array<i32>} : memref<128xi32, #tpu.memory_space<vmem>>, vector<16xi32>,
    tpu.vector_store %arg12[%swap3A_403], %add3A_402 {strides = array<i32>} : memref<128xi32, #tpu.memory_space<vmem>>, vector<16xi32>,
    %get3A_405 = arith.constant 48 : index
    %get3A_406 = tpu.vector_load %arg6[%get3A_405] {strides = array<i32>} : memref<128xi32, #tpu.memory_space<vmem>>, vector<16xi32>,
    %add3A_407 = arith.constant 48 : i32
    %add3A_408 = arith.addi %mul3A_2, %add3A_407 : i32
    %add3A_409 = vector.broadcast %add3A_408 : i32 to vector<16xi32>
    %add3A_410 = arith.addi %add3A_409, %iota3A : vector<16xi32>
    %mul3A_411 = arith.constant 1024 : i32
    %mul3A_412 = vector.broadcast %mul3A_411 : i32 to vector<16xi32>
    %mul3A_413 = arith.muli %add3A_410, %mul3A_412 : vector<16xi32>
    %add3A_414 = arith.constant 2048 : i32
    %add3A_415 = vector.broadcast %add3A_414 : i32 to vector<16xi32>
    %add3A_416 = arith.addi %add3A_415, %get3A_406 : vector<16xi32>
    %gather3A_417 = tpu.vector_load_idx %arg7[%add3A_416] : memref<8192xi32, #tpu.memory_space<vmem>>[vector<16xi32>], vector<16xi32>,
    %add3A_418 = arith.addi %mul3A_413, %gather3A_417 : vector<16xi32>
    %swap3A_419 = arith.constant 48 : index
    %swap3A_420 = tpu.vector_load %arg12[%swap3A_419] {strides = array<i32>} : memref<128xi32, #tpu.memory_space<vmem>>, vector<16xi32>,
    tpu.vector_store %arg12[%swap3A_419], %add3A_418 {strides = array<i32>} : memref<128xi32, #tpu.memory_space<vmem>>, vector<16xi32>,
    %get3A_421 = arith.constant 64 : index
    %get3A_422 = tpu.vector_load %arg6[%get3A_421] {strides = array<i32>} : memref<128xi32, #tpu.memory_space<vmem>>, vector<16xi32>,
    %add3A_423 = arith.constant 64 : i32
    %add3A_424 = arith.addi %mul3A_2, %add3A_423 : i32
    %add3A_425 = vector.broadcast %add3A_424 : i32 to vector<16xi32>
    %add3A_426 = arith.addi %add3A_425, %iota3A : vector<16xi32>
    %mul3A_427 = arith.constant 1024 : i32
    %mul3A_428 = vector.broadcast %mul3A_427 : i32 to vector<16xi32>
    %mul3A_429 = arith.muli %add3A_426, %mul3A_428 : vector<16xi32>
    %add3A_430 = arith.constant 2048 : i32
    %add3A_431 = vector.broadcast %add3A_430 : i32 to vector<16xi32>
    %add3A_432 = arith.addi %add3A_431, %get3A_422 : vector<16xi32>
    %gather3A_433 = tpu.vector_load_idx %arg7[%add3A_432] : memref<8192xi32, #tpu.memory_space<vmem>>[vector<16xi32>], vector<16xi32>,
    %add3A_434 = arith.addi %mul3A_429, %gather3A_433 : vector<16xi32>
    %swap3A_435 = arith.constant 64 : index
    %swap3A_436 = tpu.vector_load %arg12[%swap3A_435] {strides = array<i32>} : memref<128xi32, #tpu.memory_space<vmem>>, vector<16xi32>,
    tpu.vector_store %arg12[%swap3A_435], %add3A_434 {strides = array<i32>} : memref<128xi32, #tpu.memory_space<vmem>>, vector<16xi32>,
    %get3A_437 = arith.constant 80 : index
    %get3A_438 = tpu.vector_load %arg6[%get3A_437] {strides = array<i32>} : memref<128xi32, #tpu.memory_space<vmem>>, vector<16xi32>,
    %add3A_439 = arith.constant 80 : i32
    %add3A_440 = arith.addi %mul3A_2, %add3A_439 : i32
    %add3A_441 = vector.broadcast %add3A_440 : i32 to vector<16xi32>
    %add3A_442 = arith.addi %add3A_441, %iota3A : vector<16xi32>
    %mul3A_443 = arith.constant 1024 : i32
    %mul3A_444 = vector.broadcast %mul3A_443 : i32 to vector<16xi32>
    %mul3A_445 = arith.muli %add3A_442, %mul3A_444 : vector<16xi32>
    %add3A_446 = arith.constant 2048 : i32
    %add3A_447 = vector.broadcast %add3A_446 : i32 to vector<16xi32>
    %add3A_448 = arith.addi %add3A_447, %get3A_438 : vector<16xi32>
    %gather3A_449 = tpu.vector_load_idx %arg7[%add3A_448] : memref<8192xi32, #tpu.memory_space<vmem>>[vector<16xi32>], vector<16xi32>,
    %add3A_450 = arith.addi %mul3A_445, %gather3A_449 : vector<16xi32>
    %swap3A_451 = arith.constant 80 : index
    %swap3A_452 = tpu.vector_load %arg12[%swap3A_451] {strides = array<i32>} : memref<128xi32, #tpu.memory_space<vmem>>, vector<16xi32>,
    tpu.vector_store %arg12[%swap3A_451], %add3A_450 {strides = array<i32>} : memref<128xi32, #tpu.memory_space<vmem>>, vector<16xi32>,
    %get3A_453 = arith.constant 96 : index
    %get3A_454 = tpu.vector_load %arg6[%get3A_453] {strides = array<i32>} : memref<128xi32, #tpu.memory_space<vmem>>, vector<16xi32>,
    %add3A_455 = arith.constant 96 : i32
    %add3A_456 = arith.addi %mul3A_2, %add3A_455 : i32
    %add3A_457 = vector.broadcast %add3A_456 : i32 to vector<16xi32>
    %add3A_458 = arith.addi %add3A_457, %iota3A : vector<16xi32>
    %mul3A_459 = arith.constant 1024 : i32
    %mul3A_460 = vector.broadcast %mul3A_459 : i32 to vector<16xi32>
    %mul3A_461 = arith.muli %add3A_458, %mul3A_460 : vector<16xi32>
    %add3A_462 = arith.constant 2048 : i32
    %add3A_463 = vector.broadcast %add3A_462 : i32 to vector<16xi32>
    %add3A_464 = arith.addi %add3A_463, %get3A_454 : vector<16xi32>
    %gather3A_465 = tpu.vector_load_idx %arg7[%add3A_464] : memref<8192xi32, #tpu.memory_space<vmem>>[vector<16xi32>], vector<16xi32>,
    %add3A_466 = arith.addi %mul3A_461, %gather3A_465 : vector<16xi32>
    %swap3A_467 = arith.constant 96 : index
    %swap3A_468 = tpu.vector_load %arg12[%swap3A_467] {strides = array<i32>} : memref<128xi32, #tpu.memory_space<vmem>>, vector<16xi32>,
    tpu.vector_store %arg12[%swap3A_467], %add3A_466 {strides = array<i32>} : memref<128xi32, #tpu.memory_space<vmem>>, vector<16xi32>,
    %get3A_469 = arith.constant 112 : index
    %get3A_470 = tpu.vector_load %arg6[%get3A_469] {strides = array<i32>} : memref<128xi32, #tpu.memory_space<vmem>>, vector<16xi32>,
    %add3A_471 = arith.constant 112 : i32
    %add3A_472 = arith.addi %mul3A_2, %add3A_471 : i32
    %add3A_473 = vector.broadcast %add3A_472 : i32 to vector<16xi32>
    %add3A_474 = arith.addi %add3A_473, %iota3A : vector<16xi32>
    %mul3A_475 = arith.constant 1024 : i32
    %mul3A_476 = vector.broadcast %mul3A_475 : i32 to vector<16xi32>
    %mul3A_477 = arith.muli %add3A_474, %mul3A_476 : vector<16xi32>
    %add3A_478 = arith.constant 2048 : i32
    %add3A_479 = vector.broadcast %add3A_478 : i32 to vector<16xi32>
    %add3A_480 = arith.addi %add3A_479, %get3A_470 : vector<16xi32>
    %gather3A_481 = tpu.vector_load_idx %arg7[%add3A_480] : memref<8192xi32, #tpu.memory_space<vmem>>[vector<16xi32>], vector<16xi32>,
    %add3A_482 = arith.addi %mul3A_477, %gather3A_481 : vector<16xi32>
    %swap3A_483 = arith.constant 112 : index
    %swap3A_484 = tpu.vector_load %arg12[%swap3A_483] {strides = array<i32>} : memref<128xi32, #tpu.memory_space<vmem>>, vector<16xi32>,
    tpu.vector_store %arg12[%swap3A_483], %add3A_482 {strides = array<i32>} : memref<128xi32, #tpu.memory_space<vmem>>, vector<16xi32>,
    %dma_start3A_485 = arith.constant 0 : i32
    %dma_start3A_486 = tpu.memref_slice %arg2[%dma_start3A_485] : memref<4194304xf32, #tpu.memory_space<hbm>> -> memref<4194304xf32, #tpu.memory_space<hbm>>
    tpu.enqueue_indirect_dma source(%dma_start3A_486 : memref<4194304xf32, #tpu.memory_space<hbm>>) target(%arg21 : memref<128xf32, #tpu.memory_space<vmem>>) offsets(%arg12 : memref<128xi32, #tpu.memory_space<vmem>>) semaphore(%arg27 : memref<!tpu.dma_semaphore, #tpu.memory_space<semaphore_mem>>)
    %get3A_487 = arith.constant 0 : index
    %get3A_488 = tpu.vector_load %arg6[%get3A_487] {strides = array<i32>} : memref<128xi32, #tpu.memory_space<vmem>>, vector<16xi32>,
    %add3A_489 = arith.constant 0 : i32
    %add3A_490 = arith.addi %mul3A_2, %add3A_489 : i32
    %add3A_491 = vector.broadcast %add3A_490 : i32 to vector<16xi32>
    %add3A_492 = arith.addi %add3A_491, %iota3A : vector<16xi32>
    %mul3A_493 = arith.constant 1024 : i32
    %mul3A_494 = vector.broadcast %mul3A_493 : i32 to vector<16xi32>
    %mul3A_495 = arith.muli %add3A_492, %mul3A_494 : vector<16xi32>
    %add3A_496 = arith.constant 3072 : i32
    %add3A_497 = vector.broadcast %add3A_496 : i32 to vector<16xi32>
    %add3A_498 = arith.addi %add3A_497, %get3A_488 : vector<16xi32>
    %gather3A_499 = tpu.vector_load_idx %arg7[%add3A_498] : memref<8192xi32, #tpu.memory_space<vmem>>[vector<16xi32>], vector<16xi32>,
    %add3A_500 = arith.addi %mul3A_495, %gather3A_499 : vector<16xi32>
    %swap3A_501 = arith.constant 0 : index
    %swap3A_502 = tpu.vector_load %arg13[%swap3A_501] {strides = array<i32>} : memref<128xi32, #tpu.memory_space<vmem>>, vector<16xi32>,
    tpu.vector_store %arg13[%swap3A_501], %add3A_500 {strides = array<i32>} : memref<128xi32, #tpu.memory_space<vmem>>, vector<16xi32>,
    %get3A_503 = arith.constant 16 : index
    %get3A_504 = tpu.vector_load %arg6[%get3A_503] {strides = array<i32>} : memref<128xi32, #tpu.memory_space<vmem>>, vector<16xi32>,
    %add3A_505 = arith.constant 16 : i32
    %add3A_506 = arith.addi %mul3A_2, %add3A_505 : i32
    %add3A_507 = vector.broadcast %add3A_506 : i32 to vector<16xi32>
    %add3A_508 = arith.addi %add3A_507, %iota3A : vector<16xi32>
    %mul3A_509 = arith.constant 1024 : i32
    %mul3A_510 = vector.broadcast %mul3A_509 : i32 to vector<16xi32>
    %mul3A_511 = arith.muli %add3A_508, %mul3A_510 : vector<16xi32>
    %add3A_512 = arith.constant 3072 : i32
    %add3A_513 = vector.broadcast %add3A_512 : i32 to vector<16xi32>
    %add3A_514 = arith.addi %add3A_513, %get3A_504 : vector<16xi32>
    %gather3A_515 = tpu.vector_load_idx %arg7[%add3A_514] : memref<8192xi32, #tpu.memory_space<vmem>>[vector<16xi32>], vector<16xi32>,
    %add3A_516 = arith.addi %mul3A_511, %gather3A_515 : vector<16xi32>
    %swap3A_517 = arith.constant 16 : index
    %swap3A_518 = tpu.vector_load %arg13[%swap3A_517] {strides = array<i32>} : memref<128xi32, #tpu.memory_space<vmem>>, vector<16xi32>,
    tpu.vector_store %arg13[%swap3A_517], %add3A_516 {strides = array<i32>} : memref<128xi32, #tpu.memory_space<vmem>>, vector<16xi32>,
    %get3A_519 = arith.constant 32 : index
    %get3A_520 = tpu.vector_load %arg6[%get3A_519] {strides = array<i32>} : memref<128xi32, #tpu.memory_space<vmem>>, vector<16xi32>,
    %add3A_521 = arith.constant 32 : i32
    %add3A_522 = arith.addi %mul3A_2, %add3A_521 : i32
    %add3A_523 = vector.broadcast %add3A_522 : i32 to vector<16xi32>
    %add3A_524 = arith.addi %add3A_523, %iota3A : vector<16xi32>
    %mul3A_525 = arith.constant 1024 : i32
    %mul3A_526 = vector.broadcast %mul3A_525 : i32 to vector<16xi32>
    %mul3A_527 = arith.muli %add3A_524, %mul3A_526 : vector<16xi32>
    %add3A_528 = arith.constant 3072 : i32
    %add3A_529 = vector.broadcast %add3A_528 : i32 to vector<16xi32>
    %add3A_530 = arith.addi %add3A_529, %get3A_520 : vector<16xi32>
    %gather3A_531 = tpu.vector_load_idx %arg7[%add3A_530] : memref<8192xi32, #tpu.memory_space<vmem>>[vector<16xi32>], vector<16xi32>,
    %add3A_532 = arith.addi %mul3A_527, %gather3A_531 : vector<16xi32>
    %swap3A_533 = arith.constant 32 : index
    %swap3A_534 = tpu.vector_load %arg13[%swap3A_533] {strides = array<i32>} : memref<128xi32, #tpu.memory_space<vmem>>, vector<16xi32>,
    tpu.vector_store %arg13[%swap3A_533], %add3A_532 {strides = array<i32>} : memref<128xi32, #tpu.memory_space<vmem>>, vector<16xi32>,
    %get3A_535 = arith.constant 48 : index
    %get3A_536 = tpu.vector_load %arg6[%get3A_535] {strides = array<i32>} : memref<128xi32, #tpu.memory_space<vmem>>, vector<16xi32>,
    %add3A_537 = arith.constant 48 : i32
    %add3A_538 = arith.addi %mul3A_2, %add3A_537 : i32
    %add3A_539 = vector.broadcast %add3A_538 : i32 to vector<16xi32>
    %add3A_540 = arith.addi %add3A_539, %iota3A : vector<16xi32>
    %mul3A_541 = arith.constant 1024 : i32
    %mul3A_542 = vector.broadcast %mul3A_541 : i32 to vector<16xi32>
    %mul3A_543 = arith.muli %add3A_540, %mul3A_542 : vector<16xi32>
    %add3A_544 = arith.constant 3072 : i32
    %add3A_545 = vector.broadcast %add3A_544 : i32 to vector<16xi32>
    %add3A_546 = arith.addi %add3A_545, %get3A_536 : vector<16xi32>
    %gather3A_547 = tpu.vector_load_idx %arg7[%add3A_546] : memref<8192xi32, #tpu.memory_space<vmem>>[vector<16xi32>], vector<16xi32>,
    %add3A_548 = arith.addi %mul3A_543, %gather3A_547 : vector<16xi32>
    %swap3A_549 = arith.constant 48 : index
    %swap3A_550 = tpu.vector_load %arg13[%swap3A_549] {strides = array<i32>} : memref<128xi32, #tpu.memory_space<vmem>>, vector<16xi32>,
    tpu.vector_store %arg13[%swap3A_549], %add3A_548 {strides = array<i32>} : memref<128xi32, #tpu.memory_space<vmem>>, vector<16xi32>,
    %get3A_551 = arith.constant 64 : index
    %get3A_552 = tpu.vector_load %arg6[%get3A_551] {strides = array<i32>} : memref<128xi32, #tpu.memory_space<vmem>>, vector<16xi32>,
    %add3A_553 = arith.constant 64 : i32
    %add3A_554 = arith.addi %mul3A_2, %add3A_553 : i32
    %add3A_555 = vector.broadcast %add3A_554 : i32 to vector<16xi32>
    %add3A_556 = arith.addi %add3A_555, %iota3A : vector<16xi32>
    %mul3A_557 = arith.constant 1024 : i32
    %mul3A_558 = vector.broadcast %mul3A_557 : i32 to vector<16xi32>
    %mul3A_559 = arith.muli %add3A_556, %mul3A_558 : vector<16xi32>
    %add3A_560 = arith.constant 3072 : i32
    %add3A_561 = vector.broadcast %add3A_560 : i32 to vector<16xi32>
    %add3A_562 = arith.addi %add3A_561, %get3A_552 : vector<16xi32>
    %gather3A_563 = tpu.vector_load_idx %arg7[%add3A_562] : memref<8192xi32, #tpu.memory_space<vmem>>[vector<16xi32>], vector<16xi32>,
    %add3A_564 = arith.addi %mul3A_559, %gather3A_563 : vector<16xi32>
    %swap3A_565 = arith.constant 64 : index
    %swap3A_566 = tpu.vector_load %arg13[%swap3A_565] {strides = array<i32>} : memref<128xi32, #tpu.memory_space<vmem>>, vector<16xi32>,
    tpu.vector_store %arg13[%swap3A_565], %add3A_564 {strides = array<i32>} : memref<128xi32, #tpu.memory_space<vmem>>, vector<16xi32>,
    %get3A_567 = arith.constant 80 : index
    %get3A_568 = tpu.vector_load %arg6[%get3A_567] {strides = array<i32>} : memref<128xi32, #tpu.memory_space<vmem>>, vector<16xi32>,
    %add3A_569 = arith.constant 80 : i32
    %add3A_570 = arith.addi %mul3A_2, %add3A_569 : i32
    %add3A_571 = vector.broadcast %add3A_570 : i32 to vector<16xi32>
    %add3A_572 = arith.addi %add3A_571, %iota3A : vector<16xi32>
    %mul3A_573 = arith.constant 1024 : i32
    %mul3A_574 = vector.broadcast %mul3A_573 : i32 to vector<16xi32>
    %mul3A_575 = arith.muli %add3A_572, %mul3A_574 : vector<16xi32>
    %add3A_576 = arith.constant 3072 : i32
    %add3A_577 = vector.broadcast %add3A_576 : i32 to vector<16xi32>
    %add3A_578 = arith.addi %add3A_577, %get3A_568 : vector<16xi32>
    %gather3A_579 = tpu.vector_load_idx %arg7[%add3A_578] : memref<8192xi32, #tpu.memory_space<vmem>>[vector<16xi32>], vector<16xi32>,
    %add3A_580 = arith.addi %mul3A_575, %gather3A_579 : vector<16xi32>
    %swap3A_581 = arith.constant 80 : index
    %swap3A_582 = tpu.vector_load %arg13[%swap3A_581] {strides = array<i32>} : memref<128xi32, #tpu.memory_space<vmem>>, vector<16xi32>,
    tpu.vector_store %arg13[%swap3A_581], %add3A_580 {strides = array<i32>} : memref<128xi32, #tpu.memory_space<vmem>>, vector<16xi32>,
    %get3A_583 = arith.constant 96 : index
    %get3A_584 = tpu.vector_load %arg6[%get3A_583] {strides = array<i32>} : memref<128xi32, #tpu.memory_space<vmem>>, vector<16xi32>,
    %add3A_585 = arith.constant 96 : i32
    %add3A_586 = arith.addi %mul3A_2, %add3A_585 : i32
    %add3A_587 = vector.broadcast %add3A_586 : i32 to vector<16xi32>
    %add3A_588 = arith.addi %add3A_587, %iota3A : vector<16xi32>
    %mul3A_589 = arith.constant 1024 : i32
    %mul3A_590 = vector.broadcast %mul3A_589 : i32 to vector<16xi32>
    %mul3A_591 = arith.muli %add3A_588, %mul3A_590 : vector<16xi32>
    %add3A_592 = arith.constant 3072 : i32
    %add3A_593 = vector.broadcast %add3A_592 : i32 to vector<16xi32>
    %add3A_594 = arith.addi %add3A_593, %get3A_584 : vector<16xi32>
    %gather3A_595 = tpu.vector_load_idx %arg7[%add3A_594] : memref<8192xi32, #tpu.memory_space<vmem>>[vector<16xi32>], vector<16xi32>,
    %add3A_596 = arith.addi %mul3A_591, %gather3A_595 : vector<16xi32>
    %swap3A_597 = arith.constant 96 : index
    %swap3A_598 = tpu.vector_load %arg13[%swap3A_597] {strides = array<i32>} : memref<128xi32, #tpu.memory_space<vmem>>, vector<16xi32>,
    tpu.vector_store %arg13[%swap3A_597], %add3A_596 {strides = array<i32>} : memref<128xi32, #tpu.memory_space<vmem>>, vector<16xi32>,
    %get3A_599 = arith.constant 112 : index
    %get3A_600 = tpu.vector_load %arg6[%get3A_599] {strides = array<i32>} : memref<128xi32, #tpu.memory_space<vmem>>, vector<16xi32>,
    %add3A_601 = arith.constant 112 : i32
    %add3A_602 = arith.addi %mul3A_2, %add3A_601 : i32
    %add3A_603 = vector.broadcast %add3A_602 : i32 to vector<16xi32>
    %add3A_604 = arith.addi %add3A_603, %iota3A : vector<16xi32>
    %mul3A_605 = arith.constant 1024 : i32
    %mul3A_606 = vector.broadcast %mul3A_605 : i32 to vector<16xi32>
    %mul3A_607 = arith.muli %add3A_604, %mul3A_606 : vector<16xi32>
    %add3A_608 = arith.constant 3072 : i32
    %add3A_609 = vector.broadcast %add3A_608 : i32 to vector<16xi32>
    %add3A_610 = arith.addi %add3A_609, %get3A_600 : vector<16xi32>
    %gather3A_611 = tpu.vector_load_idx %arg7[%add3A_610] : memref<8192xi32, #tpu.memory_space<vmem>>[vector<16xi32>], vector<16xi32>,
    %add3A_612 = arith.addi %mul3A_607, %gather3A_611 : vector<16xi32>
    %swap3A_613 = arith.constant 112 : index
    %swap3A_614 = tpu.vector_load %arg13[%swap3A_613] {strides = array<i32>} : memref<128xi32, #tpu.memory_space<vmem>>, vector<16xi32>,
    tpu.vector_store %arg13[%swap3A_613], %add3A_612 {strides = array<i32>} : memref<128xi32, #tpu.memory_space<vmem>>, vector<16xi32>,
    %dma_start3A_615 = arith.constant 0 : i32
    %dma_start3A_616 = tpu.memref_slice %arg2[%dma_start3A_615] : memref<4194304xf32, #tpu.memory_space<hbm>> -> memref<4194304xf32, #tpu.memory_space<hbm>>
    tpu.enqueue_indirect_dma source(%dma_start3A_616 : memref<4194304xf32, #tpu.memory_space<hbm>>) target(%arg22 : memref<128xf32, #tpu.memory_space<vmem>>) offsets(%arg13 : memref<128xi32, #tpu.memory_space<vmem>>) semaphore(%arg27 : memref<!tpu.dma_semaphore, #tpu.memory_space<semaphore_mem>>)
    %get3A_617 = arith.constant 0 : index
    %get3A_618 = tpu.vector_load %arg6[%get3A_617] {strides = array<i32>} : memref<128xi32, #tpu.memory_space<vmem>>, vector<16xi32>,
    %add3A_619 = arith.constant 0 : i32
    %add3A_620 = arith.addi %mul3A_2, %add3A_619 : i32
    %add3A_621 = vector.broadcast %add3A_620 : i32 to vector<16xi32>
    %add3A_622 = arith.addi %add3A_621, %iota3A : vector<16xi32>
    %mul3A_623 = arith.constant 1024 : i32
    %mul3A_624 = vector.broadcast %mul3A_623 : i32 to vector<16xi32>
    %mul3A_625 = arith.muli %add3A_622, %mul3A_624 : vector<16xi32>
    %add3A_626 = arith.constant 4096 : i32
    %add3A_627 = vector.broadcast %add3A_626 : i32 to vector<16xi32>
    %add3A_628 = arith.addi %add3A_627, %get3A_618 : vector<16xi32>
    %gather3A_629 = tpu.vector_load_idx %arg7[%add3A_628] : memref<8192xi32, #tpu.memory_space<vmem>>[vector<16xi32>], vector<16xi32>,
    %add3A_630 = arith.addi %mul3A_625, %gather3A_629 : vector<16xi32>
    %swap3A_631 = arith.constant 0 : index
    %swap3A_632 = tpu.vector_load %arg14[%swap3A_631] {strides = array<i32>} : memref<128xi32, #tpu.memory_space<vmem>>, vector<16xi32>,
    tpu.vector_store %arg14[%swap3A_631], %add3A_630 {strides = array<i32>} : memref<128xi32, #tpu.memory_space<vmem>>, vector<16xi32>,
    %get3A_633 = arith.constant 16 : index
    %get3A_634 = tpu.vector_load %arg6[%get3A_633] {strides = array<i32>} : memref<128xi32, #tpu.memory_space<vmem>>, vector<16xi32>,
    %add3A_635 = arith.constant 16 : i32
    %add3A_636 = arith.addi %mul3A_2, %add3A_635 : i32
    %add3A_637 = vector.broadcast %add3A_636 : i32 to vector<16xi32>
    %add3A_638 = arith.addi %add3A_637, %iota3A : vector<16xi32>
    %mul3A_639 = arith.constant 1024 : i32
    %mul3A_640 = vector.broadcast %mul3A_639 : i32 to vector<16xi32>
    %mul3A_641 = arith.muli %add3A_638, %mul3A_640 : vector<16xi32>
    %add3A_642 = arith.constant 4096 : i32
    %add3A_643 = vector.broadcast %add3A_642 : i32 to vector<16xi32>
    %add3A_644 = arith.addi %add3A_643, %get3A_634 : vector<16xi32>
    %gather3A_645 = tpu.vector_load_idx %arg7[%add3A_644] : memref<8192xi32, #tpu.memory_space<vmem>>[vector<16xi32>], vector<16xi32>,
    %add3A_646 = arith.addi %mul3A_641, %gather3A_645 : vector<16xi32>
    %swap3A_647 = arith.constant 16 : index
    %swap3A_648 = tpu.vector_load %arg14[%swap3A_647] {strides = array<i32>} : memref<128xi32, #tpu.memory_space<vmem>>, vector<16xi32>,
    tpu.vector_store %arg14[%swap3A_647], %add3A_646 {strides = array<i32>} : memref<128xi32, #tpu.memory_space<vmem>>, vector<16xi32>,
    %get3A_649 = arith.constant 32 : index
    %get3A_650 = tpu.vector_load %arg6[%get3A_649] {strides = array<i32>} : memref<128xi32, #tpu.memory_space<vmem>>, vector<16xi32>,
    %add3A_651 = arith.constant 32 : i32
    %add3A_652 = arith.addi %mul3A_2, %add3A_651 : i32
    %add3A_653 = vector.broadcast %add3A_652 : i32 to vector<16xi32>
    %add3A_654 = arith.addi %add3A_653, %iota3A : vector<16xi32>
    %mul3A_655 = arith.constant 1024 : i32
    %mul3A_656 = vector.broadcast %mul3A_655 : i32 to vector<16xi32>
    %mul3A_657 = arith.muli %add3A_654, %mul3A_656 : vector<16xi32>
    %add3A_658 = arith.constant 4096 : i32
    %add3A_659 = vector.broadcast %add3A_658 : i32 to vector<16xi32>
    %add3A_660 = arith.addi %add3A_659, %get3A_650 : vector<16xi32>
    %gather3A_661 = tpu.vector_load_idx %arg7[%add3A_660] : memref<8192xi32, #tpu.memory_space<vmem>>[vector<16xi32>], vector<16xi32>,
    %add3A_662 = arith.addi %mul3A_657, %gather3A_661 : vector<16xi32>
    %swap3A_663 = arith.constant 32 : index
    %swap3A_664 = tpu.vector_load %arg14[%swap3A_663] {strides = array<i32>} : memref<128xi32, #tpu.memory_space<vmem>>, vector<16xi32>,
    tpu.vector_store %arg14[%swap3A_663], %add3A_662 {strides = array<i32>} : memref<128xi32, #tpu.memory_space<vmem>>, vector<16xi32>,
    %get3A_665 = arith.constant 48 : index
    %get3A_666 = tpu.vector_load %arg6[%get3A_665] {strides = array<i32>} : memref<128xi32, #tpu.memory_space<vmem>>, vector<16xi32>,
    %add3A_667 = arith.constant 48 : i32
    %add3A_668 = arith.addi %mul3A_2, %add3A_667 : i32
    %add3A_669 = vector.broadcast %add3A_668 : i32 to vector<16xi32>
    %add3A_670 = arith.addi %add3A_669, %iota3A : vector<16xi32>
    %mul3A_671 = arith.constant 1024 : i32
    %mul3A_672 = vector.broadcast %mul3A_671 : i32 to vector<16xi32>
    %mul3A_673 = arith.muli %add3A_670, %mul3A_672 : vector<16xi32>
    %add3A_674 = arith.constant 4096 : i32
    %add3A_675 = vector.broadcast %add3A_674 : i32 to vector<16xi32>
    %add3A_676 = arith.addi %add3A_675, %get3A_666 : vector<16xi32>
    %gather3A_677 = tpu.vector_load_idx %arg7[%add3A_676] : memref<8192xi32, #tpu.memory_space<vmem>>[vector<16xi32>], vector<16xi32>,
    %add3A_678 = arith.addi %mul3A_673, %gather3A_677 : vector<16xi32>
    %swap3A_679 = arith.constant 48 : index
    %swap3A_680 = tpu.vector_load %arg14[%swap3A_679] {strides = array<i32>} : memref<128xi32, #tpu.memory_space<vmem>>, vector<16xi32>,
    tpu.vector_store %arg14[%swap3A_679], %add3A_678 {strides = array<i32>} : memref<128xi32, #tpu.memory_space<vmem>>, vector<16xi32>,
    %get3A_681 = arith.constant 64 : index
    %get3A_682 = tpu.vector_load %arg6[%get3A_681] {strides = array<i32>} : memref<128xi32, #tpu.memory_space<vmem>>, vector<16xi32>,
    %add3A_683 = arith.constant 64 : i32
    %add3A_684 = arith.addi %mul3A_2, %add3A_683 : i32
    %add3A_685 = vector.broadcast %add3A_684 : i32 to vector<16xi32>
    %add3A_686 = arith.addi %add3A_685, %iota3A : vector<16xi32>
    %mul3A_687 = arith.constant 1024 : i32
    %mul3A_688 = vector.broadcast %mul3A_687 : i32 to vector<16xi32>
    %mul3A_689 = arith.muli %add3A_686, %mul3A_688 : vector<16xi32>
    %add3A_690 = arith.constant 4096 : i32
    %add3A_691 = vector.broadcast %add3A_690 : i32 to vector<16xi32>
    %add3A_692 = arith.addi %add3A_691, %get3A_682 : vector<16xi32>
    %gather3A_693 = tpu.vector_load_idx %arg7[%add3A_692] : memref<8192xi32, #tpu.memory_space<vmem>>[vector<16xi32>], vector<16xi32>,
    %add3A_694 = arith.addi %mul3A_689, %gather3A_693 : vector<16xi32>
    %swap3A_695 = arith.constant 64 : index
    %swap3A_696 = tpu.vector_load %arg14[%swap3A_695] {strides = array<i32>} : memref<128xi32, #tpu.memory_space<vmem>>, vector<16xi32>,
    tpu.vector_store %arg14[%swap3A_695], %add3A_694 {strides = array<i32>} : memref<128xi32, #tpu.memory_space<vmem>>, vector<16xi32>,
    %get3A_697 = arith.constant 80 : index
    %get3A_698 = tpu.vector_load %arg6[%get3A_697] {strides = array<i32>} : memref<128xi32, #tpu.memory_space<vmem>>, vector<16xi32>,
    %add3A_699 = arith.constant 80 : i32
    %add3A_700 = arith.addi %mul3A_2, %add3A_699 : i32
    %add3A_701 = vector.broadcast %add3A_700 : i32 to vector<16xi32>
    %add3A_702 = arith.addi %add3A_701, %iota3A : vector<16xi32>
    %mul3A_703 = arith.constant 1024 : i32
    %mul3A_704 = vector.broadcast %mul3A_703 : i32 to vector<16xi32>
    %mul3A_705 = arith.muli %add3A_702, %mul3A_704 : vector<16xi32>
    %add3A_706 = arith.constant 4096 : i32
    %add3A_707 = vector.broadcast %add3A_706 : i32 to vector<16xi32>
    %add3A_708 = arith.addi %add3A_707, %get3A_698 : vector<16xi32>
    %gather3A_709 = tpu.vector_load_idx %arg7[%add3A_708] : memref<8192xi32, #tpu.memory_space<vmem>>[vector<16xi32>], vector<16xi32>,
    %add3A_710 = arith.addi %mul3A_705, %gather3A_709 : vector<16xi32>
    %swap3A_711 = arith.constant 80 : index
    %swap3A_712 = tpu.vector_load %arg14[%swap3A_711] {strides = array<i32>} : memref<128xi32, #tpu.memory_space<vmem>>, vector<16xi32>,
    tpu.vector_store %arg14[%swap3A_711], %add3A_710 {strides = array<i32>} : memref<128xi32, #tpu.memory_space<vmem>>, vector<16xi32>,
    %get3A_713 = arith.constant 96 : index
    %get3A_714 = tpu.vector_load %arg6[%get3A_713] {strides = array<i32>} : memref<128xi32, #tpu.memory_space<vmem>>, vector<16xi32>,
    %add3A_715 = arith.constant 96 : i32
    %add3A_716 = arith.addi %mul3A_2, %add3A_715 : i32
    %add3A_717 = vector.broadcast %add3A_716 : i32 to vector<16xi32>
    %add3A_718 = arith.addi %add3A_717, %iota3A : vector<16xi32>
    %mul3A_719 = arith.constant 1024 : i32
    %mul3A_720 = vector.broadcast %mul3A_719 : i32 to vector<16xi32>
    %mul3A_721 = arith.muli %add3A_718, %mul3A_720 : vector<16xi32>
    %add3A_722 = arith.constant 4096 : i32
    %add3A_723 = vector.broadcast %add3A_722 : i32 to vector<16xi32>
    %add3A_724 = arith.addi %add3A_723, %get3A_714 : vector<16xi32>
    %gather3A_725 = tpu.vector_load_idx %arg7[%add3A_724] : memref<8192xi32, #tpu.memory_space<vmem>>[vector<16xi32>], vector<16xi32>,
    %add3A_726 = arith.addi %mul3A_721, %gather3A_725 : vector<16xi32>
    %swap3A_727 = arith.constant 96 : index
    %swap3A_728 = tpu.vector_load %arg14[%swap3A_727] {strides = array<i32>} : memref<128xi32, #tpu.memory_space<vmem>>, vector<16xi32>,
    tpu.vector_store %arg14[%swap3A_727], %add3A_726 {strides = array<i32>} : memref<128xi32, #tpu.memory_space<vmem>>, vector<16xi32>,
    %get3A_729 = arith.constant 112 : index
    %get3A_730 = tpu.vector_load %arg6[%get3A_729] {strides = array<i32>} : memref<128xi32, #tpu.memory_space<vmem>>, vector<16xi32>,
    %add3A_731 = arith.constant 112 : i32
    %add3A_732 = arith.addi %mul3A_2, %add3A_731 : i32
    %add3A_733 = vector.broadcast %add3A_732 : i32 to vector<16xi32>
    %add3A_734 = arith.addi %add3A_733, %iota3A : vector<16xi32>
    %mul3A_735 = arith.constant 1024 : i32
    %mul3A_736 = vector.broadcast %mul3A_735 : i32 to vector<16xi32>
    %mul3A_737 = arith.muli %add3A_734, %mul3A_736 : vector<16xi32>
    %add3A_738 = arith.constant 4096 : i32
    %add3A_739 = vector.broadcast %add3A_738 : i32 to vector<16xi32>
    %add3A_740 = arith.addi %add3A_739, %get3A_730 : vector<16xi32>
    %gather3A_741 = tpu.vector_load_idx %arg7[%add3A_740] : memref<8192xi32, #tpu.memory_space<vmem>>[vector<16xi32>], vector<16xi32>,
    %add3A_742 = arith.addi %mul3A_737, %gather3A_741 : vector<16xi32>
    %swap3A_743 = arith.constant 112 : index
    %swap3A_744 = tpu.vector_load %arg14[%swap3A_743] {strides = array<i32>} : memref<128xi32, #tpu.memory_space<vmem>>, vector<16xi32>,
    tpu.vector_store %arg14[%swap3A_743], %add3A_742 {strides = array<i32>} : memref<128xi32, #tpu.memory_space<vmem>>, vector<16xi32>,
    %dma_start3A_745 = arith.constant 0 : i32
    %dma_start3A_746 = tpu.memref_slice %arg2[%dma_start3A_745] : memref<4194304xf32, #tpu.memory_space<hbm>> -> memref<4194304xf32, #tpu.memory_space<hbm>>
    tpu.enqueue_indirect_dma source(%dma_start3A_746 : memref<4194304xf32, #tpu.memory_space<hbm>>) target(%arg23 : memref<128xf32, #tpu.memory_space<vmem>>) offsets(%arg14 : memref<128xi32, #tpu.memory_space<vmem>>) semaphore(%arg27 : memref<!tpu.dma_semaphore, #tpu.memory_space<semaphore_mem>>)
    %get3A_747 = arith.constant 0 : index
    %get3A_748 = tpu.vector_load %arg6[%get3A_747] {strides = array<i32>} : memref<128xi32, #tpu.memory_space<vmem>>, vector<16xi32>,
    %add3A_749 = arith.constant 0 : i32
    %add3A_750 = arith.addi %mul3A_2, %add3A_749 : i32
    %add3A_751 = vector.broadcast %add3A_750 : i32 to vector<16xi32>
    %add3A_752 = arith.addi %add3A_751, %iota3A : vector<16xi32>
    %mul3A_753 = arith.constant 1024 : i32
    %mul3A_754 = vector.broadcast %mul3A_753 : i32 to vector<16xi32>
    %mul3A_755 = arith.muli %add3A_752, %mul3A_754 : vector<16xi32>
    %add3A_756 = arith.constant 5120 : i32
    %add3A_757 = vector.broadcast %add3A_756 : i32 to vector<16xi32>
    %add3A_758 = arith.addi %add3A_757, %get3A_748 : vector<16xi32>
    %gather3A_759 = tpu.vector_load_idx %arg7[%add3A_758] : memref<8192xi32, #tpu.memory_space<vmem>>[vector<16xi32>], vector<16xi32>,
    %add3A_760 = arith.addi %mul3A_755, %gather3A_759 : vector<16xi32>
    %swap3A_761 = arith.constant 0 : index
    %swap3A_762 = tpu.vector_load %arg15[%swap3A_761] {strides = array<i32>} : memref<128xi32, #tpu.memory_space<vmem>>, vector<16xi32>,
    tpu.vector_store %arg15[%swap3A_761], %add3A_760 {strides = array<i32>} : memref<128xi32, #tpu.memory_space<vmem>>, vector<16xi32>,
    %get3A_763 = arith.constant 16 : index
    %get3A_764 = tpu.vector_load %arg6[%get3A_763] {strides = array<i32>} : memref<128xi32, #tpu.memory_space<vmem>>, vector<16xi32>,
    %add3A_765 = arith.constant 16 : i32
    %add3A_766 = arith.addi %mul3A_2, %add3A_765 : i32
    %add3A_767 = vector.broadcast %add3A_766 : i32 to vector<16xi32>
    %add3A_768 = arith.addi %add3A_767, %iota3A : vector<16xi32>
    %mul3A_769 = arith.constant 1024 : i32
    %mul3A_770 = vector.broadcast %mul3A_769 : i32 to vector<16xi32>
    %mul3A_771 = arith.muli %add3A_768, %mul3A_770 : vector<16xi32>
    %add3A_772 = arith.constant 5120 : i32
    %add3A_773 = vector.broadcast %add3A_772 : i32 to vector<16xi32>
    %add3A_774 = arith.addi %add3A_773, %get3A_764 : vector<16xi32>
    %gather3A_775 = tpu.vector_load_idx %arg7[%add3A_774] : memref<8192xi32, #tpu.memory_space<vmem>>[vector<16xi32>], vector<16xi32>,
    %add3A_776 = arith.addi %mul3A_771, %gather3A_775 : vector<16xi32>
    %swap3A_777 = arith.constant 16 : index
    %swap3A_778 = tpu.vector_load %arg15[%swap3A_777] {strides = array<i32>} : memref<128xi32, #tpu.memory_space<vmem>>, vector<16xi32>,
    tpu.vector_store %arg15[%swap3A_777], %add3A_776 {strides = array<i32>} : memref<128xi32, #tpu.memory_space<vmem>>, vector<16xi32>,
    %get3A_779 = arith.constant 32 : index
    %get3A_780 = tpu.vector_load %arg6[%get3A_779] {strides = array<i32>} : memref<128xi32, #tpu.memory_space<vmem>>, vector<16xi32>,
    %add3A_781 = arith.constant 32 : i32
    %add3A_782 = arith.addi %mul3A_2, %add3A_781 : i32
    %add3A_783 = vector.broadcast %add3A_782 : i32 to vector<16xi32>
    %add3A_784 = arith.addi %add3A_783, %iota3A : vector<16xi32>
    %mul3A_785 = arith.constant 1024 : i32
    %mul3A_786 = vector.broadcast %mul3A_785 : i32 to vector<16xi32>
    %mul3A_787 = arith.muli %add3A_784, %mul3A_786 : vector<16xi32>
    %add3A_788 = arith.constant 5120 : i32
    %add3A_789 = vector.broadcast %add3A_788 : i32 to vector<16xi32>
    %add3A_790 = arith.addi %add3A_789, %get3A_780 : vector<16xi32>
    %gather3A_791 = tpu.vector_load_idx %arg7[%add3A_790] : memref<8192xi32, #tpu.memory_space<vmem>>[vector<16xi32>], vector<16xi32>,
    %add3A_792 = arith.addi %mul3A_787, %gather3A_791 : vector<16xi32>
    %swap3A_793 = arith.constant 32 : index
    %swap3A_794 = tpu.vector_load %arg15[%swap3A_793] {strides = array<i32>} : memref<128xi32, #tpu.memory_space<vmem>>, vector<16xi32>,
    tpu.vector_store %arg15[%swap3A_793], %add3A_792 {strides = array<i32>} : memref<128xi32, #tpu.memory_space<vmem>>, vector<16xi32>,
    %get3A_795 = arith.constant 48 : index
    %get3A_796 = tpu.vector_load %arg6[%get3A_795] {strides = array<i32>} : memref<128xi32, #tpu.memory_space<vmem>>, vector<16xi32>,
    %add3A_797 = arith.constant 48 : i32
    %add3A_798 = arith.addi %mul3A_2, %add3A_797 : i32
    %add3A_799 = vector.broadcast %add3A_798 : i32 to vector<16xi32>
    %add3A_800 = arith.addi %add3A_799, %iota3A : vector<16xi32>
    %mul3A_801 = arith.constant 1024 : i32
    %mul3A_802 = vector.broadcast %mul3A_801 : i32 to vector<16xi32>
    %mul3A_803 = arith.muli %add3A_800, %mul3A_802 : vector<16xi32>
    %add3A_804 = arith.constant 5120 : i32
    %add3A_805 = vector.broadcast %add3A_804 : i32 to vector<16xi32>
    %add3A_806 = arith.addi %add3A_805, %get3A_796 : vector<16xi32>
    %gather3A_807 = tpu.vector_load_idx %arg7[%add3A_806] : memref<8192xi32, #tpu.memory_space<vmem>>[vector<16xi32>], vector<16xi32>,
    %add3A_808 = arith.addi %mul3A_803, %gather3A_807 : vector<16xi32>
    %swap3A_809 = arith.constant 48 : index
    %swap3A_810 = tpu.vector_load %arg15[%swap3A_809] {strides = array<i32>} : memref<128xi32, #tpu.memory_space<vmem>>, vector<16xi32>,
    tpu.vector_store %arg15[%swap3A_809], %add3A_808 {strides = array<i32>} : memref<128xi32, #tpu.memory_space<vmem>>, vector<16xi32>,
    %get3A_811 = arith.constant 64 : index
    %get3A_812 = tpu.vector_load %arg6[%get3A_811] {strides = array<i32>} : memref<128xi32, #tpu.memory_space<vmem>>, vector<16xi32>,
    %add3A_813 = arith.constant 64 : i32
    %add3A_814 = arith.addi %mul3A_2, %add3A_813 : i32
    %add3A_815 = vector.broadcast %add3A_814 : i32 to vector<16xi32>
    %add3A_816 = arith.addi %add3A_815, %iota3A : vector<16xi32>
    %mul3A_817 = arith.constant 1024 : i32
    %mul3A_818 = vector.broadcast %mul3A_817 : i32 to vector<16xi32>
    %mul3A_819 = arith.muli %add3A_816, %mul3A_818 : vector<16xi32>
    %add3A_820 = arith.constant 5120 : i32
    %add3A_821 = vector.broadcast %add3A_820 : i32 to vector<16xi32>
    %add3A_822 = arith.addi %add3A_821, %get3A_812 : vector<16xi32>
    %gather3A_823 = tpu.vector_load_idx %arg7[%add3A_822] : memref<8192xi32, #tpu.memory_space<vmem>>[vector<16xi32>], vector<16xi32>,
    %add3A_824 = arith.addi %mul3A_819, %gather3A_823 : vector<16xi32>
    %swap3A_825 = arith.constant 64 : index
    %swap3A_826 = tpu.vector_load %arg15[%swap3A_825] {strides = array<i32>} : memref<128xi32, #tpu.memory_space<vmem>>, vector<16xi32>,
    tpu.vector_store %arg15[%swap3A_825], %add3A_824 {strides = array<i32>} : memref<128xi32, #tpu.memory_space<vmem>>, vector<16xi32>,
    %get3A_827 = arith.constant 80 : index
    %get3A_828 = tpu.vector_load %arg6[%get3A_827] {strides = array<i32>} : memref<128xi32, #tpu.memory_space<vmem>>, vector<16xi32>,
    %add3A_829 = arith.constant 80 : i32
    %add3A_830 = arith.addi %mul3A_2, %add3A_829 : i32
    %add3A_831 = vector.broadcast %add3A_830 : i32 to vector<16xi32>
    %add3A_832 = arith.addi %add3A_831, %iota3A : vector<16xi32>
    %mul3A_833 = arith.constant 1024 : i32
    %mul3A_834 = vector.broadcast %mul3A_833 : i32 to vector<16xi32>
    %mul3A_835 = arith.muli %add3A_832, %mul3A_834 : vector<16xi32>
    %add3A_836 = arith.constant 5120 : i32
    %add3A_837 = vector.broadcast %add3A_836 : i32 to vector<16xi32>
    %add3A_838 = arith.addi %add3A_837, %get3A_828 : vector<16xi32>
    %gather3A_839 = tpu.vector_load_idx %arg7[%add3A_838] : memref<8192xi32, #tpu.memory_space<vmem>>[vector<16xi32>], vector<16xi32>,
    %add3A_840 = arith.addi %mul3A_835, %gather3A_839 : vector<16xi32>
    %swap3A_841 = arith.constant 80 : index
    %swap3A_842 = tpu.vector_load %arg15[%swap3A_841] {strides = array<i32>} : memref<128xi32, #tpu.memory_space<vmem>>, vector<16xi32>,
    tpu.vector_store %arg15[%swap3A_841], %add3A_840 {strides = array<i32>} : memref<128xi32, #tpu.memory_space<vmem>>, vector<16xi32>,
    %get3A_843 = arith.constant 96 : index
    %get3A_844 = tpu.vector_load %arg6[%get3A_843] {strides = array<i32>} : memref<128xi32, #tpu.memory_space<vmem>>, vector<16xi32>,
    %add3A_845 = arith.constant 96 : i32
    %add3A_846 = arith.addi %mul3A_2, %add3A_845 : i32
    %add3A_847 = vector.broadcast %add3A_846 : i32 to vector<16xi32>
    %add3A_848 = arith.addi %add3A_847, %iota3A : vector<16xi32>
    %mul3A_849 = arith.constant 1024 : i32
    %mul3A_850 = vector.broadcast %mul3A_849 : i32 to vector<16xi32>
    %mul3A_851 = arith.muli %add3A_848, %mul3A_850 : vector<16xi32>
    %add3A_852 = arith.constant 5120 : i32
    %add3A_853 = vector.broadcast %add3A_852 : i32 to vector<16xi32>
    %add3A_854 = arith.addi %add3A_853, %get3A_844 : vector<16xi32>
    %gather3A_855 = tpu.vector_load_idx %arg7[%add3A_854] : memref<8192xi32, #tpu.memory_space<vmem>>[vector<16xi32>], vector<16xi32>,
    %add3A_856 = arith.addi %mul3A_851, %gather3A_855 : vector<16xi32>
    %swap3A_857 = arith.constant 96 : index
    %swap3A_858 = tpu.vector_load %arg15[%swap3A_857] {strides = array<i32>} : memref<128xi32, #tpu.memory_space<vmem>>, vector<16xi32>,
    tpu.vector_store %arg15[%swap3A_857], %add3A_856 {strides = array<i32>} : memref<128xi32, #tpu.memory_space<vmem>>, vector<16xi32>,
    %get3A_859 = arith.constant 112 : index
    %get3A_860 = tpu.vector_load %arg6[%get3A_859] {strides = array<i32>} : memref<128xi32, #tpu.memory_space<vmem>>, vector<16xi32>,
    %add3A_861 = arith.constant 112 : i32
    %add3A_862 = arith.addi %mul3A_2, %add3A_861 : i32
    %add3A_863 = vector.broadcast %add3A_862 : i32 to vector<16xi32>
    %add3A_864 = arith.addi %add3A_863, %iota3A : vector<16xi32>
    %mul3A_865 = arith.constant 1024 : i32
    %mul3A_866 = vector.broadcast %mul3A_865 : i32 to vector<16xi32>
    %mul3A_867 = arith.muli %add3A_864, %mul3A_866 : vector<16xi32>
    %add3A_868 = arith.constant 5120 : i32
    %add3A_869 = vector.broadcast %add3A_868 : i32 to vector<16xi32>
    %add3A_870 = arith.addi %add3A_869, %get3A_860 : vector<16xi32>
    %gather3A_871 = tpu.vector_load_idx %arg7[%add3A_870] : memref<8192xi32, #tpu.memory_space<vmem>>[vector<16xi32>], vector<16xi32>,
    %add3A_872 = arith.addi %mul3A_867, %gather3A_871 : vector<16xi32>
    %swap3A_873 = arith.constant 112 : index
    %swap3A_874 = tpu.vector_load %arg15[%swap3A_873] {strides = array<i32>} : memref<128xi32, #tpu.memory_space<vmem>>, vector<16xi32>,
    tpu.vector_store %arg15[%swap3A_873], %add3A_872 {strides = array<i32>} : memref<128xi32, #tpu.memory_space<vmem>>, vector<16xi32>,
    %dma_start3A_875 = arith.constant 0 : i32
    %dma_start3A_876 = tpu.memref_slice %arg2[%dma_start3A_875] : memref<4194304xf32, #tpu.memory_space<hbm>> -> memref<4194304xf32, #tpu.memory_space<hbm>>
    tpu.enqueue_indirect_dma source(%dma_start3A_876 : memref<4194304xf32, #tpu.memory_space<hbm>>) target(%arg24 : memref<128xf32, #tpu.memory_space<vmem>>) offsets(%arg15 : memref<128xi32, #tpu.memory_space<vmem>>) semaphore(%arg27 : memref<!tpu.dma_semaphore, #tpu.memory_space<semaphore_mem>>)
    %get3A_877 = arith.constant 0 : index
    %get3A_878 = tpu.vector_load %arg6[%get3A_877] {strides = array<i32>} : memref<128xi32, #tpu.memory_space<vmem>>, vector<16xi32>,
    %add3A_879 = arith.constant 0 : i32
    %add3A_880 = arith.addi %mul3A_2, %add3A_879 : i32
    %add3A_881 = vector.broadcast %add3A_880 : i32 to vector<16xi32>
    %add3A_882 = arith.addi %add3A_881, %iota3A : vector<16xi32>
    %mul3A_883 = arith.constant 1024 : i32
    %mul3A_884 = vector.broadcast %mul3A_883 : i32 to vector<16xi32>
    %mul3A_885 = arith.muli %add3A_882, %mul3A_884 : vector<16xi32>
    %add3A_886 = arith.constant 6144 : i32
    %add3A_887 = vector.broadcast %add3A_886 : i32 to vector<16xi32>
    %add3A_888 = arith.addi %add3A_887, %get3A_878 : vector<16xi32>
    %gather3A_889 = tpu.vector_load_idx %arg7[%add3A_888] : memref<8192xi32, #tpu.memory_space<vmem>>[vector<16xi32>], vector<16xi32>,
    %add3A_890 = arith.addi %mul3A_885, %gather3A_889 : vector<16xi32>
    %swap3A_891 = arith.constant 0 : index
    %swap3A_892 = tpu.vector_load %arg16[%swap3A_891] {strides = array<i32>} : memref<128xi32, #tpu.memory_space<vmem>>, vector<16xi32>,
    tpu.vector_store %arg16[%swap3A_891], %add3A_890 {strides = array<i32>} : memref<128xi32, #tpu.memory_space<vmem>>, vector<16xi32>,
    %get3A_893 = arith.constant 16 : index
    %get3A_894 = tpu.vector_load %arg6[%get3A_893] {strides = array<i32>} : memref<128xi32, #tpu.memory_space<vmem>>, vector<16xi32>,
    %add3A_895 = arith.constant 16 : i32
    %add3A_896 = arith.addi %mul3A_2, %add3A_895 : i32
    %add3A_897 = vector.broadcast %add3A_896 : i32 to vector<16xi32>
    %add3A_898 = arith.addi %add3A_897, %iota3A : vector<16xi32>
    %mul3A_899 = arith.constant 1024 : i32
    %mul3A_900 = vector.broadcast %mul3A_899 : i32 to vector<16xi32>
    %mul3A_901 = arith.muli %add3A_898, %mul3A_900 : vector<16xi32>
    %add3A_902 = arith.constant 6144 : i32
    %add3A_903 = vector.broadcast %add3A_902 : i32 to vector<16xi32>
    %add3A_904 = arith.addi %add3A_903, %get3A_894 : vector<16xi32>
    %gather3A_905 = tpu.vector_load_idx %arg7[%add3A_904] : memref<8192xi32, #tpu.memory_space<vmem>>[vector<16xi32>], vector<16xi32>,
    %add3A_906 = arith.addi %mul3A_901, %gather3A_905 : vector<16xi32>
    %swap3A_907 = arith.constant 16 : index
    %swap3A_908 = tpu.vector_load %arg16[%swap3A_907] {strides = array<i32>} : memref<128xi32, #tpu.memory_space<vmem>>, vector<16xi32>,
    tpu.vector_store %arg16[%swap3A_907], %add3A_906 {strides = array<i32>} : memref<128xi32, #tpu.memory_space<vmem>>, vector<16xi32>,
    %get3A_909 = arith.constant 32 : index
    %get3A_910 = tpu.vector_load %arg6[%get3A_909] {strides = array<i32>} : memref<128xi32, #tpu.memory_space<vmem>>, vector<16xi32>,
    %add3A_911 = arith.constant 32 : i32
    %add3A_912 = arith.addi %mul3A_2, %add3A_911 : i32
    %add3A_913 = vector.broadcast %add3A_912 : i32 to vector<16xi32>
    %add3A_914 = arith.addi %add3A_913, %iota3A : vector<16xi32>
    %mul3A_915 = arith.constant 1024 : i32
    %mul3A_916 = vector.broadcast %mul3A_915 : i32 to vector<16xi32>
    %mul3A_917 = arith.muli %add3A_914, %mul3A_916 : vector<16xi32>
    %add3A_918 = arith.constant 6144 : i32
    %add3A_919 = vector.broadcast %add3A_918 : i32 to vector<16xi32>
    %add3A_920 = arith.addi %add3A_919, %get3A_910 : vector<16xi32>
    %gather3A_921 = tpu.vector_load_idx %arg7[%add3A_920] : memref<8192xi32, #tpu.memory_space<vmem>>[vector<16xi32>], vector<16xi32>,
    %add3A_922 = arith.addi %mul3A_917, %gather3A_921 : vector<16xi32>
    %swap3A_923 = arith.constant 32 : index
    %swap3A_924 = tpu.vector_load %arg16[%swap3A_923] {strides = array<i32>} : memref<128xi32, #tpu.memory_space<vmem>>, vector<16xi32>,
    tpu.vector_store %arg16[%swap3A_923], %add3A_922 {strides = array<i32>} : memref<128xi32, #tpu.memory_space<vmem>>, vector<16xi32>,
    %get3A_925 = arith.constant 48 : index
    %get3A_926 = tpu.vector_load %arg6[%get3A_925] {strides = array<i32>} : memref<128xi32, #tpu.memory_space<vmem>>, vector<16xi32>,
    %add3A_927 = arith.constant 48 : i32
    %add3A_928 = arith.addi %mul3A_2, %add3A_927 : i32
    %add3A_929 = vector.broadcast %add3A_928 : i32 to vector<16xi32>
    %add3A_930 = arith.addi %add3A_929, %iota3A : vector<16xi32>
    %mul3A_931 = arith.constant 1024 : i32
    %mul3A_932 = vector.broadcast %mul3A_931 : i32 to vector<16xi32>
    %mul3A_933 = arith.muli %add3A_930, %mul3A_932 : vector<16xi32>
    %add3A_934 = arith.constant 6144 : i32
    %add3A_935 = vector.broadcast %add3A_934 : i32 to vector<16xi32>
    %add3A_936 = arith.addi %add3A_935, %get3A_926 : vector<16xi32>
    %gather3A_937 = tpu.vector_load_idx %arg7[%add3A_936] : memref<8192xi32, #tpu.memory_space<vmem>>[vector<16xi32>], vector<16xi32>,
    %add3A_938 = arith.addi %mul3A_933, %gather3A_937 : vector<16xi32>
    %swap3A_939 = arith.constant 48 : index
    %swap3A_940 = tpu.vector_load %arg16[%swap3A_939] {strides = array<i32>} : memref<128xi32, #tpu.memory_space<vmem>>, vector<16xi32>,
    tpu.vector_store %arg16[%swap3A_939], %add3A_938 {strides = array<i32>} : memref<128xi32, #tpu.memory_space<vmem>>, vector<16xi32>,
    %get3A_941 = arith.constant 64 : index
    %get3A_942 = tpu.vector_load %arg6[%get3A_941] {strides = array<i32>} : memref<128xi32, #tpu.memory_space<vmem>>, vector<16xi32>,
    %add3A_943 = arith.constant 64 : i32
    %add3A_944 = arith.addi %mul3A_2, %add3A_943 : i32
    %add3A_945 = vector.broadcast %add3A_944 : i32 to vector<16xi32>
    %add3A_946 = arith.addi %add3A_945, %iota3A : vector<16xi32>
    %mul3A_947 = arith.constant 1024 : i32
    %mul3A_948 = vector.broadcast %mul3A_947 : i32 to vector<16xi32>
    %mul3A_949 = arith.muli %add3A_946, %mul3A_948 : vector<16xi32>
    %add3A_950 = arith.constant 6144 : i32
    %add3A_951 = vector.broadcast %add3A_950 : i32 to vector<16xi32>
    %add3A_952 = arith.addi %add3A_951, %get3A_942 : vector<16xi32>
    %gather3A_953 = tpu.vector_load_idx %arg7[%add3A_952] : memref<8192xi32, #tpu.memory_space<vmem>>[vector<16xi32>], vector<16xi32>,
    %add3A_954 = arith.addi %mul3A_949, %gather3A_953 : vector<16xi32>
    %swap3A_955 = arith.constant 64 : index
    %swap3A_956 = tpu.vector_load %arg16[%swap3A_955] {strides = array<i32>} : memref<128xi32, #tpu.memory_space<vmem>>, vector<16xi32>,
    tpu.vector_store %arg16[%swap3A_955], %add3A_954 {strides = array<i32>} : memref<128xi32, #tpu.memory_space<vmem>>, vector<16xi32>,
    %get3A_957 = arith.constant 80 : index
    %get3A_958 = tpu.vector_load %arg6[%get3A_957] {strides = array<i32>} : memref<128xi32, #tpu.memory_space<vmem>>, vector<16xi32>,
    %add3A_959 = arith.constant 80 : i32
    %add3A_960 = arith.addi %mul3A_2, %add3A_959 : i32
    %add3A_961 = vector.broadcast %add3A_960 : i32 to vector<16xi32>
    %add3A_962 = arith.addi %add3A_961, %iota3A : vector<16xi32>
    %mul3A_963 = arith.constant 1024 : i32
    %mul3A_964 = vector.broadcast %mul3A_963 : i32 to vector<16xi32>
    %mul3A_965 = arith.muli %add3A_962, %mul3A_964 : vector<16xi32>
    %add3A_966 = arith.constant 6144 : i32
    %add3A_967 = vector.broadcast %add3A_966 : i32 to vector<16xi32>
    %add3A_968 = arith.addi %add3A_967, %get3A_958 : vector<16xi32>
    %gather3A_969 = tpu.vector_load_idx %arg7[%add3A_968] : memref<8192xi32, #tpu.memory_space<vmem>>[vector<16xi32>], vector<16xi32>,
    %add3A_970 = arith.addi %mul3A_965, %gather3A_969 : vector<16xi32>
    %swap3A_971 = arith.constant 80 : index
    %swap3A_972 = tpu.vector_load %arg16[%swap3A_971] {strides = array<i32>} : memref<128xi32, #tpu.memory_space<vmem>>, vector<16xi32>,
    tpu.vector_store %arg16[%swap3A_971], %add3A_970 {strides = array<i32>} : memref<128xi32, #tpu.memory_space<vmem>>, vector<16xi32>,
    %get3A_973 = arith.constant 96 : index
    %get3A_974 = tpu.vector_load %arg6[%get3A_973] {strides = array<i32>} : memref<128xi32, #tpu.memory_space<vmem>>, vector<16xi32>,
    %add3A_975 = arith.constant 96 : i32
    %add3A_976 = arith.addi %mul3A_2, %add3A_975 : i32
    %add3A_977 = vector.broadcast %add3A_976 : i32 to vector<16xi32>
    %add3A_978 = arith.addi %add3A_977, %iota3A : vector<16xi32>
    %mul3A_979 = arith.constant 1024 : i32
    %mul3A_980 = vector.broadcast %mul3A_979 : i32 to vector<16xi32>
    %mul3A_981 = arith.muli %add3A_978, %mul3A_980 : vector<16xi32>
    %add3A_982 = arith.constant 6144 : i32
    %add3A_983 = vector.broadcast %add3A_982 : i32 to vector<16xi32>
    %add3A_984 = arith.addi %add3A_983, %get3A_974 : vector<16xi32>
    %gather3A_985 = tpu.vector_load_idx %arg7[%add3A_984] : memref<8192xi32, #tpu.memory_space<vmem>>[vector<16xi32>], vector<16xi32>,
    %add3A_986 = arith.addi %mul3A_981, %gather3A_985 : vector<16xi32>
    %swap3A_987 = arith.constant 96 : index
    %swap3A_988 = tpu.vector_load %arg16[%swap3A_987] {strides = array<i32>} : memref<128xi32, #tpu.memory_space<vmem>>, vector<16xi32>,
    tpu.vector_store %arg16[%swap3A_987], %add3A_986 {strides = array<i32>} : memref<128xi32, #tpu.memory_space<vmem>>, vector<16xi32>,
    %get3A_989 = arith.constant 112 : index
    %get3A_990 = tpu.vector_load %arg6[%get3A_989] {strides = array<i32>} : memref<128xi32, #tpu.memory_space<vmem>>, vector<16xi32>,
    %add3A_991 = arith.constant 112 : i32
    %add3A_992 = arith.addi %mul3A_2, %add3A_991 : i32
    %add3A_993 = vector.broadcast %add3A_992 : i32 to vector<16xi32>
    %add3A_994 = arith.addi %add3A_993, %iota3A : vector<16xi32>
    %mul3A_995 = arith.constant 1024 : i32
    %mul3A_996 = vector.broadcast %mul3A_995 : i32 to vector<16xi32>
    %mul3A_997 = arith.muli %add3A_994, %mul3A_996 : vector<16xi32>
    %add3A_998 = arith.constant 6144 : i32
    %add3A_999 = vector.broadcast %add3A_998 : i32 to vector<16xi32>
    %add3A_1000 = arith.addi %add3A_999, %get3A_990 : vector<16xi32>
    %gather3A_1001 = tpu.vector_load_idx %arg7[%add3A_1000] : memref<8192xi32, #tpu.memory_space<vmem>>[vector<16xi32>], vector<16xi32>,
    %add3A_1002 = arith.addi %mul3A_997, %gather3A_1001 : vector<16xi32>
    %swap3A_1003 = arith.constant 112 : index
    %swap3A_1004 = tpu.vector_load %arg16[%swap3A_1003] {strides = array<i32>} : memref<128xi32, #tpu.memory_space<vmem>>, vector<16xi32>,
    tpu.vector_store %arg16[%swap3A_1003], %add3A_1002 {strides = array<i32>} : memref<128xi32, #tpu.memory_space<vmem>>, vector<16xi32>,
    %dma_start3A_1005 = arith.constant 0 : i32
    %dma_start3A_1006 = tpu.memref_slice %arg2[%dma_start3A_1005] : memref<4194304xf32, #tpu.memory_space<hbm>> -> memref<4194304xf32, #tpu.memory_space<hbm>>
    tpu.enqueue_indirect_dma source(%dma_start3A_1006 : memref<4194304xf32, #tpu.memory_space<hbm>>) target(%arg25 : memref<128xf32, #tpu.memory_space<vmem>>) offsets(%arg16 : memref<128xi32, #tpu.memory_space<vmem>>) semaphore(%arg27 : memref<!tpu.dma_semaphore, #tpu.memory_space<semaphore_mem>>)
    %get3A_1007 = arith.constant 0 : index
    %get3A_1008 = tpu.vector_load %arg6[%get3A_1007] {strides = array<i32>} : memref<128xi32, #tpu.memory_space<vmem>>, vector<16xi32>,
    %add3A_1009 = arith.constant 0 : i32
    %add3A_1010 = arith.addi %mul3A_2, %add3A_1009 : i32
    %add3A_1011 = vector.broadcast %add3A_1010 : i32 to vector<16xi32>
    %add3A_1012 = arith.addi %add3A_1011, %iota3A : vector<16xi32>
    %mul3A_1013 = arith.constant 1024 : i32
    %mul3A_1014 = vector.broadcast %mul3A_1013 : i32 to vector<16xi32>
    %mul3A_1015 = arith.muli %add3A_1012, %mul3A_1014 : vector<16xi32>
    %add3A_1016 = arith.constant 7168 : i32
    %add3A_1017 = vector.broadcast %add3A_1016 : i32 to vector<16xi32>
    %add3A_1018 = arith.addi %add3A_1017, %get3A_1008 : vector<16xi32>
    %gather3A_1019 = tpu.vector_load_idx %arg7[%add3A_1018] : memref<8192xi32, #tpu.memory_space<vmem>>[vector<16xi32>], vector<16xi32>,
    %add3A_1020 = arith.addi %mul3A_1015, %gather3A_1019 : vector<16xi32>
    %swap3A_1021 = arith.constant 0 : index
    %swap3A_1022 = tpu.vector_load %arg17[%swap3A_1021] {strides = array<i32>} : memref<128xi32, #tpu.memory_space<vmem>>, vector<16xi32>,
    tpu.vector_store %arg17[%swap3A_1021], %add3A_1020 {strides = array<i32>} : memref<128xi32, #tpu.memory_space<vmem>>, vector<16xi32>,
    %get3A_1023 = arith.constant 16 : index
    %get3A_1024 = tpu.vector_load %arg6[%get3A_1023] {strides = array<i32>} : memref<128xi32, #tpu.memory_space<vmem>>, vector<16xi32>,
    %add3A_1025 = arith.constant 16 : i32
    %add3A_1026 = arith.addi %mul3A_2, %add3A_1025 : i32
    %add3A_1027 = vector.broadcast %add3A_1026 : i32 to vector<16xi32>
    %add3A_1028 = arith.addi %add3A_1027, %iota3A : vector<16xi32>
    %mul3A_1029 = arith.constant 1024 : i32
    %mul3A_1030 = vector.broadcast %mul3A_1029 : i32 to vector<16xi32>
    %mul3A_1031 = arith.muli %add3A_1028, %mul3A_1030 : vector<16xi32>
    %add3A_1032 = arith.constant 7168 : i32
    %add3A_1033 = vector.broadcast %add3A_1032 : i32 to vector<16xi32>
    %add3A_1034 = arith.addi %add3A_1033, %get3A_1024 : vector<16xi32>
    %gather3A_1035 = tpu.vector_load_idx %arg7[%add3A_1034] : memref<8192xi32, #tpu.memory_space<vmem>>[vector<16xi32>], vector<16xi32>,
    %add3A_1036 = arith.addi %mul3A_1031, %gather3A_1035 : vector<16xi32>
    %swap3A_1037 = arith.constant 16 : index
    %swap3A_1038 = tpu.vector_load %arg17[%swap3A_1037] {strides = array<i32>} : memref<128xi32, #tpu.memory_space<vmem>>, vector<16xi32>,
    tpu.vector_store %arg17[%swap3A_1037], %add3A_1036 {strides = array<i32>} : memref<128xi32, #tpu.memory_space<vmem>>, vector<16xi32>,
    %get3A_1039 = arith.constant 32 : index
    %get3A_1040 = tpu.vector_load %arg6[%get3A_1039] {strides = array<i32>} : memref<128xi32, #tpu.memory_space<vmem>>, vector<16xi32>,
    %add3A_1041 = arith.constant 32 : i32
    %add3A_1042 = arith.addi %mul3A_2, %add3A_1041 : i32
    %add3A_1043 = vector.broadcast %add3A_1042 : i32 to vector<16xi32>
    %add3A_1044 = arith.addi %add3A_1043, %iota3A : vector<16xi32>
    %mul3A_1045 = arith.constant 1024 : i32
    %mul3A_1046 = vector.broadcast %mul3A_1045 : i32 to vector<16xi32>
    %mul3A_1047 = arith.muli %add3A_1044, %mul3A_1046 : vector<16xi32>
    %add3A_1048 = arith.constant 7168 : i32
    %add3A_1049 = vector.broadcast %add3A_1048 : i32 to vector<16xi32>
    %add3A_1050 = arith.addi %add3A_1049, %get3A_1040 : vector<16xi32>
    %gather3A_1051 = tpu.vector_load_idx %arg7[%add3A_1050] : memref<8192xi32, #tpu.memory_space<vmem>>[vector<16xi32>], vector<16xi32>,
    %add3A_1052 = arith.addi %mul3A_1047, %gather3A_1051 : vector<16xi32>
    %swap3A_1053 = arith.constant 32 : index
    %swap3A_1054 = tpu.vector_load %arg17[%swap3A_1053] {strides = array<i32>} : memref<128xi32, #tpu.memory_space<vmem>>, vector<16xi32>,
    tpu.vector_store %arg17[%swap3A_1053], %add3A_1052 {strides = array<i32>} : memref<128xi32, #tpu.memory_space<vmem>>, vector<16xi32>,
    %get3A_1055 = arith.constant 48 : index
    %get3A_1056 = tpu.vector_load %arg6[%get3A_1055] {strides = array<i32>} : memref<128xi32, #tpu.memory_space<vmem>>, vector<16xi32>,
    %add3A_1057 = arith.constant 48 : i32
    %add3A_1058 = arith.addi %mul3A_2, %add3A_1057 : i32
    %add3A_1059 = vector.broadcast %add3A_1058 : i32 to vector<16xi32>
    %add3A_1060 = arith.addi %add3A_1059, %iota3A : vector<16xi32>
    %mul3A_1061 = arith.constant 1024 : i32
    %mul3A_1062 = vector.broadcast %mul3A_1061 : i32 to vector<16xi32>
    %mul3A_1063 = arith.muli %add3A_1060, %mul3A_1062 : vector<16xi32>
    %add3A_1064 = arith.constant 7168 : i32
    %add3A_1065 = vector.broadcast %add3A_1064 : i32 to vector<16xi32>
    %add3A_1066 = arith.addi %add3A_1065, %get3A_1056 : vector<16xi32>
    %gather3A_1067 = tpu.vector_load_idx %arg7[%add3A_1066] : memref<8192xi32, #tpu.memory_space<vmem>>[vector<16xi32>], vector<16xi32>,
    %add3A_1068 = arith.addi %mul3A_1063, %gather3A_1067 : vector<16xi32>
    %swap3A_1069 = arith.constant 48 : index
    %swap3A_1070 = tpu.vector_load %arg17[%swap3A_1069] {strides = array<i32>} : memref<128xi32, #tpu.memory_space<vmem>>, vector<16xi32>,
    tpu.vector_store %arg17[%swap3A_1069], %add3A_1068 {strides = array<i32>} : memref<128xi32, #tpu.memory_space<vmem>>, vector<16xi32>,
    %get3A_1071 = arith.constant 64 : index
    %get3A_1072 = tpu.vector_load %arg6[%get3A_1071] {strides = array<i32>} : memref<128xi32, #tpu.memory_space<vmem>>, vector<16xi32>,
    %add3A_1073 = arith.constant 64 : i32
    %add3A_1074 = arith.addi %mul3A_2, %add3A_1073 : i32
    %add3A_1075 = vector.broadcast %add3A_1074 : i32 to vector<16xi32>
    %add3A_1076 = arith.addi %add3A_1075, %iota3A : vector<16xi32>
    %mul3A_1077 = arith.constant 1024 : i32
    %mul3A_1078 = vector.broadcast %mul3A_1077 : i32 to vector<16xi32>
    %mul3A_1079 = arith.muli %add3A_1076, %mul3A_1078 : vector<16xi32>
    %add3A_1080 = arith.constant 7168 : i32
    %add3A_1081 = vector.broadcast %add3A_1080 : i32 to vector<16xi32>
    %add3A_1082 = arith.addi %add3A_1081, %get3A_1072 : vector<16xi32>
    %gather3A_1083 = tpu.vector_load_idx %arg7[%add3A_1082] : memref<8192xi32, #tpu.memory_space<vmem>>[vector<16xi32>], vector<16xi32>,
    %add3A_1084 = arith.addi %mul3A_1079, %gather3A_1083 : vector<16xi32>
    %swap3A_1085 = arith.constant 64 : index
    %swap3A_1086 = tpu.vector_load %arg17[%swap3A_1085] {strides = array<i32>} : memref<128xi32, #tpu.memory_space<vmem>>, vector<16xi32>,
    tpu.vector_store %arg17[%swap3A_1085], %add3A_1084 {strides = array<i32>} : memref<128xi32, #tpu.memory_space<vmem>>, vector<16xi32>,
    %get3A_1087 = arith.constant 80 : index
    %get3A_1088 = tpu.vector_load %arg6[%get3A_1087] {strides = array<i32>} : memref<128xi32, #tpu.memory_space<vmem>>, vector<16xi32>,
    %add3A_1089 = arith.constant 80 : i32
    %add3A_1090 = arith.addi %mul3A_2, %add3A_1089 : i32
    %add3A_1091 = vector.broadcast %add3A_1090 : i32 to vector<16xi32>
    %add3A_1092 = arith.addi %add3A_1091, %iota3A : vector<16xi32>
    %mul3A_1093 = arith.constant 1024 : i32
    %mul3A_1094 = vector.broadcast %mul3A_1093 : i32 to vector<16xi32>
    %mul3A_1095 = arith.muli %add3A_1092, %mul3A_1094 : vector<16xi32>
    %add3A_1096 = arith.constant 7168 : i32
    %add3A_1097 = vector.broadcast %add3A_1096 : i32 to vector<16xi32>
    %add3A_1098 = arith.addi %add3A_1097, %get3A_1088 : vector<16xi32>
    %gather3A_1099 = tpu.vector_load_idx %arg7[%add3A_1098] : memref<8192xi32, #tpu.memory_space<vmem>>[vector<16xi32>], vector<16xi32>,
    %add3A_1100 = arith.addi %mul3A_1095, %gather3A_1099 : vector<16xi32>
    %swap3A_1101 = arith.constant 80 : index
    %swap3A_1102 = tpu.vector_load %arg17[%swap3A_1101] {strides = array<i32>} : memref<128xi32, #tpu.memory_space<vmem>>, vector<16xi32>,
    tpu.vector_store %arg17[%swap3A_1101], %add3A_1100 {strides = array<i32>} : memref<128xi32, #tpu.memory_space<vmem>>, vector<16xi32>,
    %get3A_1103 = arith.constant 96 : index
    %get3A_1104 = tpu.vector_load %arg6[%get3A_1103] {strides = array<i32>} : memref<128xi32, #tpu.memory_space<vmem>>, vector<16xi32>,
    %add3A_1105 = arith.constant 96 : i32
    %add3A_1106 = arith.addi %mul3A_2, %add3A_1105 : i32
    %add3A_1107 = vector.broadcast %add3A_1106 : i32 to vector<16xi32>
    %add3A_1108 = arith.addi %add3A_1107, %iota3A : vector<16xi32>
    %mul3A_1109 = arith.constant 1024 : i32
    %mul3A_1110 = vector.broadcast %mul3A_1109 : i32 to vector<16xi32>
    %mul3A_1111 = arith.muli %add3A_1108, %mul3A_1110 : vector<16xi32>
    %add3A_1112 = arith.constant 7168 : i32
    %add3A_1113 = vector.broadcast %add3A_1112 : i32 to vector<16xi32>
    %add3A_1114 = arith.addi %add3A_1113, %get3A_1104 : vector<16xi32>
    %gather3A_1115 = tpu.vector_load_idx %arg7[%add3A_1114] : memref<8192xi32, #tpu.memory_space<vmem>>[vector<16xi32>], vector<16xi32>,
    %add3A_1116 = arith.addi %mul3A_1111, %gather3A_1115 : vector<16xi32>
    %swap3A_1117 = arith.constant 96 : index
    %swap3A_1118 = tpu.vector_load %arg17[%swap3A_1117] {strides = array<i32>} : memref<128xi32, #tpu.memory_space<vmem>>, vector<16xi32>,
    tpu.vector_store %arg17[%swap3A_1117], %add3A_1116 {strides = array<i32>} : memref<128xi32, #tpu.memory_space<vmem>>, vector<16xi32>,
    %get3A_1119 = arith.constant 112 : index
    %get3A_1120 = tpu.vector_load %arg6[%get3A_1119] {strides = array<i32>} : memref<128xi32, #tpu.memory_space<vmem>>, vector<16xi32>,
    %add3A_1121 = arith.constant 112 : i32
    %add3A_1122 = arith.addi %mul3A_2, %add3A_1121 : i32
    %add3A_1123 = vector.broadcast %add3A_1122 : i32 to vector<16xi32>
    %add3A_1124 = arith.addi %add3A_1123, %iota3A : vector<16xi32>
    %mul3A_1125 = arith.constant 1024 : i32
    %mul3A_1126 = vector.broadcast %mul3A_1125 : i32 to vector<16xi32>
    %mul3A_1127 = arith.muli %add3A_1124, %mul3A_1126 : vector<16xi32>
    %add3A_1128 = arith.constant 7168 : i32
    %add3A_1129 = vector.broadcast %add3A_1128 : i32 to vector<16xi32>
    %add3A_1130 = arith.addi %add3A_1129, %get3A_1120 : vector<16xi32>
    %gather3A_1131 = tpu.vector_load_idx %arg7[%add3A_1130] : memref<8192xi32, #tpu.memory_space<vmem>>[vector<16xi32>], vector<16xi32>,
    %add3A_1132 = arith.addi %mul3A_1127, %gather3A_1131 : vector<16xi32>
    %swap3A_1133 = arith.constant 112 : index
    %swap3A_1134 = tpu.vector_load %arg17[%swap3A_1133] {strides = array<i32>} : memref<128xi32, #tpu.memory_space<vmem>>, vector<16xi32>,
    tpu.vector_store %arg17[%swap3A_1133], %add3A_1132 {strides = array<i32>} : memref<128xi32, #tpu.memory_space<vmem>>, vector<16xi32>,
    %dma_start3A_1135 = arith.constant 0 : i32
    %dma_start3A_1136 = tpu.memref_slice %arg2[%dma_start3A_1135] : memref<4194304xf32, #tpu.memory_space<hbm>> -> memref<4194304xf32, #tpu.memory_space<hbm>>
    tpu.enqueue_indirect_dma source(%dma_start3A_1136 : memref<4194304xf32, #tpu.memory_space<hbm>>) target(%arg26 : memref<128xf32, #tpu.memory_space<vmem>>) offsets(%arg17 : memref<128xi32, #tpu.memory_space<vmem>>) semaphore(%arg27 : memref<!tpu.dma_semaphore, #tpu.memory_space<semaphore_mem>>)
    %dma_wait3A = arith.constant 0 : i32
    %dma_wait3A_1137 = tpu.memref_slice %arg2[%dma_wait3A] : memref<4194304xf32, #tpu.memory_space<hbm>> -> memref<4194304xf32, #tpu.memory_space<hbm>>
    tpu.wait_indirect_dma semaphore(%arg27 : memref<!tpu.dma_semaphore, #tpu.memory_space<semaphore_mem>>) src(%dma_wait3A_1137 : memref<4194304xf32, #tpu.memory_space<hbm>>) dst(%arg18 : memref<128xf32, #tpu.memory_space<vmem>>)
    %dma_wait3A_1138 = arith.constant 0 : i32
    %dma_wait3A_1139 = tpu.memref_slice %arg2[%dma_wait3A_1138] : memref<4194304xf32, #tpu.memory_space<hbm>> -> memref<4194304xf32, #tpu.memory_space<hbm>>
    tpu.wait_indirect_dma semaphore(%arg27 : memref<!tpu.dma_semaphore, #tpu.memory_space<semaphore_mem>>) src(%dma_wait3A_1139 : memref<4194304xf32, #tpu.memory_space<hbm>>) dst(%arg19 : memref<128xf32, #tpu.memory_space<vmem>>)
    %dma_wait3A_1140 = arith.constant 0 : i32
    %dma_wait3A_1141 = tpu.memref_slice %arg2[%dma_wait3A_1140] : memref<4194304xf32, #tpu.memory_space<hbm>> -> memref<4194304xf32, #tpu.memory_space<hbm>>
    tpu.wait_indirect_dma semaphore(%arg27 : memref<!tpu.dma_semaphore, #tpu.memory_space<semaphore_mem>>) src(%dma_wait3A_1141 : memref<4194304xf32, #tpu.memory_space<hbm>>) dst(%arg20 : memref<128xf32, #tpu.memory_space<vmem>>)
    %dma_wait3A_1142 = arith.constant 0 : i32
    %dma_wait3A_1143 = tpu.memref_slice %arg2[%dma_wait3A_1142] : memref<4194304xf32, #tpu.memory_space<hbm>> -> memref<4194304xf32, #tpu.memory_space<hbm>>
    tpu.wait_indirect_dma semaphore(%arg27 : memref<!tpu.dma_semaphore, #tpu.memory_space<semaphore_mem>>) src(%dma_wait3A_1143 : memref<4194304xf32, #tpu.memory_space<hbm>>) dst(%arg21 : memref<128xf32, #tpu.memory_space<vmem>>)
    %dma_wait3A_1144 = arith.constant 0 : i32
    %dma_wait3A_1145 = tpu.memref_slice %arg2[%dma_wait3A_1144] : memref<4194304xf32, #tpu.memory_space<hbm>> -> memref<4194304xf32, #tpu.memory_space<hbm>>
    tpu.wait_indirect_dma semaphore(%arg27 : memref<!tpu.dma_semaphore, #tpu.memory_space<semaphore_mem>>) src(%dma_wait3A_1145 : memref<4194304xf32, #tpu.memory_space<hbm>>) dst(%arg22 : memref<128xf32, #tpu.memory_space<vmem>>)
    %dma_wait3A_1146 = arith.constant 0 : i32
    %dma_wait3A_1147 = tpu.memref_slice %arg2[%dma_wait3A_1146] : memref<4194304xf32, #tpu.memory_space<hbm>> -> memref<4194304xf32, #tpu.memory_space<hbm>>
    tpu.wait_indirect_dma semaphore(%arg27 : memref<!tpu.dma_semaphore, #tpu.memory_space<semaphore_mem>>) src(%dma_wait3A_1147 : memref<4194304xf32, #tpu.memory_space<hbm>>) dst(%arg23 : memref<128xf32, #tpu.memory_space<vmem>>)
    %dma_wait3A_1148 = arith.constant 0 : i32
    %dma_wait3A_1149 = tpu.memref_slice %arg2[%dma_wait3A_1148] : memref<4194304xf32, #tpu.memory_space<hbm>> -> memref<4194304xf32, #tpu.memory_space<hbm>>
    tpu.wait_indirect_dma semaphore(%arg27 : memref<!tpu.dma_semaphore, #tpu.memory_space<semaphore_mem>>) src(%dma_wait3A_1149 : memref<4194304xf32, #tpu.memory_space<hbm>>) dst(%arg24 : memref<128xf32, #tpu.memory_space<vmem>>)
    %dma_wait3A_1150 = arith.constant 0 : i32
    %dma_wait3A_1151 = tpu.memref_slice %arg2[%dma_wait3A_1150] : memref<4194304xf32, #tpu.memory_space<hbm>> -> memref<4194304xf32, #tpu.memory_space<hbm>>
    tpu.wait_indirect_dma semaphore(%arg27 : memref<!tpu.dma_semaphore, #tpu.memory_space<semaphore_mem>>) src(%dma_wait3A_1151 : memref<4194304xf32, #tpu.memory_space<hbm>>) dst(%arg25 : memref<128xf32, #tpu.memory_space<vmem>>)
    %dma_wait3A_1152 = arith.constant 0 : i32
    %dma_wait3A_1153 = tpu.memref_slice %arg2[%dma_wait3A_1152] : memref<4194304xf32, #tpu.memory_space<hbm>> -> memref<4194304xf32, #tpu.memory_space<hbm>>
    tpu.wait_indirect_dma semaphore(%arg27 : memref<!tpu.dma_semaphore, #tpu.memory_space<semaphore_mem>>) src(%dma_wait3A_1153 : memref<4194304xf32, #tpu.memory_space<hbm>>) dst(%arg26 : memref<128xf32, #tpu.memory_space<vmem>>)
    %get3A_1154 = arith.constant 0 : index
    %get3A_1155 = tpu.vector_load %arg18[%get3A_1154] {strides = array<i32>} : memref<128xf32, #tpu.memory_space<vmem>>, vector<16xf32>,
    %mul3A_1156 = arith.constant 14.2857141 : f32
    %mul3A_1157 = vector.broadcast %mul3A_1156 : f32 to vector<16xf32>
    %mul3A_1158 = arith.mulf %get3A_1155, %mul3A_1157 : vector<16xf32>
    %exp3A = math.exp %mul3A_1158 : vector<16xf32>
    %get3A_1159 = arith.constant 0 : index
    %get3A_1160 = tpu.vector_load %arg19[%get3A_1159] {strides = array<i32>} : memref<128xf32, #tpu.memory_space<vmem>>, vector<16xf32>,
    %mul3A_1161 = arith.constant 14.2857141 : f32
    %mul3A_1162 = vector.broadcast %mul3A_1161 : f32 to vector<16xf32>
    %mul3A_1163 = arith.mulf %get3A_1160, %mul3A_1162 : vector<16xf32>
    %exp3A_1164 = math.exp %mul3A_1163 : vector<16xf32>
    %get3A_1165 = arith.constant 0 : index
    %get3A_1166 = tpu.vector_load %arg20[%get3A_1165] {strides = array<i32>} : memref<128xf32, #tpu.memory_space<vmem>>, vector<16xf32>,
    %mul3A_1167 = arith.constant 14.2857141 : f32
    %mul3A_1168 = vector.broadcast %mul3A_1167 : f32 to vector<16xf32>
    %mul3A_1169 = arith.mulf %get3A_1166, %mul3A_1168 : vector<16xf32>
    %exp3A_1170 = math.exp %mul3A_1169 : vector<16xf32>
    %add3A_1171 = arith.addf %exp3A_1164, %exp3A_1170 : vector<16xf32>
    %get3A_1172 = arith.constant 0 : index
    %get3A_1173 = tpu.vector_load %arg21[%get3A_1172] {strides = array<i32>} : memref<128xf32, #tpu.memory_space<vmem>>, vector<16xf32>,
    %mul3A_1174 = arith.constant 14.2857141 : f32
    %mul3A_1175 = vector.broadcast %mul3A_1174 : f32 to vector<16xf32>
    %mul3A_1176 = arith.mulf %get3A_1173, %mul3A_1175 : vector<16xf32>
    %exp3A_1177 = math.exp %mul3A_1176 : vector<16xf32>
    %add3A_1178 = arith.addf %add3A_1171, %exp3A_1177 : vector<16xf32>
    %get3A_1179 = arith.constant 0 : index
    %get3A_1180 = tpu.vector_load %arg22[%get3A_1179] {strides = array<i32>} : memref<128xf32, #tpu.memory_space<vmem>>, vector<16xf32>,
    %mul3A_1181 = arith.constant 14.2857141 : f32
    %mul3A_1182 = vector.broadcast %mul3A_1181 : f32 to vector<16xf32>
    %mul3A_1183 = arith.mulf %get3A_1180, %mul3A_1182 : vector<16xf32>
    %exp3A_1184 = math.exp %mul3A_1183 : vector<16xf32>
    %add3A_1185 = arith.addf %add3A_1178, %exp3A_1184 : vector<16xf32>
    %get3A_1186 = arith.constant 0 : index
    %get3A_1187 = tpu.vector_load %arg23[%get3A_1186] {strides = array<i32>} : memref<128xf32, #tpu.memory_space<vmem>>, vector<16xf32>,
    %mul3A_1188 = arith.constant 14.2857141 : f32
    %mul3A_1189 = vector.broadcast %mul3A_1188 : f32 to vector<16xf32>
    %mul3A_1190 = arith.mulf %get3A_1187, %mul3A_1189 : vector<16xf32>
    %exp3A_1191 = math.exp %mul3A_1190 : vector<16xf32>
    %add3A_1192 = arith.addf %add3A_1185, %exp3A_1191 : vector<16xf32>
    %get3A_1193 = arith.constant 0 : index
    %get3A_1194 = tpu.vector_load %arg24[%get3A_1193] {strides = array<i32>} : memref<128xf32, #tpu.memory_space<vmem>>, vector<16xf32>,
    %mul3A_1195 = arith.constant 14.2857141 : f32
    %mul3A_1196 = vector.broadcast %mul3A_1195 : f32 to vector<16xf32>
    %mul3A_1197 = arith.mulf %get3A_1194, %mul3A_1196 : vector<16xf32>
    %exp3A_1198 = math.exp %mul3A_1197 : vector<16xf32>
    %add3A_1199 = arith.addf %add3A_1192, %exp3A_1198 : vector<16xf32>
    %get3A_1200 = arith.constant 0 : index
    %get3A_1201 = tpu.vector_load %arg25[%get3A_1200] {strides = array<i32>} : memref<128xf32, #tpu.memory_space<vmem>>, vector<16xf32>,
    %mul3A_1202 = arith.constant 14.2857141 : f32
    %mul3A_1203 = vector.broadcast %mul3A_1202 : f32 to vector<16xf32>
    %mul3A_1204 = arith.mulf %get3A_1201, %mul3A_1203 : vector<16xf32>
    %exp3A_1205 = math.exp %mul3A_1204 : vector<16xf32>
    %add3A_1206 = arith.addf %add3A_1199, %exp3A_1205 : vector<16xf32>
    %get3A_1207 = arith.constant 0 : index
    %get3A_1208 = tpu.vector_load %arg26[%get3A_1207] {strides = array<i32>} : memref<128xf32, #tpu.memory_space<vmem>>, vector<16xf32>,
    %mul3A_1209 = arith.constant 14.2857141 : f32
    %mul3A_1210 = vector.broadcast %mul3A_1209 : f32 to vector<16xf32>
    %mul3A_1211 = arith.mulf %get3A_1208, %mul3A_1210 : vector<16xf32>
    %exp3A_1212 = math.exp %mul3A_1211 : vector<16xf32>
    %add3A_1213 = arith.addf %add3A_1206, %exp3A_1212 : vector<16xf32>
    %mul3A_1214 = arith.constant 1.250000e-01 : f32
    %mul3A_1215 = vector.broadcast %mul3A_1214 : f32 to vector<16xf32>
    %mul3A_1216 = arith.mulf %add3A_1213, %mul3A_1215 : vector<16xf32>
    %add3A_1217 = arith.addf %exp3A, %mul3A_1216 : vector<16xf32>
    %div3A = arith.divf %exp3A, %add3A_1217 : vector<16xf32>
    %swap3A_1218 = arith.constant 0 : index
    %swap3A_1219 = tpu.vector_load %arg8[%swap3A_1218] {strides = array<i32>} : memref<128xf32, #tpu.memory_space<vmem>>, vector<16xf32>,
    tpu.vector_store %arg8[%swap3A_1218], %div3A {strides = array<i32>} : memref<128xf32, #tpu.memory_space<vmem>>, vector<16xf32>,
    %get3A_1220 = arith.constant 16 : index
    %get3A_1221 = tpu.vector_load %arg18[%get3A_1220] {strides = array<i32>} : memref<128xf32, #tpu.memory_space<vmem>>, vector<16xf32>,
    %mul3A_1222 = arith.constant 14.2857141 : f32
    %mul3A_1223 = vector.broadcast %mul3A_1222 : f32 to vector<16xf32>
    %mul3A_1224 = arith.mulf %get3A_1221, %mul3A_1223 : vector<16xf32>
    %exp3A_1225 = math.exp %mul3A_1224 : vector<16xf32>
    %get3A_1226 = arith.constant 16 : index
    %get3A_1227 = tpu.vector_load %arg19[%get3A_1226] {strides = array<i32>} : memref<128xf32, #tpu.memory_space<vmem>>, vector<16xf32>,
    %mul3A_1228 = arith.constant 14.2857141 : f32
    %mul3A_1229 = vector.broadcast %mul3A_1228 : f32 to vector<16xf32>
    %mul3A_1230 = arith.mulf %get3A_1227, %mul3A_1229 : vector<16xf32>
    %exp3A_1231 = math.exp %mul3A_1230 : vector<16xf32>
    %get3A_1232 = arith.constant 16 : index
    %get3A_1233 = tpu.vector_load %arg20[%get3A_1232] {strides = array<i32>} : memref<128xf32, #tpu.memory_space<vmem>>, vector<16xf32>,
    %mul3A_1234 = arith.constant 14.2857141 : f32
    %mul3A_1235 = vector.broadcast %mul3A_1234 : f32 to vector<16xf32>
    %mul3A_1236 = arith.mulf %get3A_1233, %mul3A_1235 : vector<16xf32>
    %exp3A_1237 = math.exp %mul3A_1236 : vector<16xf32>
    %add3A_1238 = arith.addf %exp3A_1231, %exp3A_1237 : vector<16xf32>
    %get3A_1239 = arith.constant 16 : index
    %get3A_1240 = tpu.vector_load %arg21[%get3A_1239] {strides = array<i32>} : memref<128xf32, #tpu.memory_space<vmem>>, vector<16xf32>,
    %mul3A_1241 = arith.constant 14.2857141 : f32
    %mul3A_1242 = vector.broadcast %mul3A_1241 : f32 to vector<16xf32>
    %mul3A_1243 = arith.mulf %get3A_1240, %mul3A_1242 : vector<16xf32>
    %exp3A_1244 = math.exp %mul3A_1243 : vector<16xf32>
    %add3A_1245 = arith.addf %add3A_1238, %exp3A_1244 : vector<16xf32>
    %get3A_1246 = arith.constant 16 : index
    %get3A_1247 = tpu.vector_load %arg22[%get3A_1246] {strides = array<i32>} : memref<128xf32, #tpu.memory_space<vmem>>, vector<16xf32>,
    %mul3A_1248 = arith.constant 14.2857141 : f32
    %mul3A_1249 = vector.broadcast %mul3A_1248 : f32 to vector<16xf32>
    %mul3A_1250 = arith.mulf %get3A_1247, %mul3A_1249 : vector<16xf32>
    %exp3A_1251 = math.exp %mul3A_1250 : vector<16xf32>
    %add3A_1252 = arith.addf %add3A_1245, %exp3A_1251 : vector<16xf32>
    %get3A_1253 = arith.constant 16 : index
    %get3A_1254 = tpu.vector_load %arg23[%get3A_1253] {strides = array<i32>} : memref<128xf32, #tpu.memory_space<vmem>>, vector<16xf32>,
    %mul3A_1255 = arith.constant 14.2857141 : f32
    %mul3A_1256 = vector.broadcast %mul3A_1255 : f32 to vector<16xf32>
    %mul3A_1257 = arith.mulf %get3A_1254, %mul3A_1256 : vector<16xf32>
    %exp3A_1258 = math.exp %mul3A_1257 : vector<16xf32>
    %add3A_1259 = arith.addf %add3A_1252, %exp3A_1258 : vector<16xf32>
    %get3A_1260 = arith.constant 16 : index
    %get3A_1261 = tpu.vector_load %arg24[%get3A_1260] {strides = array<i32>} : memref<128xf32, #tpu.memory_space<vmem>>, vector<16xf32>,
    %mul3A_1262 = arith.constant 14.2857141 : f32
    %mul3A_1263 = vector.broadcast %mul3A_1262 : f32 to vector<16xf32>
    %mul3A_1264 = arith.mulf %get3A_1261, %mul3A_1263 : vector<16xf32>
    %exp3A_1265 = math.exp %mul3A_1264 : vector<16xf32>
    %add3A_1266 = arith.addf %add3A_1259, %exp3A_1265 : vector<16xf32>
    %get3A_1267 = arith.constant 16 : index
    %get3A_1268 = tpu.vector_load %arg25[%get3A_1267] {strides = array<i32>} : memref<128xf32, #tpu.memory_space<vmem>>, vector<16xf32>,
    %mul3A_1269 = arith.constant 14.2857141 : f32
    %mul3A_1270 = vector.broadcast %mul3A_1269 : f32 to vector<16xf32>
    %mul3A_1271 = arith.mulf %get3A_1268, %mul3A_1270 : vector<16xf32>
    %exp3A_1272 = math.exp %mul3A_1271 : vector<16xf32>
    %add3A_1273 = arith.addf %add3A_1266, %exp3A_1272 : vector<16xf32>
    %get3A_1274 = arith.constant 16 : index
    %get3A_1275 = tpu.vector_load %arg26[%get3A_1274] {strides = array<i32>} : memref<128xf32, #tpu.memory_space<vmem>>, vector<16xf32>,
    %mul3A_1276 = arith.constant 14.2857141 : f32
    %mul3A_1277 = vector.broadcast %mul3A_1276 : f32 to vector<16xf32>
    %mul3A_1278 = arith.mulf %get3A_1275, %mul3A_1277 : vector<16xf32>
    %exp3A_1279 = math.exp %mul3A_1278 : vector<16xf32>
    %add3A_1280 = arith.addf %add3A_1273, %exp3A_1279 : vector<16xf32>
    %mul3A_1281 = arith.constant 1.250000e-01 : f32
    %mul3A_1282 = vector.broadcast %mul3A_1281 : f32 to vector<16xf32>
    %mul3A_1283 = arith.mulf %add3A_1280, %mul3A_1282 : vector<16xf32>
    %add3A_1284 = arith.addf %exp3A_1225, %mul3A_1283 : vector<16xf32>
    %div3A_1285 = arith.divf %exp3A_1225, %add3A_1284 : vector<16xf32>
    %swap3A_1286 = arith.constant 16 : index
    %swap3A_1287 = tpu.vector_load %arg8[%swap3A_1286] {strides = array<i32>} : memref<128xf32, #tpu.memory_space<vmem>>, vector<16xf32>,
    tpu.vector_store %arg8[%swap3A_1286], %div3A_1285 {strides = array<i32>} : memref<128xf32, #tpu.memory_space<vmem>>, vector<16xf32>,
    %get3A_1288 = arith.constant 32 : index
    %get3A_1289 = tpu.vector_load %arg18[%get3A_1288] {strides = array<i32>} : memref<128xf32, #tpu.memory_space<vmem>>, vector<16xf32>,
    %mul3A_1290 = arith.constant 14.2857141 : f32
    %mul3A_1291 = vector.broadcast %mul3A_1290 : f32 to vector<16xf32>
    %mul3A_1292 = arith.mulf %get3A_1289, %mul3A_1291 : vector<16xf32>
    %exp3A_1293 = math.exp %mul3A_1292 : vector<16xf32>
    %get3A_1294 = arith.constant 32 : index
    %get3A_1295 = tpu.vector_load %arg19[%get3A_1294] {strides = array<i32>} : memref<128xf32, #tpu.memory_space<vmem>>, vector<16xf32>,
    %mul3A_1296 = arith.constant 14.2857141 : f32
    %mul3A_1297 = vector.broadcast %mul3A_1296 : f32 to vector<16xf32>
    %mul3A_1298 = arith.mulf %get3A_1295, %mul3A_1297 : vector<16xf32>
    %exp3A_1299 = math.exp %mul3A_1298 : vector<16xf32>
    %get3A_1300 = arith.constant 32 : index
    %get3A_1301 = tpu.vector_load %arg20[%get3A_1300] {strides = array<i32>} : memref<128xf32, #tpu.memory_space<vmem>>, vector<16xf32>,
    %mul3A_1302 = arith.constant 14.2857141 : f32
    %mul3A_1303 = vector.broadcast %mul3A_1302 : f32 to vector<16xf32>
    %mul3A_1304 = arith.mulf %get3A_1301, %mul3A_1303 : vector<16xf32>
    %exp3A_1305 = math.exp %mul3A_1304 : vector<16xf32>
    %add3A_1306 = arith.addf %exp3A_1299, %exp3A_1305 : vector<16xf32>
    %get3A_1307 = arith.constant 32 : index
    %get3A_1308 = tpu.vector_load %arg21[%get3A_1307] {strides = array<i32>} : memref<128xf32, #tpu.memory_space<vmem>>, vector<16xf32>,
    %mul3A_1309 = arith.constant 14.2857141 : f32
    %mul3A_1310 = vector.broadcast %mul3A_1309 : f32 to vector<16xf32>
    %mul3A_1311 = arith.mulf %get3A_1308, %mul3A_1310 : vector<16xf32>
    %exp3A_1312 = math.exp %mul3A_1311 : vector<16xf32>
    %add3A_1313 = arith.addf %add3A_1306, %exp3A_1312 : vector<16xf32>
    %get3A_1314 = arith.constant 32 : index
    %get3A_1315 = tpu.vector_load %arg22[%get3A_1314] {strides = array<i32>} : memref<128xf32, #tpu.memory_space<vmem>>, vector<16xf32>,
    %mul3A_1316 = arith.constant 14.2857141 : f32
    %mul3A_1317 = vector.broadcast %mul3A_1316 : f32 to vector<16xf32>
    %mul3A_1318 = arith.mulf %get3A_1315, %mul3A_1317 : vector<16xf32>
    %exp3A_1319 = math.exp %mul3A_1318 : vector<16xf32>
    %add3A_1320 = arith.addf %add3A_1313, %exp3A_1319 : vector<16xf32>
    %get3A_1321 = arith.constant 32 : index
    %get3A_1322 = tpu.vector_load %arg23[%get3A_1321] {strides = array<i32>} : memref<128xf32, #tpu.memory_space<vmem>>, vector<16xf32>,
    %mul3A_1323 = arith.constant 14.2857141 : f32
    %mul3A_1324 = vector.broadcast %mul3A_1323 : f32 to vector<16xf32>
    %mul3A_1325 = arith.mulf %get3A_1322, %mul3A_1324 : vector<16xf32>
    %exp3A_1326 = math.exp %mul3A_1325 : vector<16xf32>
    %add3A_1327 = arith.addf %add3A_1320, %exp3A_1326 : vector<16xf32>
    %get3A_1328 = arith.constant 32 : index
    %get3A_1329 = tpu.vector_load %arg24[%get3A_1328] {strides = array<i32>} : memref<128xf32, #tpu.memory_space<vmem>>, vector<16xf32>,
    %mul3A_1330 = arith.constant 14.2857141 : f32
    %mul3A_1331 = vector.broadcast %mul3A_1330 : f32 to vector<16xf32>
    %mul3A_1332 = arith.mulf %get3A_1329, %mul3A_1331 : vector<16xf32>
    %exp3A_1333 = math.exp %mul3A_1332 : vector<16xf32>
    %add3A_1334 = arith.addf %add3A_1327, %exp3A_1333 : vector<16xf32>
    %get3A_1335 = arith.constant 32 : index
    %get3A_1336 = tpu.vector_load %arg25[%get3A_1335] {strides = array<i32>} : memref<128xf32, #tpu.memory_space<vmem>>, vector<16xf32>,
    %mul3A_1337 = arith.constant 14.2857141 : f32
    %mul3A_1338 = vector.broadcast %mul3A_1337 : f32 to vector<16xf32>
    %mul3A_1339 = arith.mulf %get3A_1336, %mul3A_1338 : vector<16xf32>
    %exp3A_1340 = math.exp %mul3A_1339 : vector<16xf32>
    %add3A_1341 = arith.addf %add3A_1334, %exp3A_1340 : vector<16xf32>
    %get3A_1342 = arith.constant 32 : index
    %get3A_1343 = tpu.vector_load %arg26[%get3A_1342] {strides = array<i32>} : memref<128xf32, #tpu.memory_space<vmem>>, vector<16xf32>,
    %mul3A_1344 = arith.constant 14.2857141 : f32
    %mul3A_1345 = vector.broadcast %mul3A_1344 : f32 to vector<16xf32>
    %mul3A_1346 = arith.mulf %get3A_1343, %mul3A_1345 : vector<16xf32>
    %exp3A_1347 = math.exp %mul3A_1346 : vector<16xf32>
    %add3A_1348 = arith.addf %add3A_1341, %exp3A_1347 : vector<16xf32>
    %mul3A_1349 = arith.constant 1.250000e-01 : f32
    %mul3A_1350 = vector.broadcast %mul3A_1349 : f32 to vector<16xf32>
    %mul3A_1351 = arith.mulf %add3A_1348, %mul3A_1350 : vector<16xf32>
    %add3A_1352 = arith.addf %exp3A_1293, %mul3A_1351 : vector<16xf32>
    %div3A_1353 = arith.divf %exp3A_1293, %add3A_1352 : vector<16xf32>
    %swap3A_1354 = arith.constant 32 : index
    %swap3A_1355 = tpu.vector_load %arg8[%swap3A_1354] {strides = array<i32>} : memref<128xf32, #tpu.memory_space<vmem>>, vector<16xf32>,
    tpu.vector_store %arg8[%swap3A_1354], %div3A_1353 {strides = array<i32>} : memref<128xf32, #tpu.memory_space<vmem>>, vector<16xf32>,
    %get3A_1356 = arith.constant 48 : index
    %get3A_1357 = tpu.vector_load %arg18[%get3A_1356] {strides = array<i32>} : memref<128xf32, #tpu.memory_space<vmem>>, vector<16xf32>,
    %mul3A_1358 = arith.constant 14.2857141 : f32
    %mul3A_1359 = vector.broadcast %mul3A_1358 : f32 to vector<16xf32>
    %mul3A_1360 = arith.mulf %get3A_1357, %mul3A_1359 : vector<16xf32>
    %exp3A_1361 = math.exp %mul3A_1360 : vector<16xf32>
    %get3A_1362 = arith.constant 48 : index
    %get3A_1363 = tpu.vector_load %arg19[%get3A_1362] {strides = array<i32>} : memref<128xf32, #tpu.memory_space<vmem>>, vector<16xf32>,
    %mul3A_1364 = arith.constant 14.2857141 : f32
    %mul3A_1365 = vector.broadcast %mul3A_1364 : f32 to vector<16xf32>
    %mul3A_1366 = arith.mulf %get3A_1363, %mul3A_1365 : vector<16xf32>
    %exp3A_1367 = math.exp %mul3A_1366 : vector<16xf32>
    %get3A_1368 = arith.constant 48 : index
    %get3A_1369 = tpu.vector_load %arg20[%get3A_1368] {strides = array<i32>} : memref<128xf32, #tpu.memory_space<vmem>>, vector<16xf32>,
    %mul3A_1370 = arith.constant 14.2857141 : f32
    %mul3A_1371 = vector.broadcast %mul3A_1370 : f32 to vector<16xf32>
    %mul3A_1372 = arith.mulf %get3A_1369, %mul3A_1371 : vector<16xf32>
    %exp3A_1373 = math.exp %mul3A_1372 : vector<16xf32>
    %add3A_1374 = arith.addf %exp3A_1367, %exp3A_1373 : vector<16xf32>
    %get3A_1375 = arith.constant 48 : index
    %get3A_1376 = tpu.vector_load %arg21[%get3A_1375] {strides = array<i32>} : memref<128xf32, #tpu.memory_space<vmem>>, vector<16xf32>,
    %mul3A_1377 = arith.constant 14.2857141 : f32
    %mul3A_1378 = vector.broadcast %mul3A_1377 : f32 to vector<16xf32>
    %mul3A_1379 = arith.mulf %get3A_1376, %mul3A_1378 : vector<16xf32>
    %exp3A_1380 = math.exp %mul3A_1379 : vector<16xf32>
    %add3A_1381 = arith.addf %add3A_1374, %exp3A_1380 : vector<16xf32>
    %get3A_1382 = arith.constant 48 : index
    %get3A_1383 = tpu.vector_load %arg22[%get3A_1382] {strides = array<i32>} : memref<128xf32, #tpu.memory_space<vmem>>, vector<16xf32>,
    %mul3A_1384 = arith.constant 14.2857141 : f32
    %mul3A_1385 = vector.broadcast %mul3A_1384 : f32 to vector<16xf32>
    %mul3A_1386 = arith.mulf %get3A_1383, %mul3A_1385 : vector<16xf32>
    %exp3A_1387 = math.exp %mul3A_1386 : vector<16xf32>
    %add3A_1388 = arith.addf %add3A_1381, %exp3A_1387 : vector<16xf32>
    %get3A_1389 = arith.constant 48 : index
    %get3A_1390 = tpu.vector_load %arg23[%get3A_1389] {strides = array<i32>} : memref<128xf32, #tpu.memory_space<vmem>>, vector<16xf32>,
    %mul3A_1391 = arith.constant 14.2857141 : f32
    %mul3A_1392 = vector.broadcast %mul3A_1391 : f32 to vector<16xf32>
    %mul3A_1393 = arith.mulf %get3A_1390, %mul3A_1392 : vector<16xf32>
    %exp3A_1394 = math.exp %mul3A_1393 : vector<16xf32>
    %add3A_1395 = arith.addf %add3A_1388, %exp3A_1394 : vector<16xf32>
    %get3A_1396 = arith.constant 48 : index
    %get3A_1397 = tpu.vector_load %arg24[%get3A_1396] {strides = array<i32>} : memref<128xf32, #tpu.memory_space<vmem>>, vector<16xf32>,
    %mul3A_1398 = arith.constant 14.2857141 : f32
    %mul3A_1399 = vector.broadcast %mul3A_1398 : f32 to vector<16xf32>
    %mul3A_1400 = arith.mulf %get3A_1397, %mul3A_1399 : vector<16xf32>
    %exp3A_1401 = math.exp %mul3A_1400 : vector<16xf32>
    %add3A_1402 = arith.addf %add3A_1395, %exp3A_1401 : vector<16xf32>
    %get3A_1403 = arith.constant 48 : index
    %get3A_1404 = tpu.vector_load %arg25[%get3A_1403] {strides = array<i32>} : memref<128xf32, #tpu.memory_space<vmem>>, vector<16xf32>,
    %mul3A_1405 = arith.constant 14.2857141 : f32
    %mul3A_1406 = vector.broadcast %mul3A_1405 : f32 to vector<16xf32>
    %mul3A_1407 = arith.mulf %get3A_1404, %mul3A_1406 : vector<16xf32>
    %exp3A_1408 = math.exp %mul3A_1407 : vector<16xf32>
    %add3A_1409 = arith.addf %add3A_1402, %exp3A_1408 : vector<16xf32>
    %get3A_1410 = arith.constant 48 : index
    %get3A_1411 = tpu.vector_load %arg26[%get3A_1410] {strides = array<i32>} : memref<128xf32, #tpu.memory_space<vmem>>, vector<16xf32>,
    %mul3A_1412 = arith.constant 14.2857141 : f32
    %mul3A_1413 = vector.broadcast %mul3A_1412 : f32 to vector<16xf32>
    %mul3A_1414 = arith.mulf %get3A_1411, %mul3A_1413 : vector<16xf32>
    %exp3A_1415 = math.exp %mul3A_1414 : vector<16xf32>
    %add3A_1416 = arith.addf %add3A_1409, %exp3A_1415 : vector<16xf32>
    %mul3A_1417 = arith.constant 1.250000e-01 : f32
    %mul3A_1418 = vector.broadcast %mul3A_1417 : f32 to vector<16xf32>
    %mul3A_1419 = arith.mulf %add3A_1416, %mul3A_1418 : vector<16xf32>
    %add3A_1420 = arith.addf %exp3A_1361, %mul3A_1419 : vector<16xf32>
    %div3A_1421 = arith.divf %exp3A_1361, %add3A_1420 : vector<16xf32>
    %swap3A_1422 = arith.constant 48 : index
    %swap3A_1423 = tpu.vector_load %arg8[%swap3A_1422] {strides = array<i32>} : memref<128xf32, #tpu.memory_space<vmem>>, vector<16xf32>,
    tpu.vector_store %arg8[%swap3A_1422], %div3A_1421 {strides = array<i32>} : memref<128xf32, #tpu.memory_space<vmem>>, vector<16xf32>,
    %get3A_1424 = arith.constant 64 : index
    %get3A_1425 = tpu.vector_load %arg18[%get3A_1424] {strides = array<i32>} : memref<128xf32, #tpu.memory_space<vmem>>, vector<16xf32>,
    %mul3A_1426 = arith.constant 14.2857141 : f32
    %mul3A_1427 = vector.broadcast %mul3A_1426 : f32 to vector<16xf32>
    %mul3A_1428 = arith.mulf %get3A_1425, %mul3A_1427 : vector<16xf32>
    %exp3A_1429 = math.exp %mul3A_1428 : vector<16xf32>
    %get3A_1430 = arith.constant 64 : index
    %get3A_1431 = tpu.vector_load %arg19[%get3A_1430] {strides = array<i32>} : memref<128xf32, #tpu.memory_space<vmem>>, vector<16xf32>,
    %mul3A_1432 = arith.constant 14.2857141 : f32
    %mul3A_1433 = vector.broadcast %mul3A_1432 : f32 to vector<16xf32>
    %mul3A_1434 = arith.mulf %get3A_1431, %mul3A_1433 : vector<16xf32>
    %exp3A_1435 = math.exp %mul3A_1434 : vector<16xf32>
    %get3A_1436 = arith.constant 64 : index
    %get3A_1437 = tpu.vector_load %arg20[%get3A_1436] {strides = array<i32>} : memref<128xf32, #tpu.memory_space<vmem>>, vector<16xf32>,
    %mul3A_1438 = arith.constant 14.2857141 : f32
    %mul3A_1439 = vector.broadcast %mul3A_1438 : f32 to vector<16xf32>
    %mul3A_1440 = arith.mulf %get3A_1437, %mul3A_1439 : vector<16xf32>
    %exp3A_1441 = math.exp %mul3A_1440 : vector<16xf32>
    %add3A_1442 = arith.addf %exp3A_1435, %exp3A_1441 : vector<16xf32>
    %get3A_1443 = arith.constant 64 : index
    %get3A_1444 = tpu.vector_load %arg21[%get3A_1443] {strides = array<i32>} : memref<128xf32, #tpu.memory_space<vmem>>, vector<16xf32>,
    %mul3A_1445 = arith.constant 14.2857141 : f32
    %mul3A_1446 = vector.broadcast %mul3A_1445 : f32 to vector<16xf32>
    %mul3A_1447 = arith.mulf %get3A_1444, %mul3A_1446 : vector<16xf32>
    %exp3A_1448 = math.exp %mul3A_1447 : vector<16xf32>
    %add3A_1449 = arith.addf %add3A_1442, %exp3A_1448 : vector<16xf32>
    %get3A_1450 = arith.constant 64 : index
    %get3A_1451 = tpu.vector_load %arg22[%get3A_1450] {strides = array<i32>} : memref<128xf32, #tpu.memory_space<vmem>>, vector<16xf32>,
    %mul3A_1452 = arith.constant 14.2857141 : f32
    %mul3A_1453 = vector.broadcast %mul3A_1452 : f32 to vector<16xf32>
    %mul3A_1454 = arith.mulf %get3A_1451, %mul3A_1453 : vector<16xf32>
    %exp3A_1455 = math.exp %mul3A_1454 : vector<16xf32>
    %add3A_1456 = arith.addf %add3A_1449, %exp3A_1455 : vector<16xf32>
    %get3A_1457 = arith.constant 64 : index
    %get3A_1458 = tpu.vector_load %arg23[%get3A_1457] {strides = array<i32>} : memref<128xf32, #tpu.memory_space<vmem>>, vector<16xf32>,
    %mul3A_1459 = arith.constant 14.2857141 : f32
    %mul3A_1460 = vector.broadcast %mul3A_1459 : f32 to vector<16xf32>
    %mul3A_1461 = arith.mulf %get3A_1458, %mul3A_1460 : vector<16xf32>
    %exp3A_1462 = math.exp %mul3A_1461 : vector<16xf32>
    %add3A_1463 = arith.addf %add3A_1456, %exp3A_1462 : vector<16xf32>
    %get3A_1464 = arith.constant 64 : index
    %get3A_1465 = tpu.vector_load %arg24[%get3A_1464] {strides = array<i32>} : memref<128xf32, #tpu.memory_space<vmem>>, vector<16xf32>,
    %mul3A_1466 = arith.constant 14.2857141 : f32
    %mul3A_1467 = vector.broadcast %mul3A_1466 : f32 to vector<16xf32>
    %mul3A_1468 = arith.mulf %get3A_1465, %mul3A_1467 : vector<16xf32>
    %exp3A_1469 = math.exp %mul3A_1468 : vector<16xf32>
    %add3A_1470 = arith.addf %add3A_1463, %exp3A_1469 : vector<16xf32>
    %get3A_1471 = arith.constant 64 : index
    %get3A_1472 = tpu.vector_load %arg25[%get3A_1471] {strides = array<i32>} : memref<128xf32, #tpu.memory_space<vmem>>, vector<16xf32>,
    %mul3A_1473 = arith.constant 14.2857141 : f32
    %mul3A_1474 = vector.broadcast %mul3A_1473 : f32 to vector<16xf32>
    %mul3A_1475 = arith.mulf %get3A_1472, %mul3A_1474 : vector<16xf32>
    %exp3A_1476 = math.exp %mul3A_1475 : vector<16xf32>
    %add3A_1477 = arith.addf %add3A_1470, %exp3A_1476 : vector<16xf32>
    %get3A_1478 = arith.constant 64 : index
    %get3A_1479 = tpu.vector_load %arg26[%get3A_1478] {strides = array<i32>} : memref<128xf32, #tpu.memory_space<vmem>>, vector<16xf32>,
    %mul3A_1480 = arith.constant 14.2857141 : f32
    %mul3A_1481 = vector.broadcast %mul3A_1480 : f32 to vector<16xf32>
    %mul3A_1482 = arith.mulf %get3A_1479, %mul3A_1481 : vector<16xf32>
    %exp3A_1483 = math.exp %mul3A_1482 : vector<16xf32>
    %add3A_1484 = arith.addf %add3A_1477, %exp3A_1483 : vector<16xf32>
    %mul3A_1485 = arith.constant 1.250000e-01 : f32
    %mul3A_1486 = vector.broadcast %mul3A_1485 : f32 to vector<16xf32>
    %mul3A_1487 = arith.mulf %add3A_1484, %mul3A_1486 : vector<16xf32>
    %add3A_1488 = arith.addf %exp3A_1429, %mul3A_1487 : vector<16xf32>
    %div3A_1489 = arith.divf %exp3A_1429, %add3A_1488 : vector<16xf32>
    %swap3A_1490 = arith.constant 64 : index
    %swap3A_1491 = tpu.vector_load %arg8[%swap3A_1490] {strides = array<i32>} : memref<128xf32, #tpu.memory_space<vmem>>, vector<16xf32>,
    tpu.vector_store %arg8[%swap3A_1490], %div3A_1489 {strides = array<i32>} : memref<128xf32, #tpu.memory_space<vmem>>, vector<16xf32>,
    %get3A_1492 = arith.constant 80 : index
    %get3A_1493 = tpu.vector_load %arg18[%get3A_1492] {strides = array<i32>} : memref<128xf32, #tpu.memory_space<vmem>>, vector<16xf32>,
    %mul3A_1494 = arith.constant 14.2857141 : f32
    %mul3A_1495 = vector.broadcast %mul3A_1494 : f32 to vector<16xf32>
    %mul3A_1496 = arith.mulf %get3A_1493, %mul3A_1495 : vector<16xf32>
    %exp3A_1497 = math.exp %mul3A_1496 : vector<16xf32>
    %get3A_1498 = arith.constant 80 : index
    %get3A_1499 = tpu.vector_load %arg19[%get3A_1498] {strides = array<i32>} : memref<128xf32, #tpu.memory_space<vmem>>, vector<16xf32>,
    %mul3A_1500 = arith.constant 14.2857141 : f32
    %mul3A_1501 = vector.broadcast %mul3A_1500 : f32 to vector<16xf32>
    %mul3A_1502 = arith.mulf %get3A_1499, %mul3A_1501 : vector<16xf32>
    %exp3A_1503 = math.exp %mul3A_1502 : vector<16xf32>
    %get3A_1504 = arith.constant 80 : index
    %get3A_1505 = tpu.vector_load %arg20[%get3A_1504] {strides = array<i32>} : memref<128xf32, #tpu.memory_space<vmem>>, vector<16xf32>,
    %mul3A_1506 = arith.constant 14.2857141 : f32
    %mul3A_1507 = vector.broadcast %mul3A_1506 : f32 to vector<16xf32>
    %mul3A_1508 = arith.mulf %get3A_1505, %mul3A_1507 : vector<16xf32>
    %exp3A_1509 = math.exp %mul3A_1508 : vector<16xf32>
    %add3A_1510 = arith.addf %exp3A_1503, %exp3A_1509 : vector<16xf32>
    %get3A_1511 = arith.constant 80 : index
    %get3A_1512 = tpu.vector_load %arg21[%get3A_1511] {strides = array<i32>} : memref<128xf32, #tpu.memory_space<vmem>>, vector<16xf32>,
    %mul3A_1513 = arith.constant 14.2857141 : f32
    %mul3A_1514 = vector.broadcast %mul3A_1513 : f32 to vector<16xf32>
    %mul3A_1515 = arith.mulf %get3A_1512, %mul3A_1514 : vector<16xf32>
    %exp3A_1516 = math.exp %mul3A_1515 : vector<16xf32>
    %add3A_1517 = arith.addf %add3A_1510, %exp3A_1516 : vector<16xf32>
    %get3A_1518 = arith.constant 80 : index
    %get3A_1519 = tpu.vector_load %arg22[%get3A_1518] {strides = array<i32>} : memref<128xf32, #tpu.memory_space<vmem>>, vector<16xf32>,
    %mul3A_1520 = arith.constant 14.2857141 : f32
    %mul3A_1521 = vector.broadcast %mul3A_1520 : f32 to vector<16xf32>
    %mul3A_1522 = arith.mulf %get3A_1519, %mul3A_1521 : vector<16xf32>
    %exp3A_1523 = math.exp %mul3A_1522 : vector<16xf32>
    %add3A_1524 = arith.addf %add3A_1517, %exp3A_1523 : vector<16xf32>
    %get3A_1525 = arith.constant 80 : index
    %get3A_1526 = tpu.vector_load %arg23[%get3A_1525] {strides = array<i32>} : memref<128xf32, #tpu.memory_space<vmem>>, vector<16xf32>,
    %mul3A_1527 = arith.constant 14.2857141 : f32
    %mul3A_1528 = vector.broadcast %mul3A_1527 : f32 to vector<16xf32>
    %mul3A_1529 = arith.mulf %get3A_1526, %mul3A_1528 : vector<16xf32>
    %exp3A_1530 = math.exp %mul3A_1529 : vector<16xf32>
    %add3A_1531 = arith.addf %add3A_1524, %exp3A_1530 : vector<16xf32>
    %get3A_1532 = arith.constant 80 : index
    %get3A_1533 = tpu.vector_load %arg24[%get3A_1532] {strides = array<i32>} : memref<128xf32, #tpu.memory_space<vmem>>, vector<16xf32>,
    %mul3A_1534 = arith.constant 14.2857141 : f32
    %mul3A_1535 = vector.broadcast %mul3A_1534 : f32 to vector<16xf32>
    %mul3A_1536 = arith.mulf %get3A_1533, %mul3A_1535 : vector<16xf32>
    %exp3A_1537 = math.exp %mul3A_1536 : vector<16xf32>
    %add3A_1538 = arith.addf %add3A_1531, %exp3A_1537 : vector<16xf32>
    %get3A_1539 = arith.constant 80 : index
    %get3A_1540 = tpu.vector_load %arg25[%get3A_1539] {strides = array<i32>} : memref<128xf32, #tpu.memory_space<vmem>>, vector<16xf32>,
    %mul3A_1541 = arith.constant 14.2857141 : f32
    %mul3A_1542 = vector.broadcast %mul3A_1541 : f32 to vector<16xf32>
    %mul3A_1543 = arith.mulf %get3A_1540, %mul3A_1542 : vector<16xf32>
    %exp3A_1544 = math.exp %mul3A_1543 : vector<16xf32>
    %add3A_1545 = arith.addf %add3A_1538, %exp3A_1544 : vector<16xf32>
    %get3A_1546 = arith.constant 80 : index
    %get3A_1547 = tpu.vector_load %arg26[%get3A_1546] {strides = array<i32>} : memref<128xf32, #tpu.memory_space<vmem>>, vector<16xf32>,
    %mul3A_1548 = arith.constant 14.2857141 : f32
    %mul3A_1549 = vector.broadcast %mul3A_1548 : f32 to vector<16xf32>
    %mul3A_1550 = arith.mulf %get3A_1547, %mul3A_1549 : vector<16xf32>
    %exp3A_1551 = math.exp %mul3A_1550 : vector<16xf32>
    %add3A_1552 = arith.addf %add3A_1545, %exp3A_1551 : vector<16xf32>
    %mul3A_1553 = arith.constant 1.250000e-01 : f32
    %mul3A_1554 = vector.broadcast %mul3A_1553 : f32 to vector<16xf32>
    %mul3A_1555 = arith.mulf %add3A_1552, %mul3A_1554 : vector<16xf32>
    %add3A_1556 = arith.addf %exp3A_1497, %mul3A_1555 : vector<16xf32>
    %div3A_1557 = arith.divf %exp3A_1497, %add3A_1556 : vector<16xf32>
    %swap3A_1558 = arith.constant 80 : index
    %swap3A_1559 = tpu.vector_load %arg8[%swap3A_1558] {strides = array<i32>} : memref<128xf32, #tpu.memory_space<vmem>>, vector<16xf32>,
    tpu.vector_store %arg8[%swap3A_1558], %div3A_1557 {strides = array<i32>} : memref<128xf32, #tpu.memory_space<vmem>>, vector<16xf32>,
    %get3A_1560 = arith.constant 96 : index
    %get3A_1561 = tpu.vector_load %arg18[%get3A_1560] {strides = array<i32>} : memref<128xf32, #tpu.memory_space<vmem>>, vector<16xf32>,
    %mul3A_1562 = arith.constant 14.2857141 : f32
    %mul3A_1563 = vector.broadcast %mul3A_1562 : f32 to vector<16xf32>
    %mul3A_1564 = arith.mulf %get3A_1561, %mul3A_1563 : vector<16xf32>
    %exp3A_1565 = math.exp %mul3A_1564 : vector<16xf32>
    %get3A_1566 = arith.constant 96 : index
    %get3A_1567 = tpu.vector_load %arg19[%get3A_1566] {strides = array<i32>} : memref<128xf32, #tpu.memory_space<vmem>>, vector<16xf32>,
    %mul3A_1568 = arith.constant 14.2857141 : f32
    %mul3A_1569 = vector.broadcast %mul3A_1568 : f32 to vector<16xf32>
    %mul3A_1570 = arith.mulf %get3A_1567, %mul3A_1569 : vector<16xf32>
    %exp3A_1571 = math.exp %mul3A_1570 : vector<16xf32>
    %get3A_1572 = arith.constant 96 : index
    %get3A_1573 = tpu.vector_load %arg20[%get3A_1572] {strides = array<i32>} : memref<128xf32, #tpu.memory_space<vmem>>, vector<16xf32>,
    %mul3A_1574 = arith.constant 14.2857141 : f32
    %mul3A_1575 = vector.broadcast %mul3A_1574 : f32 to vector<16xf32>
    %mul3A_1576 = arith.mulf %get3A_1573, %mul3A_1575 : vector<16xf32>
    %exp3A_1577 = math.exp %mul3A_1576 : vector<16xf32>
    %add3A_1578 = arith.addf %exp3A_1571, %exp3A_1577 : vector<16xf32>
    %get3A_1579 = arith.constant 96 : index
    %get3A_1580 = tpu.vector_load %arg21[%get3A_1579] {strides = array<i32>} : memref<128xf32, #tpu.memory_space<vmem>>, vector<16xf32>,
    %mul3A_1581 = arith.constant 14.2857141 : f32
    %mul3A_1582 = vector.broadcast %mul3A_1581 : f32 to vector<16xf32>
    %mul3A_1583 = arith.mulf %get3A_1580, %mul3A_1582 : vector<16xf32>
    %exp3A_1584 = math.exp %mul3A_1583 : vector<16xf32>
    %add3A_1585 = arith.addf %add3A_1578, %exp3A_1584 : vector<16xf32>
    %get3A_1586 = arith.constant 96 : index
    %get3A_1587 = tpu.vector_load %arg22[%get3A_1586] {strides = array<i32>} : memref<128xf32, #tpu.memory_space<vmem>>, vector<16xf32>,
    %mul3A_1588 = arith.constant 14.2857141 : f32
    %mul3A_1589 = vector.broadcast %mul3A_1588 : f32 to vector<16xf32>
    %mul3A_1590 = arith.mulf %get3A_1587, %mul3A_1589 : vector<16xf32>
    %exp3A_1591 = math.exp %mul3A_1590 : vector<16xf32>
    %add3A_1592 = arith.addf %add3A_1585, %exp3A_1591 : vector<16xf32>
    %get3A_1593 = arith.constant 96 : index
    %get3A_1594 = tpu.vector_load %arg23[%get3A_1593] {strides = array<i32>} : memref<128xf32, #tpu.memory_space<vmem>>, vector<16xf32>,
    %mul3A_1595 = arith.constant 14.2857141 : f32
    %mul3A_1596 = vector.broadcast %mul3A_1595 : f32 to vector<16xf32>
    %mul3A_1597 = arith.mulf %get3A_1594, %mul3A_1596 : vector<16xf32>
    %exp3A_1598 = math.exp %mul3A_1597 : vector<16xf32>
    %add3A_1599 = arith.addf %add3A_1592, %exp3A_1598 : vector<16xf32>
    %get3A_1600 = arith.constant 96 : index
    %get3A_1601 = tpu.vector_load %arg24[%get3A_1600] {strides = array<i32>} : memref<128xf32, #tpu.memory_space<vmem>>, vector<16xf32>,
    %mul3A_1602 = arith.constant 14.2857141 : f32
    %mul3A_1603 = vector.broadcast %mul3A_1602 : f32 to vector<16xf32>
    %mul3A_1604 = arith.mulf %get3A_1601, %mul3A_1603 : vector<16xf32>
    %exp3A_1605 = math.exp %mul3A_1604 : vector<16xf32>
    %add3A_1606 = arith.addf %add3A_1599, %exp3A_1605 : vector<16xf32>
    %get3A_1607 = arith.constant 96 : index
    %get3A_1608 = tpu.vector_load %arg25[%get3A_1607] {strides = array<i32>} : memref<128xf32, #tpu.memory_space<vmem>>, vector<16xf32>,
    %mul3A_1609 = arith.constant 14.2857141 : f32
    %mul3A_1610 = vector.broadcast %mul3A_1609 : f32 to vector<16xf32>
    %mul3A_1611 = arith.mulf %get3A_1608, %mul3A_1610 : vector<16xf32>
    %exp3A_1612 = math.exp %mul3A_1611 : vector<16xf32>
    %add3A_1613 = arith.addf %add3A_1606, %exp3A_1612 : vector<16xf32>
    %get3A_1614 = arith.constant 96 : index
    %get3A_1615 = tpu.vector_load %arg26[%get3A_1614] {strides = array<i32>} : memref<128xf32, #tpu.memory_space<vmem>>, vector<16xf32>,
    %mul3A_1616 = arith.constant 14.2857141 : f32
    %mul3A_1617 = vector.broadcast %mul3A_1616 : f32 to vector<16xf32>
    %mul3A_1618 = arith.mulf %get3A_1615, %mul3A_1617 : vector<16xf32>
    %exp3A_1619 = math.exp %mul3A_1618 : vector<16xf32>
    %add3A_1620 = arith.addf %add3A_1613, %exp3A_1619 : vector<16xf32>
    %mul3A_1621 = arith.constant 1.250000e-01 : f32
    %mul3A_1622 = vector.broadcast %mul3A_1621 : f32 to vector<16xf32>
    %mul3A_1623 = arith.mulf %add3A_1620, %mul3A_1622 : vector<16xf32>
    %add3A_1624 = arith.addf %exp3A_1565, %mul3A_1623 : vector<16xf32>
    %div3A_1625 = arith.divf %exp3A_1565, %add3A_1624 : vector<16xf32>
    %swap3A_1626 = arith.constant 96 : index
    %swap3A_1627 = tpu.vector_load %arg8[%swap3A_1626] {strides = array<i32>} : memref<128xf32, #tpu.memory_space<vmem>>, vector<16xf32>,
    tpu.vector_store %arg8[%swap3A_1626], %div3A_1625 {strides = array<i32>} : memref<128xf32, #tpu.memory_space<vmem>>, vector<16xf32>,
    %get3A_1628 = arith.constant 112 : index
    %get3A_1629 = tpu.vector_load %arg18[%get3A_1628] {strides = array<i32>} : memref<128xf32, #tpu.memory_space<vmem>>, vector<16xf32>,
    %mul3A_1630 = arith.constant 14.2857141 : f32
    %mul3A_1631 = vector.broadcast %mul3A_1630 : f32 to vector<16xf32>
    %mul3A_1632 = arith.mulf %get3A_1629, %mul3A_1631 : vector<16xf32>
    %exp3A_1633 = math.exp %mul3A_1632 : vector<16xf32>
    %get3A_1634 = arith.constant 112 : index
    %get3A_1635 = tpu.vector_load %arg19[%get3A_1634] {strides = array<i32>} : memref<128xf32, #tpu.memory_space<vmem>>, vector<16xf32>,
    %mul3A_1636 = arith.constant 14.2857141 : f32
    %mul3A_1637 = vector.broadcast %mul3A_1636 : f32 to vector<16xf32>
    %mul3A_1638 = arith.mulf %get3A_1635, %mul3A_1637 : vector<16xf32>
    %exp3A_1639 = math.exp %mul3A_1638 : vector<16xf32>
    %get3A_1640 = arith.constant 112 : index
    %get3A_1641 = tpu.vector_load %arg20[%get3A_1640] {strides = array<i32>} : memref<128xf32, #tpu.memory_space<vmem>>, vector<16xf32>,
    %mul3A_1642 = arith.constant 14.2857141 : f32
    %mul3A_1643 = vector.broadcast %mul3A_1642 : f32 to vector<16xf32>
    %mul3A_1644 = arith.mulf %get3A_1641, %mul3A_1643 : vector<16xf32>
    %exp3A_1645 = math.exp %mul3A_1644 : vector<16xf32>
    %add3A_1646 = arith.addf %exp3A_1639, %exp3A_1645 : vector<16xf32>
    %get3A_1647 = arith.constant 112 : index
    %get3A_1648 = tpu.vector_load %arg21[%get3A_1647] {strides = array<i32>} : memref<128xf32, #tpu.memory_space<vmem>>, vector<16xf32>,
    %mul3A_1649 = arith.constant 14.2857141 : f32
    %mul3A_1650 = vector.broadcast %mul3A_1649 : f32 to vector<16xf32>
    %mul3A_1651 = arith.mulf %get3A_1648, %mul3A_1650 : vector<16xf32>
    %exp3A_1652 = math.exp %mul3A_1651 : vector<16xf32>
    %add3A_1653 = arith.addf %add3A_1646, %exp3A_1652 : vector<16xf32>
    %get3A_1654 = arith.constant 112 : index
    %get3A_1655 = tpu.vector_load %arg22[%get3A_1654] {strides = array<i32>} : memref<128xf32, #tpu.memory_space<vmem>>, vector<16xf32>,
    %mul3A_1656 = arith.constant 14.2857141 : f32
    %mul3A_1657 = vector.broadcast %mul3A_1656 : f32 to vector<16xf32>
    %mul3A_1658 = arith.mulf %get3A_1655, %mul3A_1657 : vector<16xf32>
    %exp3A_1659 = math.exp %mul3A_1658 : vector<16xf32>
    %add3A_1660 = arith.addf %add3A_1653, %exp3A_1659 : vector<16xf32>
    %get3A_1661 = arith.constant 112 : index
    %get3A_1662 = tpu.vector_load %arg23[%get3A_1661] {strides = array<i32>} : memref<128xf32, #tpu.memory_space<vmem>>, vector<16xf32>,
    %mul3A_1663 = arith.constant 14.2857141 : f32
    %mul3A_1664 = vector.broadcast %mul3A_1663 : f32 to vector<16xf32>
    %mul3A_1665 = arith.mulf %get3A_1662, %mul3A_1664 : vector<16xf32>
    %exp3A_1666 = math.exp %mul3A_1665 : vector<16xf32>
    %add3A_1667 = arith.addf %add3A_1660, %exp3A_1666 : vector<16xf32>
    %get3A_1668 = arith.constant 112 : index
    %get3A_1669 = tpu.vector_load %arg24[%get3A_1668] {strides = array<i32>} : memref<128xf32, #tpu.memory_space<vmem>>, vector<16xf32>,
    %mul3A_1670 = arith.constant 14.2857141 : f32
    %mul3A_1671 = vector.broadcast %mul3A_1670 : f32 to vector<16xf32>
    %mul3A_1672 = arith.mulf %get3A_1669, %mul3A_1671 : vector<16xf32>
    %exp3A_1673 = math.exp %mul3A_1672 : vector<16xf32>
    %add3A_1674 = arith.addf %add3A_1667, %exp3A_1673 : vector<16xf32>
    %get3A_1675 = arith.constant 112 : index
    %get3A_1676 = tpu.vector_load %arg25[%get3A_1675] {strides = array<i32>} : memref<128xf32, #tpu.memory_space<vmem>>, vector<16xf32>,
    %mul3A_1677 = arith.constant 14.2857141 : f32
    %mul3A_1678 = vector.broadcast %mul3A_1677 : f32 to vector<16xf32>
    %mul3A_1679 = arith.mulf %get3A_1676, %mul3A_1678 : vector<16xf32>
    %exp3A_1680 = math.exp %mul3A_1679 : vector<16xf32>
    %add3A_1681 = arith.addf %add3A_1674, %exp3A_1680 : vector<16xf32>
    %get3A_1682 = arith.constant 112 : index
    %get3A_1683 = tpu.vector_load %arg26[%get3A_1682] {strides = array<i32>} : memref<128xf32, #tpu.memory_space<vmem>>, vector<16xf32>,
    %mul3A_1684 = arith.constant 14.2857141 : f32
    %mul3A_1685 = vector.broadcast %mul3A_1684 : f32 to vector<16xf32>
    %mul3A_1686 = arith.mulf %get3A_1683, %mul3A_1685 : vector<16xf32>
    %exp3A_1687 = math.exp %mul3A_1686 : vector<16xf32>
    %add3A_1688 = arith.addf %add3A_1681, %exp3A_1687 : vector<16xf32>
    %mul3A_1689 = arith.constant 1.250000e-01 : f32
    %mul3A_1690 = vector.broadcast %mul3A_1689 : f32 to vector<16xf32>
    %mul3A_1691 = arith.mulf %add3A_1688, %mul3A_1690 : vector<16xf32>
    %add3A_1692 = arith.addf %exp3A_1633, %mul3A_1691 : vector<16xf32>
    %div3A_1693 = arith.divf %exp3A_1633, %add3A_1692 : vector<16xf32>
    %swap3A_1694 = arith.constant 112 : index
    %swap3A_1695 = tpu.vector_load %arg8[%swap3A_1694] {strides = array<i32>} : memref<128xf32, #tpu.memory_space<vmem>>, vector<16xf32>,
    tpu.vector_store %arg8[%swap3A_1694], %div3A_1693 {strides = array<i32>} : memref<128xf32, #tpu.memory_space<vmem>>, vector<16xf32>,
    "tpu.region"() ({
      %run_scoped3A = tpu.sem_alloc : memref<!tpu.dma_semaphore, #tpu.memory_space<semaphore_mem>>
      %dma_start3A_1696 = arith.constant 0 : i32
      %dma_start3A_1697 = tpu.memref_slice %arg5[%add3A, %dma_start3A_1696] : memref<32x128xf32, #tpu.memory_space<hbm>> -> memref<1x128xf32, #tpu.memory_space<hbm>>
      %dma_start3A_1698 = tpu.memref_squeeze %dma_start3A_1697 : memref<1x128xf32, #tpu.memory_space<hbm>> -> memref<128xf32, #tpu.memory_space<hbm>>
      %dma_start3A_1699 = arith.constant 0 : i32
      %dma_start3A_1700 = tpu.memref_slice %arg5[%add3A, %dma_start3A_1699] : memref<32x128xf32, #tpu.memory_space<hbm>> -> memref<1x128xf32, #tpu.memory_space<hbm>>
      %dma_start3A_1701 = tpu.memref_squeeze %dma_start3A_1700 : memref<1x128xf32, #tpu.memory_space<hbm>> -> memref<128xf32, #tpu.memory_space<hbm>>
      tpu.enqueue_dma source(%arg8 : memref<128xf32, #tpu.memory_space<vmem>>) target(%dma_start3A_1701 : memref<128xf32, #tpu.memory_space<hbm>>) target_semaphore(%run_scoped3A : memref<!tpu.dma_semaphore, #tpu.memory_space<semaphore_mem>>)
      %dma_wait3A_1702 = arith.constant 0 : i32
      %dma_wait3A_1703 = tpu.memref_slice %arg5[%add3A, %dma_wait3A_1702] : memref<32x128xf32, #tpu.memory_space<hbm>> -> memref<1x128xf32, #tpu.memory_space<hbm>>
      %dma_wait3A_1704 = tpu.memref_squeeze %dma_wait3A_1703 : memref<1x128xf32, #tpu.memory_space<hbm>> -> memref<128xf32, #tpu.memory_space<hbm>>
      %dma_wait3A_1705 = arith.constant 0 : i32
      %dma_wait3A_1706 = tpu.memref_slice %arg5[%add3A, %dma_wait3A_1705] : memref<32x128xf32, #tpu.memory_space<hbm>> -> memref<1x128xf32, #tpu.memory_space<hbm>>
      %dma_wait3A_1707 = tpu.memref_squeeze %dma_wait3A_1706 : memref<1x128xf32, #tpu.memory_space<hbm>> -> memref<128xf32, #tpu.memory_space<hbm>>
      tpu.wait_dma2 semaphore(%run_scoped3A : memref<!tpu.dma_semaphore, #tpu.memory_space<semaphore_mem>>) src(%arg8 : memref<128xf32, #tpu.memory_space<vmem>>) dst(%dma_wait3A_1707 : memref<128xf32, #tpu.memory_space<hbm>>)
      tpu.yield
    }) : () -> ()
    return
  }
}

module attributes {stable_mosaic.version = 14 : i64} {
  func.func @_loss_body(%arg0: memref<32x128xf32, #tpu.memory_space<vmem>>, %arg1: memref<1x1xf32, #tpu.memory_space<vmem>>) attributes {dimension_semantics = [], scalar_prefetch = 0 : i64, scratch_operands = 0 : i64, tpu.core_type = #tpu.core_type<tc>} {
    %get3A = arith.constant 0 : index
    %get3A_0 = arith.constant 0 : index
    %get3A_1 = vector.load %arg0[%get3A, %get3A_0] : memref<32x128xf32, #tpu.memory_space<vmem>>, vector<32x128xf32>
    %log3A = math.log %get3A_1 : vector<32x128xf32>
    %neg3A = arith.constant 0.000000e+00 : f32
    %neg3A_2 = vector.broadcast %neg3A : f32 to vector<32x128xf32>
    %neg3A_3 = arith.subf %neg3A_2, %log3A : vector<32x128xf32>
    %reduce_sum3A = vector.shape_cast %neg3A_3 : vector<32x128xf32> to vector<1x32x128xf32>
    %reduce_sum3A_4 = arith.constant dense<0.000000e+00> : vector<1xf32>
    %reduce_sum3A_5 = vector.multi_reduction <add>, %reduce_sum3A, %reduce_sum3A_4 [1, 2] : vector<1x32x128xf32> to vector<1xf32>
    %reduce_sum3A_6 = vector.shape_cast %reduce_sum3A_5 : vector<1xf32> to vector<1x1x1xf32>
    %reduce_sum3A_7 = vector.extract %reduce_sum3A_6[0, 0, 0] : f32 from vector<1x1x1xf32>
    %mul3A = arith.constant 2.44140625E-4 : f32
    %mul3A_8 = arith.mulf %reduce_sum3A_7, %mul3A : f32
    %reshape3A = vector.broadcast %mul3A_8 : f32 to vector<1x1xf32>
    %swap3A = arith.constant 0 : index
    %swap3A_9 = arith.constant 0 : index
    %swap3A_10 = vector.load %arg1[%swap3A, %swap3A_9] : memref<1x1xf32, #tpu.memory_space<vmem>>, vector<1x1xf32>
    tpu.vector_store %arg1[%swap3A, %swap3A_9], %reshape3A {strides = array<i32>} : memref<1x1xf32, #tpu.memory_space<vmem>>, vector<1x1xf32>,
    return
  }
}

module attributes {stable_mosaic.version = 14 : i64} {
  func.func @_sim_body(%arg0: i32, %arg1: memref<1000x1000xf32, #tpu.memory_space<vmem>>, %arg2: memref<1000x1024xf32, #tpu.memory_space<vmem>>, %arg3: memref<1024x1024xf32, #tpu.memory_space<vmem>>, %arg4: memref<8x1024xi32, #tpu.memory_space<vmem>>, %arg5: memref<1024x8x128xf32, #tpu.memory_space<vmem>>, %arg6: memref<1024x1024xf32, #tpu.memory_space<vmem>>) attributes {dimension_semantics = [#tpu.dimension_semantics<arbitrary>], iteration_bounds = array<i64: 5>, scalar_prefetch = 0 : i64, scratch_operands = 1 : i64, tpu.core_type = #tpu.core_type<tc>, window_params = [{pipeline_mode = #tpu.pipeline_mode<synchronous>, transform_indices = @transform_0, window_bounds = array<i64: 1000, 1000>}, {pipeline_mode = #tpu.pipeline_mode<synchronous>, transform_indices = @transform_1, window_bounds = array<i64: 1000, 1024>}, {transform_indices = @transform_2, window_bounds = array<i64: 1024, 1024>}, {pipeline_mode = #tpu.pipeline_mode<synchronous>, transform_indices = @transform_3, window_bounds = array<i64: 8, 1024>}, {transform_indices = @transform_4, window_bounds = array<i64: 1024, 8, 128>}]} {
    %eq3A = arith.constant 0 : i32
    %eq3A_0 = arith.cmpi eq, %arg0, %eq3A : i32
    %convert_element_type3A = arith.extui %eq3A_0 : i1 to i32
    %cond3A = arith.constant 0 : i32
    %cond3A_1 = arith.cmpi ne, %convert_element_type3A, %cond3A : i32
    scf.if %cond3A_1 {
      %get3A = arith.constant 0 : index
      %get3A_6 = arith.constant 0 : index
      %get3A_7 = vector.load %arg1[%get3A, %get3A_6] : memref<1000x1000xf32, #tpu.memory_space<vmem>>, vector<1000x1000xf32>
      %iota3A = tpu.iota {dimensions = array<i32: 1>} : vector<1000x1000xi32>
      %reduce_max3A = arith.constant dense<0xFF800000> : vector<1000xf32>
      %reduce_max3A_8 = vector.multi_reduction <maximumf>, %get3A_7, %reduce_max3A [1] : vector<1000x1000xf32> to vector<1000xf32>
      %broadcast_in_dim3A = vector.shape_cast %reduce_max3A_8 : vector<1000xf32> to vector<1000x1xf32>
      %eq3A_9 = vector.broadcast %broadcast_in_dim3A : vector<1000x1xf32> to vector<1000x1000xf32>
      %eq3A_10 = arith.cmpf oeq, %get3A_7, %eq3A_9 : vector<1000x1000xf32>
      %jit3A = arith.constant 2048 : i32
      %broadcast_in_dim3A_11 = vector.broadcast %jit3A : i32 to vector<1000x1000xi32>
      %select_n3A = arith.select %eq3A_10, %iota3A, %broadcast_in_dim3A_11 : vector<1000x1000xi1>, vector<1000x1000xi32>
      %reduce_min3A = arith.constant dense<2147483647> : vector<1000xi32>
      %reduce_min3A_12 = vector.multi_reduction <minsi>, %select_n3A, %reduce_min3A [1] : vector<1000x1000xi32> to vector<1000xi32>
      %broadcast_in_dim3A_13 = vector.shape_cast %reduce_min3A_12 : vector<1000xi32> to vector<1000x1xi32>
      %eq3A_14 = vector.broadcast %broadcast_in_dim3A_13 : vector<1000x1xi32> to vector<1000x1000xi32>
      %eq3A_15 = arith.cmpi eq, %iota3A, %eq3A_14 : vector<1000x1000xi32>
      %jit3A_16 = arith.constant 0xFF800000 : f32
      %broadcast_in_dim3A_17 = vector.broadcast %jit3A_16 : f32 to vector<1000x1000xf32>
      %select_n3A_18 = arith.select %eq3A_15, %broadcast_in_dim3A_17, %get3A_7 : vector<1000x1000xi1>, vector<1000x1000xf32>
      %reduce_max3A_19 = arith.constant dense<0xFF800000> : vector<1000xf32>
      %reduce_max3A_20 = vector.multi_reduction <maximumf>, %select_n3A_18, %reduce_max3A_19 [1] : vector<1000x1000xf32> to vector<1000xf32>
      %broadcast_in_dim3A_21 = vector.shape_cast %reduce_max3A_20 : vector<1000xf32> to vector<1000x1xf32>
      %eq3A_22 = vector.broadcast %broadcast_in_dim3A_21 : vector<1000x1xf32> to vector<1000x1000xf32>
      %eq3A_23 = arith.cmpf oeq, %select_n3A_18, %eq3A_22 : vector<1000x1000xf32>
      %jit3A_24 = arith.constant 2048 : i32
      %broadcast_in_dim3A_25 = vector.broadcast %jit3A_24 : i32 to vector<1000x1000xi32>
      %select_n3A_26 = arith.select %eq3A_23, %iota3A, %broadcast_in_dim3A_25 : vector<1000x1000xi1>, vector<1000x1000xi32>
      %reduce_min3A_27 = arith.constant dense<2147483647> : vector<1000xi32>
      %reduce_min3A_28 = vector.multi_reduction <minsi>, %select_n3A_26, %reduce_min3A_27 [1] : vector<1000x1000xi32> to vector<1000xi32>
      %broadcast_in_dim3A_29 = vector.shape_cast %reduce_min3A_28 : vector<1000xi32> to vector<1000x1xi32>
      %eq3A_30 = vector.broadcast %broadcast_in_dim3A_29 : vector<1000x1xi32> to vector<1000x1000xi32>
      %eq3A_31 = arith.cmpi eq, %iota3A, %eq3A_30 : vector<1000x1000xi32>
      %jit3A_32 = arith.constant 0xFF800000 : f32
      %broadcast_in_dim3A_33 = vector.broadcast %jit3A_32 : f32 to vector<1000x1000xf32>
      %select_n3A_34 = arith.select %eq3A_31, %broadcast_in_dim3A_33, %select_n3A_18 : vector<1000x1000xi1>, vector<1000x1000xf32>
      %reduce_max3A_35 = arith.constant dense<0xFF800000> : vector<1000xf32>
      %reduce_max3A_36 = vector.multi_reduction <maximumf>, %select_n3A_34, %reduce_max3A_35 [1] : vector<1000x1000xf32> to vector<1000xf32>
      %broadcast_in_dim3A_37 = vector.shape_cast %reduce_max3A_36 : vector<1000xf32> to vector<1000x1xf32>
      %eq3A_38 = vector.broadcast %broadcast_in_dim3A_37 : vector<1000x1xf32> to vector<1000x1000xf32>
      %eq3A_39 = arith.cmpf oeq, %select_n3A_34, %eq3A_38 : vector<1000x1000xf32>
      %jit3A_40 = arith.constant 2048 : i32
      %broadcast_in_dim3A_41 = vector.broadcast %jit3A_40 : i32 to vector<1000x1000xi32>
      %select_n3A_42 = arith.select %eq3A_39, %iota3A, %broadcast_in_dim3A_41 : vector<1000x1000xi1>, vector<1000x1000xi32>
      %reduce_min3A_43 = arith.constant dense<2147483647> : vector<1000xi32>
      %reduce_min3A_44 = vector.multi_reduction <minsi>, %select_n3A_42, %reduce_min3A_43 [1] : vector<1000x1000xi32> to vector<1000xi32>
      %broadcast_in_dim3A_45 = vector.shape_cast %reduce_min3A_44 : vector<1000xi32> to vector<1000x1xi32>
      %eq3A_46 = vector.broadcast %broadcast_in_dim3A_45 : vector<1000x1xi32> to vector<1000x1000xi32>
      %eq3A_47 = arith.cmpi eq, %iota3A, %eq3A_46 : vector<1000x1000xi32>
      %jit3A_48 = arith.constant 0xFF800000 : f32
      %broadcast_in_dim3A_49 = vector.broadcast %jit3A_48 : f32 to vector<1000x1000xf32>
      %select_n3A_50 = arith.select %eq3A_47, %broadcast_in_dim3A_49, %select_n3A_34 : vector<1000x1000xi1>, vector<1000x1000xf32>
      %reduce_max3A_51 = arith.constant dense<0xFF800000> : vector<1000xf32>
      %reduce_max3A_52 = vector.multi_reduction <maximumf>, %select_n3A_50, %reduce_max3A_51 [1] : vector<1000x1000xf32> to vector<1000xf32>
      %broadcast_in_dim3A_53 = vector.shape_cast %reduce_max3A_52 : vector<1000xf32> to vector<1000x1xf32>
      %eq3A_54 = vector.broadcast %broadcast_in_dim3A_53 : vector<1000x1xf32> to vector<1000x1000xf32>
      %eq3A_55 = arith.cmpf oeq, %select_n3A_50, %eq3A_54 : vector<1000x1000xf32>
      %jit3A_56 = arith.constant 2048 : i32
      %broadcast_in_dim3A_57 = vector.broadcast %jit3A_56 : i32 to vector<1000x1000xi32>
      %select_n3A_58 = arith.select %eq3A_55, %iota3A, %broadcast_in_dim3A_57 : vector<1000x1000xi1>, vector<1000x1000xi32>
      %reduce_min3A_59 = arith.constant dense<2147483647> : vector<1000xi32>
      %reduce_min3A_60 = vector.multi_reduction <minsi>, %select_n3A_58, %reduce_min3A_59 [1] : vector<1000x1000xi32> to vector<1000xi32>
      %broadcast_in_dim3A_61 = vector.shape_cast %reduce_min3A_60 : vector<1000xi32> to vector<1000x1xi32>
      %eq3A_62 = vector.broadcast %broadcast_in_dim3A_61 : vector<1000x1xi32> to vector<1000x1000xi32>
      %eq3A_63 = arith.cmpi eq, %iota3A, %eq3A_62 : vector<1000x1000xi32>
      %jit3A_64 = arith.constant 0xFF800000 : f32
      %broadcast_in_dim3A_65 = vector.broadcast %jit3A_64 : f32 to vector<1000x1000xf32>
      %select_n3A_66 = arith.select %eq3A_63, %broadcast_in_dim3A_65, %select_n3A_50 : vector<1000x1000xi1>, vector<1000x1000xf32>
      %reduce_max3A_67 = arith.constant dense<0xFF800000> : vector<1000xf32>
      %reduce_max3A_68 = vector.multi_reduction <maximumf>, %select_n3A_66, %reduce_max3A_67 [1] : vector<1000x1000xf32> to vector<1000xf32>
      %broadcast_in_dim3A_69 = vector.shape_cast %reduce_max3A_68 : vector<1000xf32> to vector<1000x1xf32>
      %eq3A_70 = vector.broadcast %broadcast_in_dim3A_69 : vector<1000x1xf32> to vector<1000x1000xf32>
      %eq3A_71 = arith.cmpf oeq, %select_n3A_66, %eq3A_70 : vector<1000x1000xf32>
      %jit3A_72 = arith.constant 2048 : i32
      %broadcast_in_dim3A_73 = vector.broadcast %jit3A_72 : i32 to vector<1000x1000xi32>
      %select_n3A_74 = arith.select %eq3A_71, %iota3A, %broadcast_in_dim3A_73 : vector<1000x1000xi1>, vector<1000x1000xi32>
      %reduce_min3A_75 = arith.constant dense<2147483647> : vector<1000xi32>
      %reduce_min3A_76 = vector.multi_reduction <minsi>, %select_n3A_74, %reduce_min3A_75 [1] : vector<1000x1000xi32> to vector<1000xi32>
      %broadcast_in_dim3A_77 = vector.shape_cast %reduce_min3A_76 : vector<1000xi32> to vector<1000x1xi32>
      %eq3A_78 = vector.broadcast %broadcast_in_dim3A_77 : vector<1000x1xi32> to vector<1000x1000xi32>
      %eq3A_79 = arith.cmpi eq, %iota3A, %eq3A_78 : vector<1000x1000xi32>
      %jit3A_80 = arith.constant 0xFF800000 : f32
      %broadcast_in_dim3A_81 = vector.broadcast %jit3A_80 : f32 to vector<1000x1000xf32>
      %select_n3A_82 = arith.select %eq3A_79, %broadcast_in_dim3A_81, %select_n3A_66 : vector<1000x1000xi1>, vector<1000x1000xf32>
      %reduce_max3A_83 = arith.constant dense<0xFF800000> : vector<1000xf32>
      %reduce_max3A_84 = vector.multi_reduction <maximumf>, %select_n3A_82, %reduce_max3A_83 [1] : vector<1000x1000xf32> to vector<1000xf32>
      %broadcast_in_dim3A_85 = vector.shape_cast %reduce_max3A_84 : vector<1000xf32> to vector<1000x1xf32>
      %eq3A_86 = vector.broadcast %broadcast_in_dim3A_85 : vector<1000x1xf32> to vector<1000x1000xf32>
      %eq3A_87 = arith.cmpf oeq, %select_n3A_82, %eq3A_86 : vector<1000x1000xf32>
      %jit3A_88 = arith.constant 2048 : i32
      %broadcast_in_dim3A_89 = vector.broadcast %jit3A_88 : i32 to vector<1000x1000xi32>
      %select_n3A_90 = arith.select %eq3A_87, %iota3A, %broadcast_in_dim3A_89 : vector<1000x1000xi1>, vector<1000x1000xi32>
      %reduce_min3A_91 = arith.constant dense<2147483647> : vector<1000xi32>
      %reduce_min3A_92 = vector.multi_reduction <minsi>, %select_n3A_90, %reduce_min3A_91 [1] : vector<1000x1000xi32> to vector<1000xi32>
      %broadcast_in_dim3A_93 = vector.shape_cast %reduce_min3A_92 : vector<1000xi32> to vector<1000x1xi32>
      %eq3A_94 = vector.broadcast %broadcast_in_dim3A_93 : vector<1000x1xi32> to vector<1000x1000xi32>
      %eq3A_95 = arith.cmpi eq, %iota3A, %eq3A_94 : vector<1000x1000xi32>
      %jit3A_96 = arith.constant 0xFF800000 : f32
      %broadcast_in_dim3A_97 = vector.broadcast %jit3A_96 : f32 to vector<1000x1000xf32>
      %select_n3A_98 = arith.select %eq3A_95, %broadcast_in_dim3A_97, %select_n3A_82 : vector<1000x1000xi1>, vector<1000x1000xf32>
      %reduce_max3A_99 = arith.constant dense<0xFF800000> : vector<1000xf32>
      %reduce_max3A_100 = vector.multi_reduction <maximumf>, %select_n3A_98, %reduce_max3A_99 [1] : vector<1000x1000xf32> to vector<1000xf32>
      %broadcast_in_dim3A_101 = vector.shape_cast %reduce_max3A_100 : vector<1000xf32> to vector<1000x1xf32>
      %eq3A_102 = vector.broadcast %broadcast_in_dim3A_101 : vector<1000x1xf32> to vector<1000x1000xf32>
      %eq3A_103 = arith.cmpf oeq, %select_n3A_98, %eq3A_102 : vector<1000x1000xf32>
      %jit3A_104 = arith.constant 2048 : i32
      %broadcast_in_dim3A_105 = vector.broadcast %jit3A_104 : i32 to vector<1000x1000xi32>
      %select_n3A_106 = arith.select %eq3A_103, %iota3A, %broadcast_in_dim3A_105 : vector<1000x1000xi1>, vector<1000x1000xi32>
      %reduce_min3A_107 = arith.constant dense<2147483647> : vector<1000xi32>
      %reduce_min3A_108 = vector.multi_reduction <minsi>, %select_n3A_106, %reduce_min3A_107 [1] : vector<1000x1000xi32> to vector<1000xi32>
      %broadcast_in_dim3A_109 = vector.shape_cast %reduce_min3A_108 : vector<1000xi32> to vector<1000x1xi32>
      %eq3A_110 = vector.broadcast %broadcast_in_dim3A_109 : vector<1000x1xi32> to vector<1000x1000xi32>
      %eq3A_111 = arith.cmpi eq, %iota3A, %eq3A_110 : vector<1000x1000xi32>
      %jit3A_112 = arith.constant 0xFF800000 : f32
      %broadcast_in_dim3A_113 = vector.broadcast %jit3A_112 : f32 to vector<1000x1000xf32>
      %select_n3A_114 = arith.select %eq3A_111, %broadcast_in_dim3A_113, %select_n3A_98 : vector<1000x1000xi1>, vector<1000x1000xf32>
      %reduce_max3A_115 = arith.constant dense<0xFF800000> : vector<1000xf32>
      %reduce_max3A_116 = vector.multi_reduction <maximumf>, %select_n3A_114, %reduce_max3A_115 [1] : vector<1000x1000xf32> to vector<1000xf32>
      %broadcast_in_dim3A_117 = vector.shape_cast %reduce_max3A_116 : vector<1000xf32> to vector<1000x1xf32>
      %eq3A_118 = vector.broadcast %broadcast_in_dim3A_117 : vector<1000x1xf32> to vector<1000x1000xf32>
      %eq3A_119 = arith.cmpf oeq, %select_n3A_114, %eq3A_118 : vector<1000x1000xf32>
      %jit3A_120 = arith.constant 2048 : i32
      %broadcast_in_dim3A_121 = vector.broadcast %jit3A_120 : i32 to vector<1000x1000xi32>
      %select_n3A_122 = arith.select %eq3A_119, %iota3A, %broadcast_in_dim3A_121 : vector<1000x1000xi1>, vector<1000x1000xi32>
      %reduce_min3A_123 = arith.constant dense<2147483647> : vector<1000xi32>
      %reduce_min3A_124 = vector.multi_reduction <minsi>, %select_n3A_122, %reduce_min3A_123 [1] : vector<1000x1000xi32> to vector<1000xi32>
      %broadcast_in_dim3A_125 = vector.shape_cast %reduce_min3A_124 : vector<1000xi32> to vector<1000x1xi32>
      %concatenate3A = tpu.concatenate %broadcast_in_dim3A_13, %broadcast_in_dim3A_29, %broadcast_in_dim3A_45, %broadcast_in_dim3A_61, %broadcast_in_dim3A_77, %broadcast_in_dim3A_93, %broadcast_in_dim3A_109, %broadcast_in_dim3A_125 in 1 : vector<1000x1xi32>, vector<1000x1xi32>, vector<1000x1xi32>, vector<1000x1xi32>, vector<1000x1xi32>, vector<1000x1xi32>, vector<1000x1xi32>, vector<1000x1xi32> -> vector<1000x8xi32>
      %transpose3A = tpu.transpose %concatenate3A, [1, 0] : vector<1000x8xi32> -> vector<8x1000xi32>
      %broadcast_in_dim3A_126 = arith.constant 0 : i32
      %broadcast_in_dim3A_127 = vector.broadcast %broadcast_in_dim3A_126 : i32 to vector<8x24xi32>
      %concatenate3A_128 = tpu.concatenate %transpose3A, %broadcast_in_dim3A_127 in 1 : vector<8x1000xi32>, vector<8x24xi32> -> vector<8x1024xi32>
      %swap3A = arith.constant 0 : index
      %swap3A_129 = arith.constant 0 : index
      %swap3A_130 = vector.load %arg4[%swap3A, %swap3A_129] : memref<8x1024xi32, #tpu.memory_space<vmem>>, vector<8x1024xi32>
      tpu.vector_store %arg4[%swap3A, %swap3A_129], %concatenate3A_128 {strides = array<i32>} : memref<8x1024xi32, #tpu.memory_space<vmem>>, vector<8x1024xi32>,
      %get3A_131 = arith.constant 0 : index
      %get3A_132 = arith.constant 0 : index
      %get3A_133 = vector.load %arg2[%get3A_131, %get3A_132] : memref<1000x1024xf32, #tpu.memory_space<vmem>>, vector<1000x1024xf32>
      %mul3A = arith.mulf %get3A_133, %get3A_133 : vector<1000x1024xf32>
      %reduce_sum3A = arith.constant dense<0.000000e+00> : vector<1000xf32>
      %reduce_sum3A_134 = vector.multi_reduction <add>, %mul3A, %reduce_sum3A [1] : vector<1000x1024xf32> to vector<1000xf32>
      %broadcast_in_dim3A_135 = vector.shape_cast %reduce_sum3A_134 : vector<1000xf32> to vector<1000x1xf32>
      %sqrt3A = math.sqrt %broadcast_in_dim3A_135 : vector<1000x1xf32>
      %max3A = arith.constant 9.99999996E-13 : f32
      %max3A_136 = vector.broadcast %max3A : f32 to vector<1000x1xf32>
      %max3A_137 = arith.maximumf %sqrt3A, %max3A_136 : vector<1000x1xf32>
      %div3A = vector.broadcast %max3A_137 : vector<1000x1xf32> to vector<1000x1024xf32>
      %div3A_138 = arith.divf %get3A_133, %div3A : vector<1000x1024xf32>
      %swap3A_139 = arith.constant 0 : index
      %swap3A_140 = arith.constant 0 : index
      %swap3A_141 = vector.load %arg6[%swap3A_139, %swap3A_140] : memref<1024x1024xf32, #tpu.memory_space<vmem>>, vector<1000x1024xf32>
      tpu.vector_store %arg6[%swap3A_139, %swap3A_140], %div3A_138 {strides = array<i32>} : memref<1024x1024xf32, #tpu.memory_space<vmem>>, vector<1000x1024xf32>,
      %broadcast_in_dim3A_142 = arith.constant 0.000000e+00 : f32
      %broadcast_in_dim3A_143 = vector.broadcast %broadcast_in_dim3A_142 : f32 to vector<24x1024xf32>
      %swap3A_144 = arith.constant 1000 : index
      %swap3A_145 = arith.constant 0 : index
      %swap3A_146 = vector.load %arg6[%swap3A_144, %swap3A_145] : memref<1024x1024xf32, #tpu.memory_space<vmem>>, vector<24x1024xf32>
      tpu.vector_store %arg6[%swap3A_144, %swap3A_145], %broadcast_in_dim3A_143 {strides = array<i32>} : memref<1024x1024xf32, #tpu.memory_space<vmem>>, vector<24x1024xf32>,
    } else {
    }
    %gt3A = arith.constant 0 : i32
    %gt3A_2 = arith.cmpi sgt, %arg0, %gt3A : i32
    %convert_element_type3A_3 = arith.extui %gt3A_2 : i1 to i32
    %cond3A_4 = arith.constant 0 : i32
    %cond3A_5 = arith.cmpi ne, %convert_element_type3A_3, %cond3A_4 : i32
    scf.if %cond3A_5 {
      %get3A = arith.constant 0 : index
      %get3A_6 = arith.constant 0 : index
      %get3A_7 = vector.load %arg3[%get3A, %get3A_6] : memref<1024x1024xf32, #tpu.memory_space<vmem>>, vector<1024x1024xf32>
      %mul3A = arith.mulf %get3A_7, %get3A_7 : vector<1024x1024xf32>
      %reduce_sum3A = arith.constant dense<0.000000e+00> : vector<1024xf32>
      %reduce_sum3A_8 = vector.multi_reduction <add>, %mul3A, %reduce_sum3A [1] : vector<1024x1024xf32> to vector<1024xf32>
      %broadcast_in_dim3A = vector.shape_cast %reduce_sum3A_8 : vector<1024xf32> to vector<1024x1xf32>
      %sqrt3A = math.sqrt %broadcast_in_dim3A : vector<1024x1xf32>
      %max3A = arith.constant 9.99999996E-13 : f32
      %max3A_9 = vector.broadcast %max3A : f32 to vector<1024x1xf32>
      %max3A_10 = arith.maximumf %sqrt3A, %max3A_9 : vector<1024x1xf32>
      %div3A = arith.constant 1.000000e+00 : f32
      %div3A_11 = vector.broadcast %div3A : f32 to vector<1024x1xf32>
      %div3A_12 = arith.divf %div3A_11, %max3A_10 : vector<1024x1xf32>
      %mul3A_13 = vector.broadcast %div3A_12 : vector<1024x1xf32> to vector<1024x1024xf32>
      %mul3A_14 = arith.mulf %get3A_7, %mul3A_13 : vector<1024x1024xf32>
      %get3A_15 = arith.constant 0 : index
      %get3A_16 = arith.constant 0 : index
      %get3A_17 = vector.load %arg6[%get3A_15, %get3A_16] : memref<1024x1024xf32, #tpu.memory_space<vmem>>, vector<1024x1024xf32>
      %dot_general3A = arith.constant dense<0.000000e+00> : vector<1024x1024xf32>
      %dot_general3A_18 = tpu.matmul %mul3A_14, %get3A_17, %dot_general3A {dimension_numbers = #tpu.dot_dimension_numbers<[1], [1], [0], [0], [0, 0, 1, 0], [], []>, transpose_lhs_hint = false} : vector<1024x1024xf32>, vector<1024x1024xf32>, vector<1024x1024xf32> -> vector<1024x1024xf32>
      %slice3A = vector.extract_strided_slice %dot_general3A_18 {offsets = [0, 0], sizes = [1024, 128], strides = [1, 1]} : vector<1024x1024xf32> to vector<1024x128xf32>
      %swap3A = arith.constant 0 : index
      %swap3A_19 = arith.constant 0 : index
      %swap3A_20 = arith.constant 0 : index
      %swap3A_21 = vector.load %arg5[%swap3A, %swap3A_19, %swap3A_20] : memref<1024x8x128xf32, #tpu.memory_space<vmem>>, vector<1024x1x128xf32>
      %swap3A_22 = vector.shape_cast %swap3A_21 : vector<1024x1x128xf32> to vector<1024x128xf32>
      %swap3A_23 = vector.shape_cast %slice3A : vector<1024x128xf32> to vector<1024x1x128xf32>
      tpu.vector_store %arg5[%swap3A, %swap3A_19, %swap3A_20], %swap3A_23 {strides = array<i32>} : memref<1024x8x128xf32, #tpu.memory_space<vmem>>, vector<1024x1x128xf32>,
      %slice3A_24 = vector.extract_strided_slice %dot_general3A_18 {offsets = [0, 128], sizes = [1024, 128], strides = [1, 1]} : vector<1024x1024xf32> to vector<1024x128xf32>
      %swap3A_25 = arith.constant 0 : index
      %swap3A_26 = arith.constant 1 : index
      %swap3A_27 = arith.constant 0 : index
      %swap3A_28 = vector.load %arg5[%swap3A_25, %swap3A_26, %swap3A_27] : memref<1024x8x128xf32, #tpu.memory_space<vmem>>, vector<1024x1x128xf32>
      %swap3A_29 = vector.shape_cast %swap3A_28 : vector<1024x1x128xf32> to vector<1024x128xf32>
      %swap3A_30 = vector.shape_cast %slice3A_24 : vector<1024x128xf32> to vector<1024x1x128xf32>
      tpu.vector_store %arg5[%swap3A_25, %swap3A_26, %swap3A_27], %swap3A_30 {strides = array<i32>} : memref<1024x8x128xf32, #tpu.memory_space<vmem>>, vector<1024x1x128xf32>,
      %slice3A_31 = vector.extract_strided_slice %dot_general3A_18 {offsets = [0, 256], sizes = [1024, 128], strides = [1, 1]} : vector<1024x1024xf32> to vector<1024x128xf32>
      %swap3A_32 = arith.constant 0 : index
      %swap3A_33 = arith.constant 2 : index
      %swap3A_34 = arith.constant 0 : index
      %swap3A_35 = vector.load %arg5[%swap3A_32, %swap3A_33, %swap3A_34] : memref<1024x8x128xf32, #tpu.memory_space<vmem>>, vector<1024x1x128xf32>
      %swap3A_36 = vector.shape_cast %swap3A_35 : vector<1024x1x128xf32> to vector<1024x128xf32>
      %swap3A_37 = vector.shape_cast %slice3A_31 : vector<1024x128xf32> to vector<1024x1x128xf32>
      tpu.vector_store %arg5[%swap3A_32, %swap3A_33, %swap3A_34], %swap3A_37 {strides = array<i32>} : memref<1024x8x128xf32, #tpu.memory_space<vmem>>, vector<1024x1x128xf32>,
      %slice3A_38 = vector.extract_strided_slice %dot_general3A_18 {offsets = [0, 384], sizes = [1024, 128], strides = [1, 1]} : vector<1024x1024xf32> to vector<1024x128xf32>
      %swap3A_39 = arith.constant 0 : index
      %swap3A_40 = arith.constant 3 : index
      %swap3A_41 = arith.constant 0 : index
      %swap3A_42 = vector.load %arg5[%swap3A_39, %swap3A_40, %swap3A_41] : memref<1024x8x128xf32, #tpu.memory_space<vmem>>, vector<1024x1x128xf32>
      %swap3A_43 = vector.shape_cast %swap3A_42 : vector<1024x1x128xf32> to vector<1024x128xf32>
      %swap3A_44 = vector.shape_cast %slice3A_38 : vector<1024x128xf32> to vector<1024x1x128xf32>
      tpu.vector_store %arg5[%swap3A_39, %swap3A_40, %swap3A_41], %swap3A_44 {strides = array<i32>} : memref<1024x8x128xf32, #tpu.memory_space<vmem>>, vector<1024x1x128xf32>,
      %slice3A_45 = vector.extract_strided_slice %dot_general3A_18 {offsets = [0, 512], sizes = [1024, 128], strides = [1, 1]} : vector<1024x1024xf32> to vector<1024x128xf32>
      %swap3A_46 = arith.constant 0 : index
      %swap3A_47 = arith.constant 4 : index
      %swap3A_48 = arith.constant 0 : index
      %swap3A_49 = vector.load %arg5[%swap3A_46, %swap3A_47, %swap3A_48] : memref<1024x8x128xf32, #tpu.memory_space<vmem>>, vector<1024x1x128xf32>
      %swap3A_50 = vector.shape_cast %swap3A_49 : vector<1024x1x128xf32> to vector<1024x128xf32>
      %swap3A_51 = vector.shape_cast %slice3A_45 : vector<1024x128xf32> to vector<1024x1x128xf32>
      tpu.vector_store %arg5[%swap3A_46, %swap3A_47, %swap3A_48], %swap3A_51 {strides = array<i32>} : memref<1024x8x128xf32, #tpu.memory_space<vmem>>, vector<1024x1x128xf32>,
      %slice3A_52 = vector.extract_strided_slice %dot_general3A_18 {offsets = [0, 640], sizes = [1024, 128], strides = [1, 1]} : vector<1024x1024xf32> to vector<1024x128xf32>
      %swap3A_53 = arith.constant 0 : index
      %swap3A_54 = arith.constant 5 : index
      %swap3A_55 = arith.constant 0 : index
      %swap3A_56 = vector.load %arg5[%swap3A_53, %swap3A_54, %swap3A_55] : memref<1024x8x128xf32, #tpu.memory_space<vmem>>, vector<1024x1x128xf32>
      %swap3A_57 = vector.shape_cast %swap3A_56 : vector<1024x1x128xf32> to vector<1024x128xf32>
      %swap3A_58 = vector.shape_cast %slice3A_52 : vector<1024x128xf32> to vector<1024x1x128xf32>
      tpu.vector_store %arg5[%swap3A_53, %swap3A_54, %swap3A_55], %swap3A_58 {strides = array<i32>} : memref<1024x8x128xf32, #tpu.memory_space<vmem>>, vector<1024x1x128xf32>,
      %slice3A_59 = vector.extract_strided_slice %dot_general3A_18 {offsets = [0, 768], sizes = [1024, 128], strides = [1, 1]} : vector<1024x1024xf32> to vector<1024x128xf32>
      %swap3A_60 = arith.constant 0 : index
      %swap3A_61 = arith.constant 6 : index
      %swap3A_62 = arith.constant 0 : index
      %swap3A_63 = vector.load %arg5[%swap3A_60, %swap3A_61, %swap3A_62] : memref<1024x8x128xf32, #tpu.memory_space<vmem>>, vector<1024x1x128xf32>
      %swap3A_64 = vector.shape_cast %swap3A_63 : vector<1024x1x128xf32> to vector<1024x128xf32>
      %swap3A_65 = vector.shape_cast %slice3A_59 : vector<1024x128xf32> to vector<1024x1x128xf32>
      tpu.vector_store %arg5[%swap3A_60, %swap3A_61, %swap3A_62], %swap3A_65 {strides = array<i32>} : memref<1024x8x128xf32, #tpu.memory_space<vmem>>, vector<1024x1x128xf32>,
      %slice3A_66 = vector.extract_strided_slice %dot_general3A_18 {offsets = [0, 896], sizes = [1024, 128], strides = [1, 1]} : vector<1024x1024xf32> to vector<1024x128xf32>
      %swap3A_67 = arith.constant 0 : index
      %swap3A_68 = arith.constant 7 : index
      %swap3A_69 = arith.constant 0 : index
      %swap3A_70 = vector.load %arg5[%swap3A_67, %swap3A_68, %swap3A_69] : memref<1024x8x128xf32, #tpu.memory_space<vmem>>, vector<1024x1x128xf32>
      %swap3A_71 = vector.shape_cast %swap3A_70 : vector<1024x1x128xf32> to vector<1024x128xf32>
      %swap3A_72 = vector.shape_cast %slice3A_66 : vector<1024x128xf32> to vector<1024x1x128xf32>
      tpu.vector_store %arg5[%swap3A_67, %swap3A_68, %swap3A_69], %swap3A_72 {strides = array<i32>} : memref<1024x8x128xf32, #tpu.memory_space<vmem>>, vector<1024x1x128xf32>,
    } else {
    }
    return
  }
  func.func @transform_0(%arg0: i32) -> (i32, i32) {
    %c0_i32 = arith.constant 0 : i32
    %c0_i32_0 = arith.constant 0 : i32
    %c0_i32_1 = arith.constant 0 : i32
    return %c0_i32, %c0_i32_0 : i32, i32
  }
  func.func @transform_1(%arg0: i32) -> (i32, i32) {
    %c0_i32 = arith.constant 0 : i32
    %c0_i32_0 = arith.constant 0 : i32
    %c0_i32_1 = arith.constant 0 : i32
    return %c0_i32, %c0_i32_0 : i32, i32
  }
  func.func @transform_2(%arg0: i32) -> (i32, i32) {
    %sub3A = arith.constant 1 : i32
    %sub3A_0 = arith.subi %arg0, %sub3A : i32
    %max3A = arith.constant 0 : i32
    %max3A_1 = arith.maxsi %sub3A_0, %max3A : i32
    %c0_i32 = arith.constant 0 : i32
    %c0_i32_2 = arith.constant 0 : i32
    return %max3A_1, %c0_i32 : i32, i32
  }
  func.func @transform_3(%arg0: i32) -> (i32, i32) {
    %c0_i32 = arith.constant 0 : i32
    %c0_i32_0 = arith.constant 0 : i32
    %c0_i32_1 = arith.constant 0 : i32
    return %c0_i32, %c0_i32_0 : i32, i32
  }
  func.func @transform_4(%arg0: i32) -> (i32, i32, i32) {
    %sub3A = arith.constant 1 : i32
    %sub3A_0 = arith.subi %arg0, %sub3A : i32
    %max3A = arith.constant 0 : i32
    %max3A_1 = arith.maxsi %sub3A_0, %max3A : i32
    %c0_i32 = arith.constant 0 : i32
    %c0_i32_2 = arith.constant 0 : i32
    %c0_i32_3 = arith.constant 0 : i32
    return %max3A_1, %c0_i32, %c0_i32_2 : i32, i32, i32
  }
}

</mosaic_0001>

<sc_bundles>
// kernel: kernel.5.cloned.1.call-start
scs
__scs_entry_jumppad:
0x0: {  	(pc) =	sbr.rel $0x88, $3  }
0x1: {  	(tag) =	ssettag $0x0;
	lr =	simm.s32 $0x1  }
0x2: {  	[smem:$0x3F9D] =	sst lr;
	_ =	strace $0xD0000000  }
0x3: {  	_ = 	snop  }
0x4: {  	_ = 	snop  }
0x5: {  	_ = 	snop  }
0x6: {  	_ = 	snop  }
0x7: {  	_ = 	snop  }
__scs_overlays_trampoline_lowered:
0x8: {  	[smem:$0x3FAC] =	sst s0  }
0x9: {  	[smem:$0x3FAD] =	sst s1  }
0xa: {  	[smem:$0x3FAE] =	sst s2  }
0xb: {  	[smem:$0x3FAF] =	sst s3  }
0xc: {  	[smem:$0x3FB0] =	sst s4  }
0xd: {  	[smem:$0x3FB1] =	sst s5  }
0xe: {  	[smem:$0x3FB2] =	sst s6  }
0xf: {  	[smem:$0x3FB3] =	sst s7  }
0x10: {  	[smem:$0x3FB4] =	sst s8  }
0x11: {  	[smem:$0x3FB5] =	sst s9;
	s0 =	simm.s32 @!p0 $0x0  }
0x12: {  	s1 =	sld [smem:$0x3F9B];
	s0 =	simm.s32 @p0 $0x1  }
0x13: {  	[smem:$0x3FB6] =	sst s0;
	s0 =	simm.s32 @!p1 $0x0  }
0x14: {  	s2 =	sld [smem:$0x3F9A];
	s0 =	simm.s32 @p1 $0x1  }
0x15: {  	[smem:$0x3FB7] =	sst s0;
	s0 =	simm.s32 @!p2 $0x0  }
0x16: {  	s3 =	sld [smem:$0x3FDB];
	s0 =	simm.s32 @p2 $0x1  }
0x17: {  	s4 =	simm.s32 $0x1BF5;
	[smem:$0x3FB9] =	sst s0  }
0x18: {  	s0 =	sld [smem:$0x3F9C];
	_ =	swait.ge [sflag:s4], $0x0  }
0x19: {  	s7 =	sld [smem:$0x3F9D]  }
0x1a: {  	s8 =	sadd.s32 $0xFFFFE003, lr  }
0x1b: {  	s9 =	sadd.s32 $0xFFFFFEF7, lr;
	s5 =	simm.s32 $0xFFFFFFFF;
	p2 =	slt.u32 s8, $0xFFFFF086  }
0x1c: {  	p1 =	slt.u32 s9, $0xF7A;
	s5 =	simm.s32 @!p2 $0x0  }
0x1d: {  	s5 =	simm.s32 @p1 $0x1;
	p0 =	seq.s32 s7, s2  }
0x1e: {  	s7 =	smul.u32 @!p0 $0xF7A, s2;
	p2 =	seq.s32 @!p0 s5, $0x0  }
0x1f: {  	s9 =	smul.u32 $0xF7A, s1;
	s8 =	simm.s32 @!p0 $0x1BF5;
	p2 =	por !p2, p0  }
0x20: {  	[sflag:s8] =	ssyncset.s32 @!p0 $0xFFFFF086;
	s6 =	sadd.s32 @!p0 s3, s7;
	s7 =	simm.s32 @!p0 $0x108  }
0x21: {  	s3 =	sadd.s32 s3, s9;
	s6 =	sadd.s32 @!p0 $0x88, s6;
	s7 =	simm.s32 @p2 $0x1082  }
0x22: {  	[simem:s7], [sflag:s8] =	dma.local @!p0 [hbm:s6], $0xF7A  }
0x23: {  	s9 =	sor.u32 $0xD0000000, s2;
	s6 =	simm.s32 $0x108;
	_ =	swait.ge @!p0 [sflag:s8], $0x0  }
0x24: {  	s3 =	sadd.s32 $0x88, s3;
	s6 =	simm.s32 @!p1 $0x1082;
	[sflag:s4] =	ssyncset.s32 $0xFFFFF086  }
0x25: {  	[simem:s6], [sflag:s4] =	dma.local [hbm:s3], $0xF7A  }
0x26: {  	[smem:$0x3F9D] =	sst s1;
	(tag) =	ssettag s2;
	_ =	strace s9  }
0x27: {  	s1 =	sld [smem:$0x3FAD]  }
0x28: {  	s2 =	sld [smem:$0x3FAE]  }
0x29: {  	s4 =	sld [smem:$0x3FB0]  }
0x2a: {  	p0 =	seq.s32 s5, $0x0;
	s5 =	sld [smem:$0x3FB1]  }
0x2b: {  	s6 =	sld [smem:$0x3FB2]  }
0x2c: {  	s7 =	sld [smem:$0x3FB3]  }
0x2d: {  	s3 =	simm.s32 $0x108;
	s8 =	sld [smem:$0x3FB4]  }
0x2e: {  	s3 =	simm.s32 @!p0 $0x1082;
	s9 =	sld [smem:$0x3FB5]  }
0x2f: {  	lr =	sadd.s32 s0, s3;
	s0 =	sld [smem:$0x3FAC]  }
0x30: {  	s3 =	sld [smem:$0x3FAF]  }
0x31: {  	[smem:$0x3FB8] =	sst s10  }
0x32: {  	s10 =	sld [smem:$0x3FB6];
	_ =	sdelay $0x3  }
0x33: {  	p0 =	seq.s32 s10, $0x1;
	s10 =	sld [smem:$0x3FB8];
	_ =	sdelay $0x3  }
0x34: {  	[smem:$0x3FB8] =	sst s10  }
0x35: {  	s10 =	sld [smem:$0x3FB7];
	_ =	sdelay $0x3  }
0x36: {  	p1 =	seq.s32 s10, $0x1;
	s10 =	sld [smem:$0x3FB8];
	_ =	sdelay $0x3  }
0x37: {  	[smem:$0x3FB8] =	sst s10  }
0x38: {  	s10 =	sld [smem:$0x3FB9]  }
0x39: {  	_ = 	snop;
	(pc) =	sbr.ind lr, $3  }
0x3a: {  	_ = 	snop  }
0x3b: {  	_ = 	snop  }
0x3c: {  	p2 =	seq.s32 s10, $0x1;
	s10 =	sld [smem:$0x3FB8]  }
0x3d: {  	_ =	shalt  }
0x3e: {  	_ =	shalt  }
0x3f: {  	_ =	shalt  }
0x40: {  	_ =	shalt  }
0x41: {  	_ =	shalt  }
0x42: {  	_ =	shalt  }
0x43: {  	_ =	shalt  }
0x44: {  	_ =	shalt  }
0x45: {  	_ =	shalt  }
0x46: {  	_ =	shalt  }
0x47: {  	_ =	shalt  }
0x48: {  	_ =	shalt  }
0x49: {  	_ =	shalt  }
0x4a: {  	_ =	shalt  }
0x4b: {  	_ =	shalt  }
0x4c: {  	_ =	shalt  }
0x4d: {  	_ =	shalt  }
0x4e: {  	_ =	shalt  }
0x4f: {  	_ =	shalt  }
0x50: {  	_ =	shalt  }
0x51: {  	_ =	shalt  }
0x52: {  	_ =	shalt  }
0x53: {  	_ =	shalt  }
0x54: {  	_ =	shalt  }
0x55: {  	_ =	shalt  }
0x56: {  	_ =	shalt  }
0x57: {  	_ =	shalt  }
0x58: {  	_ =	shalt  }
0x59: {  	_ =	shalt  }
0x5a: {  	_ =	shalt  }
0x5b: {  	_ =	shalt  }
0x5c: {  	_ =	shalt  }
0x5d: {  	_ =	shalt  }
0x5e: {  	_ =	shalt  }
0x5f: {  	_ =	shalt  }
0x60: {  	_ =	shalt  }
0x61: {  	_ =	shalt  }
0x62: {  	_ =	shalt  }
0x63: {  	_ =	shalt  }
0x64: {  	_ =	shalt  }
0x65: {  	_ =	shalt  }
0x66: {  	_ =	shalt  }
0x67: {  	_ =	shalt  }
0x68: {  	_ =	shalt  }
0x69: {  	_ =	shalt  }
0x6a: {  	_ =	shalt  }
0x6b: {  	_ =	shalt  }
0x6c: {  	_ =	shalt  }
0x6d: {  	_ =	shalt  }
0x6e: {  	_ =	shalt  }
0x6f: {  	_ =	shalt  }
0x70: {  	_ =	shalt  }
0x71: {  	_ =	shalt  }
0x72: {  	_ =	shalt  }
0x73: {  	_ =	shalt  }
0x74: {  	_ =	shalt  }
0x75: {  	_ =	shalt  }
0x76: {  	_ =	shalt  }
0x77: {  	_ =	shalt  }
0x78: {  	_ =	shalt  }
0x79: {  	_ =	shalt  }
0x7a: {  	_ =	shalt  }
0x7b: {  	_ =	shalt  }
0x7c: {  	_ =	shalt  }
0x7d: {  	_ =	shalt  }
0x7e: {  	_ =	shalt  }
0x7f: {  	_ =	shalt  }
0x80: {  	_ =	shalt  }
0x81: {  	_ =	shalt  }
0x82: {  	_ =	shalt  }
0x83: {  	_ =	shalt  }
0x84: {  	_ =	shalt  }
0x85: {  	_ =	shalt  }
0x86: {  	_ =	shalt  }
0x87: {  	_ =	shalt  }
.Lfunc_end0:
.L_simem_size_0:
called_computation_lowered:
.L_overlay_start_0:
0x88: {  	s2 =	sld [smem:$0x3FD9]  }
0x89: {  	s3 =	sld [smem:$0x3FFE];
	_ =	sdelay $0x1  }
0x8a: {  	s1 =	srdreg.scid  }
0x8b: {  	s0 =	sand.u32 $0x1, s1  }
0x8c: {  	s17 =	sshll.u32 s0, $0xA;
	s2 =	sadd.s32 s3, s2  }
0x8d: {  	s2 =	sadd.s32 s2, s17  }
0x8e: {  	[smem:$0x3FC4] =	sst s2  }
0x8f: {  	_ = 	snop  }
0x90: {  	s2 =	sld [smem:$0x3FC8];
	(tm) =	ssettm $0x1  }
0x91: {  	s18 =	sld [smem:$0x3FFB];
	_ =	sdelay $0x3  }
0x92: {  	_ =	strace s18  }
0x93: {  	s3 =	sld [smem:$0x3FFC];
	_ =	sdelay $0x3  }
0x94: {  	_ =	strace s3  }
0x95: {  	s3 =	sld [smem:$0x3FFD];
	_ =	sdelay $0x3  }
0x96: {  	_ =	strace s3  }
0x97: {  	_ =	strace $0x8FFFFFFF  }
0x98: {  	s19 =	sld [smem:$0x3FDB];
	_ =	sdelay $0x1  }
0x99: {  	s4 =	simm.s32 $_scs_section_size  }
0x9a: {  	s5 =	simm.s32 $_size__tile_overlayer_lowered;
	s6 =	simm.s32 $_tile_overlayer_lowered  }
0x9b: {  	s22 =	simm.s32 $0x1BFF;
	s21 =	sshll.u32 s6, $0x1;
	s3 =	sadd.s32 s4, s19  }
0x9c: {  	s7 =	simm.s32 $0x0;
	s20 =	sshll.u32 s5, $0x1;
	s5 =	sadd.s32 s21, s3  }
0x9d: {  	[timem:s7], [sflag:s22] =	dma.local [hbm:s5], s20  }
0x9e: {  	_ =	swait.ge [sflag:s22], s20  }
0x9f: {  	s4 =	ssub.s32 $0x0, s20;
	[sflag:s22] =	ssyncset.done $0x0  }
0xa0: {  	[sflag:s22] =	ssyncadd.s32 s4;
	_ =	sdelay $0x1  }
0xa1: {  	s23 =	simm.s32 $0x1B8B  }
0xa2: {  	_ =	swait.ge [sflag:s23], $0x1  }
0xa3: {  	[sflag:s23] =	ssyncset.done $0x0  }
0xa4: {  	s25 =	simm.s32 $0x1B8E;
	s24 =	sld [smem:$0x3FFE];
	[sflag:s23] =	ssyncadd.s32 $0xFFFFFFFF  }
0xa5: {  	s26 =	simm.s32 $execute0_lowered;
	[smem:$0x3FD2] =	sst s25  }
0xa6: {  	s5 =	sshll.u32 s26, $0x1;
	_ =	strace $0x80000046;
	[dreg:$0x1] =	wrdreg $0xFFFFFFFF  }
0xa7: {  	s28 =	simm.s32 $_size_execute0_lowered;
	s3 =	sadd.s32 s3, s5;
	[dreg:$0x0] =	wrdreg $0x0  }
0xa8: {  	s5 =	sshll.u32 s28, $0x1;
	[dreg:$0x2] =	wrdreg s3  }
0xa9: {  	[dreg:$0x3] =	wrdreg s5  }
0xaa: {  	[dreg:$0x4] =	wrdreg $0xC0  }
0xab: {  	_ =	task [dreg:s7], $0x5FFFF  }
0xac: {  	[dreg:$0x1] =	wrdreg $0xFFFFFFFF  }
0xad: {  	[dreg:$0x0] =	wrdreg $0x60  }
0xae: {  	[dreg:$0x2] =	wrdreg s24  }
0xaf: {  	[dreg:$0x3] =	wrdreg s2  }
0xb0: {  	[dreg:$0x4] =	wrdreg $0x9  }
0xb1: {  	_ =	task.clear_ibuf [dreg:s7], $0x5FFFF;
	_ =	strace $0x90000046  }
0xb2: {  	s29 =	simm.s32 $0x9;
	_ =	strace $0x80000048  }
0xb3: {  	_ =	swait.ge [sflag:s29], $0x1  }
0xb4: {  	[sflag:s29] =	ssyncadd.s32 $0xFFFFFFFF  }
0xb5: {  	_ =	strace $0x90000048  }
0xb6: {  	_ =	sfence  }
0xb7: {  	s30 =	sld [smem:$0x0];
	_ =	sdelay $0x2  }
0xb8: {  	s31 =	sshll.u32 s1, $0xD;
	s1 =	sshrl.u32 s1, $0x2  }
0xb9: {  	s3 =	sand.u32 $0x4000, s31;
	s1 =	sadd.s32 s1, s30  }
0xba: {  	s0 =	sor.u32 s3, s0;
	s1 =	sshll.u32 s1, $0x11  }
0xbb: {  	s0 =	sor.u32 s1, s0  }
0xbc: {  	s0 =	sadd.s32 $0x8F2B, s0  }
0xbd: {  	[sflag:s0] =	ssyncadd.remote.s32 $0x1  }
0xbe: {  	_ =	sfence.sel $0xFFFF  }
0xbf: {  	[dreg:$0x0] =	wrdreg $0xFFFFFFFF;
	(pc) =	sbr.abs _section_cstart, $3  }
0xc0: {  	[dreg:$0x1] =	wrdreg $0xFFFFFFFF  }
0xc1: {  	_ =	task.clear_ibuf [dreg:s7], $0x2FFFF;
	_ =	strace $0x9FFFFFFF  }
0xc2: {  	(tm) =	ssettm $0x7FFFFFFF  }
0xc3: {  	_ =	shalt  }
tec
execute0_lowered:
.L_overlay_start_1:
0x0: {  	(tag) =	ssettag $0x1  }
0x1: {  	s5 =	rddreg [dreg:$0x0]  }
0x2: {  	s6 =	rddreg [dreg:$0x1]  }
0x3: {  	s0 =	rddreg [dreg:$0x2]  }
0x4: {  	s2 =	simm.s32 $0x0;
	s3 =	srdreg.scid;
	s1 =	stileid.u32  }
0x5: {  	s11 =	simm.s32 $0x2580;
	s15 =	simm.s32 $0x2680;
	s16 =	simm.s32 $0x2280  }
0x6: {  	s17 =	simm.s32 $0x2700;
	s18 =	simm.s32 $0x2300;
	s19 =	simm.s32 $0x2780  }
0x7: {  	s20 =	simm.s32 $0x2380;
	s24 =	simm.s32 $0x2480;
	s25 =	simm.s32 $0x2900  }
0x8: {  	s28 =	simm.s32 $0x2980;
	s7 =	sand.u32 $0x1, s3;
	s4 =	sshll.u32 s1, $0x1  }
0x9: {  	s29 =	simm.s32 $0x1;
	s30 =	simm.s32 $0x2080;
	s8 =	sor.u32 s7, s4  }
0xa: {  	[smem:$0x7FF] =	sst s2;
	s9 =	sshll.u32 s8, $0x4;
	s8 =	sshll.u32 s8, $0x7  }
0xb: {  	v0 =	vlaneseq.u32;
	s3 =	sadd.s32 $0xC00, s5;
	_ =	strace $0x80000047;
	s31 =	sor.u32 $0x10, s8;
	v1 =	vmov s8  }
0xc: {  	v7 =	vmul.u32 $0x400, v0;
	s13 =	sor.u32 $0x30, s8;
	s14 =	sor.u32 $0x40, s8;
	s21 =	sor.u32 $0x50, s8;
	v0 =	vmov s31;
	v1 =	vshll.u32 v1, $0xA  }
0xd: {  	s7 =	ssub.s32 $0x2, s7;
	s22 =	sor.u32 $0x60, s8;
	s23 =	sor.u32 $0x70, s8;
	v3 =	vmov s13;
	v4 =	vmov s14;
	v5 =	vmov s21  }
0xe: {  	s4 =	sadd.s32 $0x80C00, s5;
	s26 =	sshrl.u32 s7, $0x1;
	s10 =	sadd.s32 s9, s5;
	v6 =	vmov s22;
	v8 =	vmov s23;
	v2 =	vshll.u32 v0, $0xA  }
0xf: {  	s7 =	ssub.s32 s7, s26;
	s5 =	sadd.s32 s6, s9;
	s12 =	sor.u32 $0x20, s8;
	v0 =	vor.u32 v7, v1;
	v3 =	vshll.u32 v3, $0xA;
	v4 =	vshll.u32 v4, $0xA  }
0x10: {  	s8 =	simm.s32 $0x80;
	s9 =	simm.s32 $0x2;
	s26 =	simm.s32 $0x2500;
	v5 =	vshll.u32 v5, $0xA;
	v6 =	vshll.u32 v6, $0xA;
	v8 =	vshll.u32 v8, $0xA  }
0x11: {  	s6 =	sadd.s32 $0x81000, s10;
	s7 =	smax.u32 s7, $0x1;
	s10 =	simm.s32 $0x2100;
	v1 =	vor.u32 v7, v2;
	v2 =	vmov s12;
	v3 =	vor.u32 v7, v3  }
0x12: {  	s13 =	simm.s32 $0x2600;
	s14 =	simm.s32 $0x2200;
	s21 =	simm.s32 $0x2800;
	v4 =	vor.u32 v7, v4;
	v5 =	vor.u32 v7, v5;
	v2 =	vshll.u32 v2, $0xA  }
0x13: {  	s22 =	simm.s32 $0x2400;
	s23 =	simm.s32 $0x2880;
	s12 =	simm.s32 $0x2180;
	v6 =	vor.u32 v7, v6;
	v2 =	vor.u32 v7, v2;
	v7 =	vor.u32 v7, v8  }
.LBB2_1:
0x14: {  	[tilespmem:s8], [sflag:$0x2] =	stream.linear.gather [hbm4b:s4+s2], $0x2000, $0x38;
	[tilespmem:$0x2A00] =	vst v63  }
0x15: {  	_ =	swait.ge [sflag:s9], $0x2000  }
0x16: {  	[sflag:s9] =	ssyncset.done $0x0  }
0x17: {  	[sflag:s9] =	ssyncadd.s32 $0xFFFFE000  }
0x18: {  	[tilespmem:s2], [sflag:$0x2] =	stream.linear.gather [hbm4b:s5+s2], $0x80, $0x38;
	[tilespmem:$0x2A00] =	vst v63  }
0x19: {  	_ =	swait.ge [sflag:s9], $0x80  }
0x1a: {  	[sflag:s9] =	ssyncset.done $0x0  }
0x1b: {  	[sflag:s9] =	ssyncadd.s32 $0xFFFFFF80  }
0x1c: {  	v8 =	vld [tilespmem:$0x0]  }
0x1d: {  	v9 =	vld [tilespmem:$0x10]  }
0x1e: {  	v10 =	vld [tilespmem:$0x20]  }
0x1f: {  	v11 =	vld [tilespmem:$0x30]  }
0x20: {  	v12 =	vld [tilespmem:$0x40]  }
0x21: {  	v13 =	vld [tilespmem:$0x50];
	v8 =	vadd.s32 v0, v8  }
0x22: {  	v61 =	vld [tilespmem:$0x60];
	[tilespmem:$0x2100] =	vst v8;
	v8 =	vadd.s32 v1, v9  }
0x23: {  	v62 =	vld [tilespmem:$0x70];
	[tilespmem:$0x2110] =	vst v8;
	v8 =	vadd.s32 v2, v10  }
0x24: {  	[tilespmem:$0x2120] =	vst v8;
	v8 =	vadd.s32 v3, v11  }
0x25: {  	[tilespmem:$0x2130] =	vst v8;
	v8 =	vadd.s32 v4, v12  }
0x26: {  	[tilespmem:$0x2140] =	vst v8;
	v8 =	vadd.s32 v5, v13  }
0x27: {  	[tilespmem:$0x2150] =	vst v8;
	v8 =	vadd.s32 v6, v61  }
0x28: {  	[tilespmem:$0x2160] =	vst v8;
	v8 =	vadd.s32 v7, v62  }
0x29: {  	[tilespmem:$0x2170] =	vst v8  }
0x2a: {  	[tilespmem:s11], [sflag:$0x1] =	stream.indirect.gather [hbm4b:s3+s8], $0x1, s10, s8, $0xb8;
	[tilespmem:$0x2A00] =	vst v63  }
0x2b: {  	v8 =	vld [tilespmem:$0x0];
	_ =	sdelay $0x6  }
0x2c: {  	v63 =	vld [tilespmem:$0x10]  }
0x2d: {  	v8 =	vld.idx.msk [tilespmem:v8+s8+$0x0], $0xffff;
	_ =	sdelay $0x4  }
0x2e: {  	v8 =	vadd.s32 v0, v8  }
0x2f: {  	[tilespmem:$0x2180] =	vst v8;
	v8 =	vld [tilespmem:$0x20]  }
0x30: {  	v9 =	vld.idx.msk [tilespmem:v63+s8+$0x0], $0xffff;
	_ =	sdelay $0x4  }
0x31: {  	v9 =	vadd.s32 v1, v9  }
0x32: {  	v12 =	vld [tilespmem:$0x30];
	[tilespmem:$0x2190] =	vst v9  }
0x33: {  	v8 =	vld.idx.msk [tilespmem:v8+s8+$0x0], $0xffff;
	_ =	sdelay $0x4  }
0x34: {  	v8 =	vadd.s32 v2, v8  }
0x35: {  	[tilespmem:$0x21A0] =	vst v8;
	v8 =	vld [tilespmem:$0x40]  }
0x36: {  	v9 =	vld.idx.msk [tilespmem:v12+s8+$0x0], $0xffff;
	_ =	sdelay $0x4  }
0x37: {  	v9 =	vadd.s32 v3, v9  }
0x38: {  	v13 =	vld [tilespmem:$0x50];
	[tilespmem:$0x21B0] =	vst v9  }
0x39: {  	v8 =	vld.idx.msk [tilespmem:v8+s8+$0x0], $0xffff;
	_ =	sdelay $0x4  }
0x3a: {  	v8 =	vadd.s32 v4, v8  }
0x3b: {  	[tilespmem:$0x21C0] =	vst v8;
	v8 =	vld [tilespmem:$0x60]  }
0x3c: {  	v9 =	vld.idx.msk [tilespmem:v13+s8+$0x0], $0xffff;
	_ =	sdelay $0x4  }
0x3d: {  	v9 =	vadd.s32 v5, v9  }
0x3e: {  	v14 =	vld [tilespmem:$0x70];
	[tilespmem:$0x21D0] =	vst v9  }
0x3f: {  	v8 =	vld.idx.msk [tilespmem:v8+s8+$0x0], $0xffff;
	_ =	sdelay $0x4  }
0x40: {  	v8 =	vadd.s32 v6, v8  }
0x41: {  	[tilespmem:$0x21E0] =	vst v8  }
0x42: {  	v8 =	vld.idx.msk [tilespmem:v14+s8+$0x0], $0xffff;
	_ =	sdelay $0x4  }
0x43: {  	v8 =	vadd.s32 v7, v8  }
0x44: {  	[tilespmem:$0x21F0] =	vst v8  }
0x45: {  	[tilespmem:s13], [sflag:$0x1] =	stream.indirect.gather [hbm4b:s3+s8], $0x1, s12, s8, $0xb8;
	[tilespmem:$0x2A00] =	vst v63  }
0x46: {  	v8 =	vld [tilespmem:$0x0];
	_ =	sdelay $0x4  }
0x47: {  	v8 =	vadd.s32 $0x400, v8;
	_ =	sdelay $0x1  }
0x48: {  	v15 =	vld [tilespmem:$0x10];
	_ =	sdelay $0x2  }
0x49: {  	v8 =	vld.idx.msk [tilespmem:v8+s8+$0x0], $0xffff;
	_ =	sdelay $0x1  }
0x4a: {  	v9 =	vadd.s32 $0x400, v15;
	_ =	sdelay $0x1  }
0x4b: {  	v16 =	vld [tilespmem:$0x20]  }
0x4c: {  	v8 =	vadd.s32 v0, v8  }
0x4d: {  	[tilespmem:$0x2200] =	vst v8  }
0x4e: {  	v8 =	vld.idx.msk [tilespmem:v9+s8+$0x0], $0xffff;
	_ =	sdelay $0x1  }
0x4f: {  	v17 =	vadd.s32 $0x400, v16;
	_ =	sdelay $0x1  }
0x50: {  	v18 =	vld [tilespmem:$0x30]  }
0x51: {  	v8 =	vadd.s32 v1, v8  }
0x52: {  	[tilespmem:$0x2210] =	vst v8  }
0x53: {  	v8 =	vld.idx.msk [tilespmem:v17+s8+$0x0], $0xffff;
	_ =	sdelay $0x1  }
0x54: {  	v19 =	vadd.s32 $0x400, v18;
	_ =	sdelay $0x1  }
0x55: {  	v20 =	vld [tilespmem:$0x40]  }
0x56: {  	v8 =	vadd.s32 v2, v8  }
0x57: {  	[tilespmem:$0x2220] =	vst v8  }
0x58: {  	v8 =	vld.idx.msk [tilespmem:v19+s8+$0x0], $0xffff;
	_ =	sdelay $0x1  }
0x59: {  	v21 =	vadd.s32 $0x400, v20;
	_ =	sdelay $0x1  }
0x5a: {  	v22 =	vld [tilespmem:$0x50]  }
0x5b: {  	v8 =	vadd.s32 v3, v8  }
0x5c: {  	[tilespmem:$0x2230] =	vst v8  }
0x5d: {  	v8 =	vld.idx.msk [tilespmem:v21+s8+$0x0], $0xffff;
	_ =	sdelay $0x1  }
0x5e: {  	v23 =	vadd.s32 $0x400, v22;
	_ =	sdelay $0x1  }
0x5f: {  	v24 =	vld [tilespmem:$0x60]  }
0x60: {  	v8 =	vadd.s32 v4, v8  }
0x61: {  	[tilespmem:$0x2240] =	vst v8  }
0x62: {  	v8 =	vld.idx.msk [tilespmem:v23+s8+$0x0], $0xffff;
	_ =	sdelay $0x1  }
0x63: {  	v25 =	vadd.s32 $0x400, v24;
	_ =	sdelay $0x1  }
0x64: {  	v26 =	vld [tilespmem:$0x70]  }
0x65: {  	v8 =	vadd.s32 v5, v8  }
0x66: {  	[tilespmem:$0x2250] =	vst v8  }
0x67: {  	v8 =	vld.idx.msk [tilespmem:v25+s8+$0x0], $0xffff;
	_ =	sdelay $0x1  }
0x68: {  	v27 =	vadd.s32 $0x400, v26;
	_ =	sdelay $0x2  }
0x69: {  	v8 =	vadd.s32 v6, v8  }
0x6a: {  	[tilespmem:$0x2260] =	vst v8  }
0x6b: {  	v8 =	vld.idx.msk [tilespmem:v27+s8+$0x0], $0xffff;
	_ =	sdelay $0x4  }
0x6c: {  	v8 =	vadd.s32 v7, v8  }
0x6d: {  	[tilespmem:$0x2270] =	vst v8  }
0x6e: {  	[tilespmem:s15], [sflag:$0x1] =	stream.indirect.gather [hbm4b:s3+s8], $0x1, s14, s8, $0xb8;
	[tilespmem:$0x2A00] =	vst v63  }
0x6f: {  	v8 =	vld [tilespmem:$0x0];
	_ =	sdelay $0x4  }
0x70: {  	v8 =	vadd.s32 $0x800, v8;
	_ =	sdelay $0x1  }
0x71: {  	v28 =	vld [tilespmem:$0x10];
	_ =	sdelay $0x2  }
0x72: {  	v8 =	vld.idx.msk [tilespmem:v8+s8+$0x0], $0xffff;
	_ =	sdelay $0x1  }
0x73: {  	v9 =	vadd.s32 $0x800, v28;
	_ =	sdelay $0x1  }
0x74: {  	v29 =	vld [tilespmem:$0x20]  }
0x75: {  	v8 =	vadd.s32 v0, v8  }
0x76: {  	[tilespmem:$0x2280] =	vst v8  }
0x77: {  	v8 =	vld.idx.msk [tilespmem:v9+s8+$0x0], $0xffff;
	_ =	sdelay $0x1  }
0x78: {  	v30 =	vadd.s32 $0x800, v29;
	_ =	sdelay $0x1  }
0x79: {  	v31 =	vld [tilespmem:$0x30]  }
0x7a: {  	v8 =	vadd.s32 v1, v8  }
0x7b: {  	[tilespmem:$0x2290] =	vst v8  }
0x7c: {  	v8 =	vld.idx.msk [tilespmem:v30+s8+$0x0], $0xffff;
	_ =	sdelay $0x1  }
0x7d: {  	v32 =	vadd.s32 $0x800, v31;
	_ =	sdelay $0x1  }
0x7e: {  	v33 =	vld [tilespmem:$0x40]  }
0x7f: {  	v8 =	vadd.s32 v2, v8  }
0x80: {  	[tilespmem:$0x22A0] =	vst v8  }
0x81: {  	v8 =	vld.idx.msk [tilespmem:v32+s8+$0x0], $0xffff;
	_ =	sdelay $0x1  }
0x82: {  	v34 =	vadd.s32 $0x800, v33;
	_ =	sdelay $0x1  }
0x83: {  	v35 =	vld [tilespmem:$0x50]  }
0x84: {  	v8 =	vadd.s32 v3, v8  }
0x85: {  	[tilespmem:$0x22B0] =	vst v8  }
0x86: {  	v8 =	vld.idx.msk [tilespmem:v34+s8+$0x0], $0xffff;
	_ =	sdelay $0x1  }
0x87: {  	v36 =	vadd.s32 $0x800, v35;
	_ =	sdelay $0x1  }
0x88: {  	v37 =	vld [tilespmem:$0x60]  }
0x89: {  	v8 =	vadd.s32 v4, v8  }
0x8a: {  	[tilespmem:$0x22C0] =	vst v8  }
0x8b: {  	v8 =	vld.idx.msk [tilespmem:v36+s8+$0x0], $0xffff;
	_ =	sdelay $0x1  }
0x8c: {  	v38 =	vadd.s32 $0x800, v37;
	_ =	sdelay $0x1  }
0x8d: {  	v39 =	vld [tilespmem:$0x70]  }
0x8e: {  	v8 =	vadd.s32 v5, v8  }
0x8f: {  	[tilespmem:$0x22D0] =	vst v8  }
0x90: {  	v8 =	vld.idx.msk [tilespmem:v38+s8+$0x0], $0xffff;
	_ =	sdelay $0x1  }
0x91: {  	v40 =	vadd.s32 $0x800, v39;
	_ =	sdelay $0x2  }
0x92: {  	v8 =	vadd.s32 v6, v8  }
0x93: {  	[tilespmem:$0x22E0] =	vst v8  }
0x94: {  	v8 =	vld.idx.msk [tilespmem:v40+s8+$0x0], $0xffff;
	_ =	sdelay $0x4  }
0x95: {  	v8 =	vadd.s32 v7, v8  }
0x96: {  	[tilespmem:$0x22F0] =	vst v8  }
0x97: {  	[tilespmem:s17], [sflag:$0x1] =	stream.indirect.gather [hbm4b:s3+s8], $0x1, s16, s8, $0xb8;
	[tilespmem:$0x2A00] =	vst v63  }
0x98: {  	v8 =	vld [tilespmem:$0x0];
	_ =	sdelay $0x4  }
0x99: {  	v8 =	vadd.s32 $0xC00, v8;
	_ =	sdelay $0x1  }
0x9a: {  	v41 =	vld [tilespmem:$0x10];
	_ =	sdelay $0x2  }
0x9b: {  	v8 =	vld.idx.msk [tilespmem:v8+s8+$0x0], $0xffff;
	_ =	sdelay $0x1  }
0x9c: {  	v9 =	vadd.s32 $0xC00, v41;
	_ =	sdelay $0x1  }
0x9d: {  	v42 =	vld [tilespmem:$0x20]  }
0x9e: {  	v8 =	vadd.s32 v0, v8  }
0x9f: {  	[tilespmem:$0x2300] =	vst v8  }
0xa0: {  	v8 =	vld.idx.msk [tilespmem:v9+s8+$0x0], $0xffff;
	_ =	sdelay $0x1  }
0xa1: {  	v43 =	vadd.s32 $0xC00, v42;
	_ =	sdelay $0x1  }
0xa2: {  	v44 =	vld [tilespmem:$0x30]  }
0xa3: {  	v8 =	vadd.s32 v1, v8  }
0xa4: {  	[tilespmem:$0x2310] =	vst v8  }
0xa5: {  	v8 =	vld.idx.msk [tilespmem:v43+s8+$0x0], $0xffff;
	_ =	sdelay $0x1  }
0xa6: {  	v45 =	vadd.s32 $0xC00, v44;
	_ =	sdelay $0x1  }
0xa7: {  	v46 =	vld [tilespmem:$0x40]  }
0xa8: {  	v8 =	vadd.s32 v2, v8  }
0xa9: {  	[tilespmem:$0x2320] =	vst v8  }
0xaa: {  	v8 =	vld.idx.msk [tilespmem:v45+s8+$0x0], $0xffff;
	_ =	sdelay $0x1  }
0xab: {  	v47 =	vadd.s32 $0xC00, v46;
	_ =	sdelay $0x1  }
0xac: {  	v48 =	vld [tilespmem:$0x50]  }
0xad: {  	v8 =	vadd.s32 v3, v8  }
0xae: {  	[tilespmem:$0x2330] =	vst v8  }
0xaf: {  	v8 =	vld.idx.msk [tilespmem:v47+s8+$0x0], $0xffff;
	_ =	sdelay $0x1  }
0xb0: {  	v49 =	vadd.s32 $0xC00, v48;
	_ =	sdelay $0x1  }
0xb1: {  	v50 =	vld [tilespmem:$0x60]  }
0xb2: {  	v8 =	vadd.s32 v4, v8  }
0xb3: {  	[tilespmem:$0x2340] =	vst v8  }
0xb4: {  	v8 =	vld.idx.msk [tilespmem:v49+s8+$0x0], $0xffff;
	_ =	sdelay $0x1  }
0xb5: {  	v51 =	vadd.s32 $0xC00, v50;
	_ =	sdelay $0x1  }
0xb6: {  	v52 =	vld [tilespmem:$0x70]  }
0xb7: {  	v8 =	vadd.s32 v5, v8  }
0xb8: {  	[tilespmem:$0x2350] =	vst v8  }
0xb9: {  	v8 =	vld.idx.msk [tilespmem:v51+s8+$0x0], $0xffff;
	_ =	sdelay $0x1  }
0xba: {  	v53 =	vadd.s32 $0xC00, v52;
	_ =	sdelay $0x2  }
0xbb: {  	v8 =	vadd.s32 v6, v8  }
0xbc: {  	[tilespmem:$0x2360] =	vst v8  }
0xbd: {  	v8 =	vld.idx.msk [tilespmem:v53+s8+$0x0], $0xffff;
	_ =	sdelay $0x4  }
0xbe: {  	v8 =	vadd.s32 v7, v8  }
0xbf: {  	[tilespmem:$0x2370] =	vst v8  }
0xc0: {  	[tilespmem:s19], [sflag:$0x1] =	stream.indirect.gather [hbm4b:s3+s8], $0x1, s18, s8, $0xb8;
	[tilespmem:$0x2A00] =	vst v63  }
0xc1: {  	v8 =	vld [tilespmem:$0x0];
	_ =	sdelay $0x4  }
0xc2: {  	v8 =	vadd.s32 $0x1000, v8;
	_ =	sdelay $0x1  }
0xc3: {  	v54 =	vld [tilespmem:$0x10];
	_ =	sdelay $0x2  }
0xc4: {  	v8 =	vld.idx.msk [tilespmem:v8+s8+$0x0], $0xffff;
	_ =	sdelay $0x1  }
0xc5: {  	v9 =	vadd.s32 $0x1000, v54;
	_ =	sdelay $0x1  }
0xc6: {  	v55 =	vld [tilespmem:$0x20]  }
0xc7: {  	v8 =	vadd.s32 v0, v8  }
0xc8: {  	[tilespmem:$0x2380] =	vst v8  }
0xc9: {  	v8 =	vld.idx.msk [tilespmem:v9+s8+$0x0], $0xffff;
	_ =	sdelay $0x1  }
0xca: {  	v56 =	vadd.s32 $0x1000, v55;
	_ =	sdelay $0x1  }
0xcb: {  	v57 =	vld [tilespmem:$0x30]  }
0xcc: {  	v8 =	vadd.s32 v1, v8  }
0xcd: {  	[tilespmem:$0x2390] =	vst v8  }
0xce: {  	v8 =	vld.idx.msk [tilespmem:v56+s8+$0x0], $0xffff;
	_ =	sdelay $0x1  }
0xcf: {  	v58 =	vadd.s32 $0x1000, v57;
	_ =	sdelay $0x1  }
0xd0: {  	v59 =	vld [tilespmem:$0x40]  }
0xd1: {  	v8 =	vadd.s32 v2, v8  }
0xd2: {  	[tilespmem:$0x23A0] =	vst v8  }
0xd3: {  	v8 =	vld.idx.msk [tilespmem:v58+s8+$0x0], $0xffff;
	_ =	sdelay $0x1  }
0xd4: {  	v60 =	vadd.s32 $0x1000, v59;
	_ =	sdelay $0x1  }
0xd5: {  	v61 =	vld [tilespmem:$0x50]  }
0xd6: {  	v8 =	vadd.s32 v3, v8  }
0xd7: {  	[tilespmem:$0x23B0] =	vst v8  }
0xd8: {  	v8 =	vld.idx.msk [tilespmem:v60+s8+$0x0], $0xffff;
	_ =	sdelay $0x1  }
0xd9: {  	v62 =	vadd.s32 $0x1000, v61;
	_ =	sdelay $0x1  }
0xda: {  	v63 =	vld [tilespmem:$0x60]  }
0xdb: {  	v8 =	vadd.s32 v4, v8  }
0xdc: {  	[tilespmem:$0x23C0] =	vst v8  }
0xdd: {  	v8 =	vld.idx.msk [tilespmem:v62+s8+$0x0], $0xffff;
	_ =	sdelay $0x1  }
0xde: {  	v12 =	vadd.s32 $0x1000, v63;
	_ =	sdelay $0x1  }
0xdf: {  	v13 =	vld [tilespmem:$0x70]  }
0xe0: {  	v8 =	vadd.s32 v5, v8  }
0xe1: {  	[tilespmem:$0x23D0] =	vst v8  }
0xe2: {  	v8 =	vld.idx.msk [tilespmem:v12+s8+$0x0], $0xffff;
	_ =	sdelay $0x1  }
0xe3: {  	v14 =	vadd.s32 $0x1000, v13;
	_ =	sdelay $0x2  }
0xe4: {  	v8 =	vadd.s32 v6, v8  }
0xe5: {  	[tilespmem:$0x23E0] =	vst v8  }
0xe6: {  	v8 =	vld.idx.msk [tilespmem:v14+s8+$0x0], $0xffff;
	_ =	sdelay $0x4  }
0xe7: {  	v8 =	vadd.s32 v7, v8  }
0xe8: {  	[tilespmem:$0x23F0] =	vst v8  }
0xe9: {  	[tilespmem:s21], [sflag:$0x1] =	stream.indirect.gather [hbm4b:s3+s8], $0x1, s20, s8, $0xb8;
	[tilespmem:$0x2A00] =	vst v63  }
0xea: {  	v8 =	vld [tilespmem:$0x0];
	_ =	sdelay $0x4  }
0xeb: {  	v8 =	vadd.s32 $0x1400, v8;
	_ =	sdelay $0x1  }
0xec: {  	v15 =	vld [tilespmem:$0x10];
	_ =	sdelay $0x2  }
0xed: {  	v8 =	vld.idx.msk [tilespmem:v8+s8+$0x0], $0xffff;
	_ =	sdelay $0x1  }
0xee: {  	v9 =	vadd.s32 $0x1400, v15;
	_ =	sdelay $0x1  }
0xef: {  	v16 =	vld [tilespmem:$0x20]  }
0xf0: {  	v8 =	vadd.s32 v0, v8  }
0xf1: {  	[tilespmem:$0x2400] =	vst v8  }
0xf2: {  	v8 =	vld.idx.msk [tilespmem:v9+s8+$0x0], $0xffff;
	_ =	sdelay $0x1  }
0xf3: {  	v17 =	vadd.s32 $0x1400, v16;
	_ =	sdelay $0x1  }
0xf4: {  	v18 =	vld [tilespmem:$0x30]  }
0xf5: {  	v8 =	vadd.s32 v1, v8  }
0xf6: {  	[tilespmem:$0x2410] =	vst v8  }
0xf7: {  	v8 =	vld.idx.msk [tilespmem:v17+s8+$0x0], $0xffff;
	_ =	sdelay $0x1  }
0xf8: {  	v19 =	vadd.s32 $0x1400, v18;
	_ =	sdelay $0x1  }
0xf9: {  	v20 =	vld [tilespmem:$0x40]  }
0xfa: {  	v8 =	vadd.s32 v2, v8  }
0xfb: {  	[tilespmem:$0x2420] =	vst v8  }
0xfc: {  	v8 =	vld.idx.msk [tilespmem:v19+s8+$0x0], $0xffff;
	_ =	sdelay $0x1  }
0xfd: {  	v21 =	vadd.s32 $0x1400, v20;
	_ =	sdelay $0x1  }
0xfe: {  	v22 =	vld [tilespmem:$0x50]  }
0xff: {  	v8 =	vadd.s32 v3, v8  }
0x100: {  	[tilespmem:$0x2430] =	vst v8  }
0x101: {  	v8 =	vld.idx.msk [tilespmem:v21+s8+$0x0], $0xffff;
	_ =	sdelay $0x1  }
0x102: {  	v23 =	vadd.s32 $0x1400, v22;
	_ =	sdelay $0x1  }
0x103: {  	v24 =	vld [tilespmem:$0x60]  }
0x104: {  	v8 =	vadd.s32 v4, v8  }
0x105: {  	[tilespmem:$0x2440] =	vst v8  }
0x106: {  	v8 =	vld.idx.msk [tilespmem:v23+s8+$0x0], $0xffff;
	_ =	sdelay $0x1  }
0x107: {  	v25 =	vadd.s32 $0x1400, v24;
	_ =	sdelay $0x1  }
0x108: {  	v26 =	vld [tilespmem:$0x70]  }
0x109: {  	v8 =	vadd.s32 v5, v8  }
0x10a: {  	[tilespmem:$0x2450] =	vst v8  }
0x10b: {  	v8 =	vld.idx.msk [tilespmem:v25+s8+$0x0], $0xffff;
	_ =	sdelay $0x1  }
0x10c: {  	v27 =	vadd.s32 $0x1400, v26;
	_ =	sdelay $0x2  }
0x10d: {  	v8 =	vadd.s32 v6, v8  }
0x10e: {  	[tilespmem:$0x2460] =	vst v8  }
0x10f: {  	v8 =	vld.idx.msk [tilespmem:v27+s8+$0x0], $0xffff;
	_ =	sdelay $0x4  }
0x110: {  	v8 =	vadd.s32 v7, v8  }
0x111: {  	[tilespmem:$0x2470] =	vst v8  }
0x112: {  	[tilespmem:s23], [sflag:$0x1] =	stream.indirect.gather [hbm4b:s3+s8], $0x1, s22, s8, $0xb8;
	[tilespmem:$0x2A00] =	vst v63  }
0x113: {  	v8 =	vld [tilespmem:$0x0];
	_ =	sdelay $0x4  }
0x114: {  	v8 =	vadd.s32 $0x1800, v8;
	_ =	sdelay $0x1  }
0x115: {  	v28 =	vld [tilespmem:$0x10];
	_ =	sdelay $0x2  }
0x116: {  	v8 =	vld.idx.msk [tilespmem:v8+s8+$0x0], $0xffff;
	_ =	sdelay $0x1  }
0x117: {  	v9 =	vadd.s32 $0x1800, v28;
	_ =	sdelay $0x1  }
0x118: {  	v29 =	vld [tilespmem:$0x20]  }
0x119: {  	v8 =	vadd.s32 v0, v8  }
0x11a: {  	[tilespmem:$0x2480] =	vst v8  }
0x11b: {  	v8 =	vld.idx.msk [tilespmem:v9+s8+$0x0], $0xffff;
	_ =	sdelay $0x1  }
0x11c: {  	v30 =	vadd.s32 $0x1800, v29;
	_ =	sdelay $0x1  }
0x11d: {  	v31 =	vld [tilespmem:$0x30]  }
0x11e: {  	v8 =	vadd.s32 v1, v8  }
0x11f: {  	[tilespmem:$0x2490] =	vst v8  }
0x120: {  	v8 =	vld.idx.msk [tilespmem:v30+s8+$0x0], $0xffff;
	_ =	sdelay $0x1  }
0x121: {  	v32 =	vadd.s32 $0x1800, v31;
	_ =	sdelay $0x1  }
0x122: {  	v33 =	vld [tilespmem:$0x40]  }
0x123: {  	v8 =	vadd.s32 v2, v8  }
0x124: {  	[tilespmem:$0x24A0] =	vst v8  }
0x125: {  	v8 =	vld.idx.msk [tilespmem:v32+s8+$0x0], $0xffff;
	_ =	sdelay $0x1  }
0x126: {  	v34 =	vadd.s32 $0x1800, v33;
	_ =	sdelay $0x1  }
0x127: {  	v35 =	vld [tilespmem:$0x50]  }
0x128: {  	v8 =	vadd.s32 v3, v8  }
0x129: {  	[tilespmem:$0x24B0] =	vst v8  }
0x12a: {  	v8 =	vld.idx.msk [tilespmem:v34+s8+$0x0], $0xffff;
	_ =	sdelay $0x1  }
0x12b: {  	v36 =	vadd.s32 $0x1800, v35;
	_ =	sdelay $0x1  }
0x12c: {  	v37 =	vld [tilespmem:$0x60]  }
0x12d: {  	v8 =	vadd.s32 v4, v8  }
0x12e: {  	[tilespmem:$0x24C0] =	vst v8  }
0x12f: {  	v8 =	vld.idx.msk [tilespmem:v36+s8+$0x0], $0xffff;
	_ =	sdelay $0x1  }
0x130: {  	v38 =	vadd.s32 $0x1800, v37;
	_ =	sdelay $0x1  }
0x131: {  	v39 =	vld [tilespmem:$0x70]  }
0x132: {  	v8 =	vadd.s32 v5, v8  }
0x133: {  	[tilespmem:$0x24D0] =	vst v8  }
0x134: {  	v8 =	vld.idx.msk [tilespmem:v38+s8+$0x0], $0xffff;
	_ =	sdelay $0x1  }
0x135: {  	v40 =	vadd.s32 $0x1800, v39;
	_ =	sdelay $0x2  }
0x136: {  	v8 =	vadd.s32 v6, v8  }
0x137: {  	[tilespmem:$0x24E0] =	vst v8  }
0x138: {  	v8 =	vld.idx.msk [tilespmem:v40+s8+$0x0], $0xffff;
	_ =	sdelay $0x4  }
0x139: {  	v8 =	vadd.s32 v7, v8  }
0x13a: {  	[tilespmem:$0x24F0] =	vst v8  }
0x13b: {  	[tilespmem:s25], [sflag:$0x1] =	stream.indirect.gather [hbm4b:s3+s8], $0x1, s24, s8, $0xb8;
	[tilespmem:$0x2A00] =	vst v63  }
0x13c: {  	v8 =	vld [tilespmem:$0x0];
	_ =	sdelay $0x4  }
0x13d: {  	v8 =	vadd.s32 $0x1C00, v8;
	_ =	sdelay $0x1  }
0x13e: {  	v41 =	vld [tilespmem:$0x10];
	_ =	sdelay $0x2  }
0x13f: {  	v8 =	vld.idx.msk [tilespmem:v8+s8+$0x0], $0xffff;
	_ =	sdelay $0x1  }
0x140: {  	v9 =	vadd.s32 $0x1C00, v41;
	_ =	sdelay $0x1  }
0x141: {  	v42 =	vld [tilespmem:$0x20]  }
0x142: {  	v8 =	vadd.s32 v0, v8  }
0x143: {  	[tilespmem:$0x2500] =	vst v8  }
0x144: {  	v8 =	vld.idx.msk [tilespmem:v9+s8+$0x0], $0xffff;
	_ =	sdelay $0x1  }
0x145: {  	v43 =	vadd.s32 $0x1C00, v42;
	_ =	sdelay $0x1  }
0x146: {  	v44 =	vld [tilespmem:$0x30]  }
0x147: {  	v8 =	vadd.s32 v1, v8  }
0x148: {  	[tilespmem:$0x2510] =	vst v8  }
0x149: {  	v8 =	vld.idx.msk [tilespmem:v43+s8+$0x0], $0xffff;
	_ =	sdelay $0x1  }
0x14a: {  	v45 =	vadd.s32 $0x1C00, v44;
	_ =	sdelay $0x1  }
0x14b: {  	v46 =	vld [tilespmem:$0x40]  }
0x14c: {  	v8 =	vadd.s32 v2, v8  }
0x14d: {  	[tilespmem:$0x2520] =	vst v8  }
0x14e: {  	v8 =	vld.idx.msk [tilespmem:v45+s8+$0x0], $0xffff;
	_ =	sdelay $0x1  }
0x14f: {  	v47 =	vadd.s32 $0x1C00, v46;
	_ =	sdelay $0x1  }
0x150: {  	v48 =	vld [tilespmem:$0x50]  }
0x151: {  	v8 =	vadd.s32 v3, v8  }
0x152: {  	[tilespmem:$0x2530] =	vst v8  }
0x153: {  	v8 =	vld.idx.msk [tilespmem:v47+s8+$0x0], $0xffff;
	_ =	sdelay $0x1  }
0x154: {  	v49 =	vadd.s32 $0x1C00, v48;
	_ =	sdelay $0x1  }
0x155: {  	v50 =	vld [tilespmem:$0x60]  }
0x156: {  	v8 =	vadd.s32 v4, v8  }
0x157: {  	[tilespmem:$0x2540] =	vst v8  }
0x158: {  	v8 =	vld.idx.msk [tilespmem:v49+s8+$0x0], $0xffff;
	_ =	sdelay $0x1  }
0x159: {  	v51 =	vadd.s32 $0x1C00, v50;
	_ =	sdelay $0x1  }
0x15a: {  	v52 =	vld [tilespmem:$0x70]  }
0x15b: {  	v8 =	vadd.s32 v5, v8  }
0x15c: {  	[tilespmem:$0x2550] =	vst v8  }
0x15d: {  	v8 =	vld.idx.msk [tilespmem:v51+s8+$0x0], $0xffff;
	_ =	sdelay $0x1  }
0x15e: {  	v53 =	vadd.s32 $0x1C00, v52;
	_ =	sdelay $0x2  }
0x15f: {  	v8 =	vadd.s32 v6, v8  }
0x160: {  	[tilespmem:$0x2560] =	vst v8  }
0x161: {  	v8 =	vld.idx.msk [tilespmem:v53+s8+$0x0], $0xffff;
	_ =	sdelay $0x4  }
0x162: {  	v8 =	vadd.s32 v7, v8  }
0x163: {  	[tilespmem:$0x2570] =	vst v8  }
0x164: {  	[tilespmem:s28], [sflag:$0x1] =	stream.indirect.gather [hbm4b:s3+s8], $0x1, s26, s8, $0xb8;
	[tilespmem:$0x2A00] =	vst v63  }
0x165: {  	_ =	swait.ge [sflag:s29], $0x80  }
0x166: {  	[sflag:s29] =	ssyncset.done $0x0  }
0x167: {  	[sflag:s29] =	ssyncadd.s32 $0xFFFFFF80  }
0x168: {  	_ =	swait.ge [sflag:s29], $0x80  }
0x169: {  	[sflag:s29] =	ssyncset.done $0x0  }
0x16a: {  	[sflag:s29] =	ssyncadd.s32 $0xFFFFFF80  }
0x16b: {  	_ =	swait.ge [sflag:s29], $0x80  }
0x16c: {  	[sflag:s29] =	ssyncset.done $0x0  }
0x16d: {  	[sflag:s29] =	ssyncadd.s32 $0xFFFFFF80  }
0x16e: {  	_ =	swait.ge [sflag:s29], $0x80  }
0x16f: {  	[sflag:s29] =	ssyncset.done $0x0  }
0x170: {  	[sflag:s29] =	ssyncadd.s32 $0xFFFFFF80  }
0x171: {  	_ =	swait.ge [sflag:s29], $0x80  }
0x172: {  	[sflag:s29] =	ssyncset.done $0x0  }
0x173: {  	[sflag:s29] =	ssyncadd.s32 $0xFFFFFF80  }
0x174: {  	_ =	swait.ge [sflag:s29], $0x80  }
0x175: {  	[sflag:s29] =	ssyncset.done $0x0  }
0x176: {  	[sflag:s29] =	ssyncadd.s32 $0xFFFFFF80  }
0x177: {  	_ =	swait.ge [sflag:s29], $0x80  }
0x178: {  	[sflag:s29] =	ssyncset.done $0x0  }
0x179: {  	[sflag:s29] =	ssyncadd.s32 $0xFFFFFF80  }
0x17a: {  	_ =	swait.ge [sflag:s29], $0x80  }
0x17b: {  	[sflag:s29] =	ssyncset.done $0x0  }
0x17c: {  	[sflag:s29] =	ssyncadd.s32 $0xFFFFFF80  }
0x17d: {  	_ =	swait.ge [sflag:s29], $0x80  }
0x17e: {  	[sflag:s29] =	ssyncset.done $0x0  }
0x17f: {  	[sflag:s29] =	ssyncadd.s32 $0xFFFFFF80  }
0x180: {  	v8 =	vld [tilespmem:$0x2580]  }
0x181: {  	v54 =	vld [tilespmem:$0x2600]  }
0x182: {  	v55 =	vld [tilespmem:$0x2680];
	_ =	sdelay $0x2  }
0x183: {  	v56 =	vld [tilespmem:$0x2700];
	v8 =	vmul.f32 $1.428571410e+01, v8  }
0x184: {  	v57 =	vld [tilespmem:$0x2780];
	v9 =	vmul.f32 $1.428571410e+01, v54  }
0x185: {  	v10 =	vmul.f32 $1.428571410e+01, v55;
	v8 =	vmul.f32 $1.442695020e+00, v8  }
0x186: {  	v58 =	vld [tilespmem:$0x2800];
	v9 =	vmul.f32 $1.442695020e+00, v9  }
0x187: {  	(erf) = vpow2.f32 v8;
	v8 =	vmul.f32 $1.442695020e+00, v10  }
0x188: {  	v11 =	vmul.f32 $1.428571410e+01, v56;
	(erf) = vpow2.f32 v9  }
0x189: {  	v59 =	vld [tilespmem:$0x2880];
	(erf) = vpow2.f32 v8;
	v8 =	vmul.f32 $1.428571410e+01, v57  }
0x18a: {  	v61 =	vld [tilespmem:$0x2900];
	v60 =	vmul.f32 $1.442695020e+00, v11  }
0x18b: {  	v62 =	vmul.f32 $1.428571410e+01, v58;
	v8 =	vmul.f32 $1.442695020e+00, v8  }
0x18c: {  	v63 =	vld [tilespmem:$0x2980];
	(erf) = vpow2.f32 v60  }
0x18d: {  	(erf) = vpow2.f32 v8;
	v8 =	vmul.f32 $1.442695020e+00, v62  }
0x18e: {  	v10 =	vmul.f32 $1.428571410e+01, v59  }
0x18f: {  	v9 =	vmul.f32 $1.428571410e+01, v61  }
0x190: {  	v10 =	vmul.f32 $1.442695020e+00, v10;
	(erf) = vpow2.f32 v8  }
0x191: {  	v17 =	vmul.f32 $1.428571410e+01, v63;
	v8 =	vpop (erf)  }
0x192: {  	v9 =	vmul.f32 $1.442695020e+00, v9;
	(erf) = vpow2.f32 v10;
	v16 =	vpop (erf)  }
0x193: {  	v18 =	vpop (erf)  }
0x194: {  	v19 =	vmul.f32 $1.442695020e+00, v17;
	(erf) = vpow2.f32 v9;
	v10 =	vadd.f32 v18, v16  }
0x195: {  	v20 =	vpop (erf)  }
0x196: {  	(erf) = vpow2.f32 v19;
	v10 =	vadd.f32 v20, v10  }
0x197: {  	v21 =	vpop (erf)  }
0x198: {  	v9 =	vadd.f32 v21, v10  }
0x199: {  	v22 =	vpop (erf)  }
0x19a: {  	v9 =	vadd.f32 v22, v9  }
0x19b: {  	v23 =	vpop (erf)  }
0x19c: {  	v9 =	vadd.f32 v23, v9  }
0x19d: {  	v26 =	vld [tilespmem:$0x2590];
	v24 =	vpop (erf)  }
0x19e: {  	v27 =	vld [tilespmem:$0x2610];
	v9 =	vadd.f32 v24, v9  }
0x19f: {  	v28 =	vld [tilespmem:$0x2690];
	v25 =	vpop (erf)  }
0x1a0: {  	v29 =	vld [tilespmem:$0x2710];
	v9 =	vadd.f32 v25, v9;
	_ =	sdelay $0x1  }
0x1a1: {  	v9 =	vmul.f32 $1.250000000e-01, v9  }
0x1a2: {  	v31 =	vld [tilespmem:$0x2790];
	v10 =	vmul.f32 $1.428571410e+01, v26  }
0x1a3: {  	v30 =	vmul.f32 $1.428571410e+01, v27;
	v12 =	vmul.f32 $1.428571410e+01, v28;
	v9 =	vadd.f32 v9, v8  }
0x1a4: {  	v14 =	vld [tilespmem:$0x2810];
	v13 =	vmul.f32 $1.428571410e+01, v29;
	v10 =	vmul.f32 $1.442695020e+00, v10  }
0x1a5: {  	(erf) = vrcp.f32 v9;
	v9 =	vmul.f32 $1.442695020e+00, v30  }
0x1a6: {  	v32 =	vmul.f32 $1.442695020e+00, v12;
	(erf) = vpow2.f32 v10  }
0x1a7: {  	v33 =	vld [tilespmem:$0x2890];
	v35 =	vmul.f32 $1.428571410e+01, v31;
	(erf) = vpow2.f32 v9  }
0x1a8: {  	v36 =	vld [tilespmem:$0x2910];
	v34 =	vmul.f32 $1.442695020e+00, v13;
	(erf) = vpow2.f32 v32  }
0x1a9: {  	v38 =	vmul.f32 $1.428571410e+01, v14  }
0x1aa: {  	v39 =	vld [tilespmem:$0x2990];
	v37 =	vmul.f32 $1.442695020e+00, v35;
	(erf) = vpow2.f32 v34  }
0x1ab: {  	v10 =	vmul.f32 $1.442695020e+00, v38  }
0x1ac: {  	v12 =	vmul.f32 $1.428571410e+01, v33;
	(erf) = vpow2.f32 v37  }
0x1ad: {  	v11 =	vmul.f32 $1.428571410e+01, v36  }
0x1ae: {  	v12 =	vmul.f32 $1.442695020e+00, v12;
	v9 =	vpop (erf);
	(erf) = vpow2.f32 v10  }
0x1af: {  	v13 =	vmul.f32 $1.428571410e+01, v39;
	v10 =	vpop (erf)  }
0x1b0: {  	v11 =	vmul.f32 $1.442695020e+00, v11;
	(erf) = vpow2.f32 v12;
	v40 =	vpop (erf)  }
0x1b1: {  	v41 =	vpop (erf)  }
0x1b2: {  	v42 =	vmul.f32 $1.442695020e+00, v13;
	(erf) = vpow2.f32 v11;
	v12 =	vadd.f32 v41, v40  }
0x1b3: {  	v43 =	vpop (erf)  }
0x1b4: {  	(erf) = vpow2.f32 v42;
	v12 =	vadd.f32 v43, v12  }
0x1b5: {  	v44 =	vpop (erf)  }
0x1b6: {  	v11 =	vadd.f32 v44, v12  }
0x1b7: {  	v45 =	vpop (erf)  }
0x1b8: {  	v11 =	vadd.f32 v45, v11  }
0x1b9: {  	v46 =	vpop (erf)  }
0x1ba: {  	v11 =	vadd.f32 v46, v11  }
0x1bb: {  	v49 =	vld [tilespmem:$0x25A0];
	v47 =	vpop (erf)  }
0x1bc: {  	v50 =	vld [tilespmem:$0x2620];
	v11 =	vadd.f32 v47, v11  }
0x1bd: {  	v51 =	vld [tilespmem:$0x26A0];
	v48 =	vpop (erf)  }
0x1be: {  	v15 =	vld [tilespmem:$0x2720];
	v11 =	vadd.f32 v48, v11;
	_ =	sdelay $0x1  }
0x1bf: {  	v11 =	vmul.f32 $1.250000000e-01, v11  }
0x1c0: {  	v12 =	vmul.f32 $1.428571410e+01, v49  }
0x1c1: {  	v53 =	vld [tilespmem:$0x27A0];
	v52 =	vmul.f32 $1.428571410e+01, v50;
	v14 =	vmul.f32 $1.428571410e+01, v51;
	v11 =	vadd.f32 v11, v10  }
0x1c2: {  	v15 =	vmul.f32 $1.428571410e+01, v15;
	v16 =	vld [tilespmem:$0x2820];
	v12 =	vmul.f32 $1.442695020e+00, v12  }
0x1c3: {  	(erf) = vrcp.f32 v11;
	v11 =	vmul.f32 $1.442695020e+00, v52  }
0x1c4: {  	v54 =	vmul.f32 $1.442695020e+00, v14;
	(erf) = vpow2.f32 v12  }
0x1c5: {  	v55 =	vld [tilespmem:$0x28A0];
	v56 =	vmul.f32 $1.442695020e+00, v15;
	(erf) = vpow2.f32 v11  }
0x1c6: {  	v58 =	vld [tilespmem:$0x2920];
	v57 =	vmul.f32 $1.428571410e+01, v53;
	(erf) = vpow2.f32 v54  }
0x1c7: {  	v60 =	vmul.f32 $1.428571410e+01, v16  }
0x1c8: {  	v59 =	vmul.f32 $1.442695020e+00, v57;
	(erf) = vpow2.f32 v56  }
0x1c9: {  	v61 =	vld [tilespmem:$0x29A0];
	v12 =	vmul.f32 $1.442695020e+00, v60  }
0x1ca: {  	v14 =	vmul.f32 $1.428571410e+01, v55;
	(erf) = vpow2.f32 v59  }
0x1cb: {  	v13 =	vmul.f32 $1.428571410e+01, v58  }
0x1cc: {  	v14 =	vmul.f32 $1.442695020e+00, v14;
	v11 =	vpop (erf);
	(erf) = vpow2.f32 v12  }
0x1cd: {  	v13 =	vmul.f32 $1.442695020e+00, v13;
	v12 =	vpop (erf)  }
0x1ce: {  	v15 =	vmul.f32 $1.428571410e+01, v61;
	(erf) = vpow2.f32 v14;
	v62 =	vpop (erf)  }
0x1cf: {  	v63 =	vpop (erf)  }
0x1d0: {  	v18 =	vmul.f32 $1.442695020e+00, v15;
	(erf) = vpow2.f32 v13;
	v14 =	vadd.f32 v63, v62  }
0x1d1: {  	v19 =	vpop (erf)  }
0x1d2: {  	(erf) = vpow2.f32 v18;
	v14 =	vadd.f32 v19, v14  }
0x1d3: {  	v20 =	vpop (erf)  }
0x1d4: {  	v13 =	vadd.f32 v20, v14  }
0x1d5: {  	v21 =	vpop (erf)  }
0x1d6: {  	v13 =	vadd.f32 v21, v13  }
0x1d7: {  	v22 =	vpop (erf)  }
0x1d8: {  	v13 =	vadd.f32 v22, v13  }
0x1d9: {  	v17 =	vld [tilespmem:$0x2730];
	v23 =	vpop (erf)  }
0x1da: {  	v25 =	vld [tilespmem:$0x25B0];
	v13 =	vadd.f32 v23, v13  }
0x1db: {  	v26 =	vld [tilespmem:$0x2630];
	v24 =	vpop (erf)  }
0x1dc: {  	v27 =	vld [tilespmem:$0x26B0];
	v13 =	vadd.f32 v24, v13;
	_ =	sdelay $0x1  }
0x1dd: {  	v13 =	vmul.f32 $1.250000000e-01, v13  }
0x1de: {  	v29 =	vld [tilespmem:$0x27B0];
	v14 =	vmul.f32 $1.428571410e+01, v25  }
0x1df: {  	v17 =	vmul.f32 $1.428571410e+01, v17;
	v28 =	vmul.f32 $1.428571410e+01, v26;
	v13 =	vadd.f32 v13, v12  }
0x1e0: {  	v16 =	vmul.f32 $1.428571410e+01, v27;
	v18 =	vld [tilespmem:$0x2830];
	v14 =	vmul.f32 $1.442695020e+00, v14  }
0x1e1: {  	(erf) = vrcp.f32 v13;
	v13 =	vmul.f32 $1.442695020e+00, v28  }
0x1e2: {  	v31 =	vld [tilespmem:$0x28B0];
	v30 =	vmul.f32 $1.442695020e+00, v16;
	(erf) = vpow2.f32 v14  }
0x1e3: {  	v33 =	vmul.f32 $1.428571410e+01, v29;
	(erf) = vpow2.f32 v13  }
0x1e4: {  	v32 =	vmul.f32 $1.442695020e+00, v17;
	(erf) = vpow2.f32 v30  }
0x1e5: {  	v34 =	vld [tilespmem:$0x2930];
	v36 =	vmul.f32 $1.428571410e+01, v18  }
0x1e6: {  	v35 =	vmul.f32 $1.442695020e+00, v33;
	v37 =	vld [tilespmem:$0x29B0];
	(erf) = vpow2.f32 v32  }
0x1e7: {  	v16 =	vmul.f32 $1.428571410e+01, v31;
	v14 =	vmul.f32 $1.442695020e+00, v36  }
0x1e8: {  	(erf) = vpow2.f32 v35  }
0x1e9: {  	v16 =	vmul.f32 $1.442695020e+00, v16  }
0x1ea: {  	v15 =	vmul.f32 $1.428571410e+01, v34;
	v13 =	vpop (erf);
	(erf) = vpow2.f32 v14  }
0x1eb: {  	v17 =	vmul.f32 $1.428571410e+01, v37;
	v14 =	vpop (erf)  }
0x1ec: {  	v15 =	vmul.f32 $1.442695020e+00, v15;
	(erf) = vpow2.f32 v16;
	v38 =	vpop (erf)  }
0x1ed: {  	v39 =	vpop (erf)  }
0x1ee: {  	v40 =	vmul.f32 $1.442695020e+00, v17;
	(erf) = vpow2.f32 v15;
	v16 =	vadd.f32 v39, v38  }
0x1ef: {  	v41 =	vpop (erf)  }
0x1f0: {  	(erf) = vpow2.f32 v40;
	v16 =	vadd.f32 v41, v16  }
0x1f1: {  	v42 =	vpop (erf)  }
0x1f2: {  	v15 =	vadd.f32 v42, v16  }
0x1f3: {  	v43 =	vpop (erf)  }
0x1f4: {  	v15 =	vadd.f32 v43, v15  }
0x1f5: {  	v44 =	vpop (erf)  }
0x1f6: {  	v15 =	vadd.f32 v44, v15  }
0x1f7: {  	v49 =	vld [tilespmem:$0x26C0];
	v45 =	vpop (erf)  }
0x1f8: {  	v47 =	vld [tilespmem:$0x25C0];
	v15 =	vadd.f32 v45, v15  }
0x1f9: {  	v48 =	vld [tilespmem:$0x2640];
	v46 =	vpop (erf)  }
0x1fa: {  	v19 =	vld [tilespmem:$0x2740];
	v15 =	vadd.f32 v46, v15;
	_ =	sdelay $0x1  }
0x1fb: {  	v15 =	vmul.f32 $1.250000000e-01, v15  }
0x1fc: {  	v51 =	vld [tilespmem:$0x27C0];
	v16 =	vmul.f32 $1.428571410e+01, v47  }
0x1fd: {  	v50 =	vmul.f32 $1.428571410e+01, v48;
	v18 =	vmul.f32 $1.428571410e+01, v49;
	v15 =	vadd.f32 v15, v14  }
0x1fe: {  	v20 =	vld [tilespmem:$0x2840];
	v19 =	vmul.f32 $1.428571410e+01, v19;
	v16 =	vmul.f32 $1.442695020e+00, v16  }
0x1ff: {  	(erf) = vrcp.f32 v15;
	v15 =	vmul.f32 $1.442695020e+00, v50  }
0x200: {  	v52 =	vmul.f32 $1.442695020e+00, v18;
	(erf) = vpow2.f32 v16  }
0x201: {  	v55 =	vmul.f32 $1.428571410e+01, v51;
	v53 =	vld [tilespmem:$0x28C0];
	(erf) = vpow2.f32 v15  }
0x202: {  	v56 =	vld [tilespmem:$0x2940];
	v54 =	vmul.f32 $1.442695020e+00, v19;
	(erf) = vpow2.f32 v52  }
0x203: {  	v58 =	vmul.f32 $1.428571410e+01, v20  }
0x204: {  	v57 =	vmul.f32 $1.442695020e+00, v55;
	(erf) = vpow2.f32 v54  }
0x205: {  	v59 =	vld [tilespmem:$0x29C0];
	v16 =	vmul.f32 $1.442695020e+00, v58  }
0x206: {  	v18 =	vmul.f32 $1.428571410e+01, v53;
	(erf) = vpow2.f32 v57  }
0x207: {  	v17 =	vmul.f32 $1.428571410e+01, v56  }
0x208: {  	v18 =	vmul.f32 $1.442695020e+00, v18;
	v15 =	vpop (erf);
	(erf) = vpow2.f32 v16  }
0x209: {  	v17 =	vmul.f32 $1.442695020e+00, v17;
	v16 =	vpop (erf)  }
0x20a: {  	v19 =	vmul.f32 $1.428571410e+01, v59;
	(erf) = vpow2.f32 v18;
	v60 =	vpop (erf)  }
0x20b: {  	v61 =	vpop (erf)  }
0x20c: {  	v62 =	vmul.f32 $1.442695020e+00, v19;
	(erf) = vpow2.f32 v17;
	v18 =	vadd.f32 v61, v60  }
0x20d: {  	v63 =	vpop (erf)  }
0x20e: {  	(erf) = vpow2.f32 v62;
	v18 =	vadd.f32 v63, v18  }
0x20f: {  	v20 =	vpop (erf)  }
0x210: {  	v17 =	vadd.f32 v20, v18  }
0x211: {  	v21 =	vpop (erf)  }
0x212: {  	v17 =	vadd.f32 v21, v17  }
0x213: {  	v22 =	vpop (erf)  }
0x214: {  	v17 =	vadd.f32 v22, v17  }
0x215: {  	v27 =	vld [tilespmem:$0x26D0];
	v23 =	vpop (erf)  }
0x216: {  	v25 =	vld [tilespmem:$0x25D0];
	v17 =	vadd.f32 v23, v17  }
0x217: {  	v26 =	vld [tilespmem:$0x2650];
	v24 =	vpop (erf)  }
0x218: {  	v17 =	vadd.f32 v24, v17;
	_ =	sdelay $0x1  }
0x219: {  	v21 =	vld [tilespmem:$0x2750];
	v17 =	vmul.f32 $1.250000000e-01, v17  }
0x21a: {  	v29 =	vld [tilespmem:$0x27D0];
	v18 =	vmul.f32 $1.428571410e+01, v25;
	v20 =	vmul.f32 $1.428571410e+01, v27  }
0x21b: {  	v28 =	vmul.f32 $1.428571410e+01, v26;
	v17 =	vadd.f32 v17, v16  }
0x21c: {  	v18 =	vmul.f32 $1.442695020e+00, v18;
	v30 =	vmul.f32 $1.442695020e+00, v20;
	v22 =	vld [tilespmem:$0x2850]  }
0x21d: {  	(erf) = vrcp.f32 v17;
	v17 =	vmul.f32 $1.442695020e+00, v28  }
0x21e: {  	v21 =	vmul.f32 $1.428571410e+01, v21;
	(erf) = vpow2.f32 v18  }
0x21f: {  	v33 =	vmul.f32 $1.428571410e+01, v29;
	v31 =	vld [tilespmem:$0x28D0];
	(erf) = vpow2.f32 v17  }
0x220: {  	v34 =	vld [tilespmem:$0x2950];
	v32 =	vmul.f32 $1.442695020e+00, v21;
	(erf) = vpow2.f32 v30  }
0x221: {  	v36 =	vmul.f32 $1.428571410e+01, v22  }
0x222: {  	v35 =	vmul.f32 $1.442695020e+00, v33;
	(erf) = vpow2.f32 v32  }
0x223: {  	v37 =	vld [tilespmem:$0x29D0];
	v18 =	vmul.f32 $1.442695020e+00, v36  }
0x224: {  	v20 =	vmul.f32 $1.428571410e+01, v31;
	(erf) = vpow2.f32 v35  }
0x225: {  	v19 =	vmul.f32 $1.428571410e+01, v34  }
0x226: {  	v20 =	vmul.f32 $1.442695020e+00, v20;
	v17 =	vpop (erf);
	(erf) = vpow2.f32 v18  }
0x227: {  	v19 =	vmul.f32 $1.442695020e+00, v19;
	v18 =	vpop (erf)  }
0x228: {  	v21 =	vmul.f32 $1.428571410e+01, v37;
	(erf) = vpow2.f32 v20;
	v38 =	vpop (erf)  }
0x229: {  	v39 =	vpop (erf)  }
0x22a: {  	v40 =	vmul.f32 $1.442695020e+00, v21;
	(erf) = vpow2.f32 v19;
	v20 =	vadd.f32 v39, v38  }
0x22b: {  	v41 =	vpop (erf)  }
0x22c: {  	(erf) = vpow2.f32 v40;
	v20 =	vadd.f32 v41, v20  }
0x22d: {  	v42 =	vpop (erf)  }
0x22e: {  	v19 =	vadd.f32 v42, v20  }
0x22f: {  	v43 =	vpop (erf)  }
0x230: {  	v19 =	vadd.f32 v43, v19  }
0x231: {  	v44 =	vpop (erf)  }
0x232: {  	v19 =	vadd.f32 v44, v19  }
0x233: {  	v48 =	vld [tilespmem:$0x2660];
	v45 =	vpop (erf)  }
0x234: {  	v47 =	vld [tilespmem:$0x25E0];
	v19 =	vadd.f32 v45, v19  }
0x235: {  	v49 =	vld [tilespmem:$0x26E0];
	v46 =	vpop (erf)  }
0x236: {  	v23 =	vld [tilespmem:$0x2760];
	v19 =	vadd.f32 v46, v19;
	_ =	sdelay $0x1  }
0x237: {  	v19 =	vmul.f32 $1.250000000e-01, v19  }
0x238: {  	v51 =	vld [tilespmem:$0x27E0];
	v20 =	vmul.f32 $1.428571410e+01, v47  }
0x239: {  	v50 =	vmul.f32 $1.428571410e+01, v48;
	v22 =	vmul.f32 $1.428571410e+01, v49;
	v19 =	vadd.f32 v19, v18  }
0x23a: {  	v24 =	vld [tilespmem:$0x2860];
	v23 =	vmul.f32 $1.428571410e+01, v23;
	v20 =	vmul.f32 $1.442695020e+00, v20  }
0x23b: {  	(erf) = vrcp.f32 v19;
	v19 =	vmul.f32 $1.442695020e+00, v50  }
0x23c: {  	v53 =	vld [tilespmem:$0x28E0];
	v52 =	vmul.f32 $1.442695020e+00, v22;
	(erf) = vpow2.f32 v20  }
0x23d: {  	v55 =	vmul.f32 $1.428571410e+01, v51;
	(erf) = vpow2.f32 v19  }
0x23e: {  	v54 =	vmul.f32 $1.442695020e+00, v23;
	(erf) = vpow2.f32 v52  }
0x23f: {  	v56 =	vld [tilespmem:$0x2960];
	v57 =	vmul.f32 $1.428571410e+01, v24  }
0x240: {  	v58 =	vld [tilespmem:$0x29E0];
	v20 =	vmul.f32 $1.442695020e+00, v55;
	(erf) = vpow2.f32 v54  }
0x241: {  	v22 =	vmul.f32 $1.428571410e+01, v53  }
0x242: {  	v59 =	vmul.f32 $1.442695020e+00, v57;
	(erf) = vpow2.f32 v20  }
0x243: {  	v60 =	vmul.f32 $1.442695020e+00, v22  }
0x244: {  	v19 =	vmul.f32 $1.428571410e+01, v56;
	v61 =	vpop (erf);
	(erf) = vpow2.f32 v59  }
0x245: {  	v23 =	vmul.f32 $1.428571410e+01, v58;
	v20 =	vpop (erf)  }
0x246: {  	v19 =	vmul.f32 $1.442695020e+00, v19;
	(erf) = vpow2.f32 v60;
	v62 =	vpop (erf)  }
0x247: {  	v63 =	vpop (erf)  }
0x248: {  	v27 =	vmul.f32 $1.442695020e+00, v23;
	(erf) = vpow2.f32 v19;
	v21 =	vadd.f32 v63, v62  }
0x249: {  	v28 =	vpop (erf)  }
0x24a: {  	(erf) = vpow2.f32 v27;
	v21 =	vadd.f32 v28, v21  }
0x24b: {  	v29 =	vpop (erf)  }
0x24c: {  	v19 =	vadd.f32 v29, v21  }
0x24d: {  	v30 =	vpop (erf)  }
0x24e: {  	v19 =	vadd.f32 v30, v19  }
0x24f: {  	v31 =	vpop (erf)  }
0x250: {  	v19 =	vadd.f32 v31, v19  }
0x251: {  	v34 =	vld [tilespmem:$0x25F0];
	v32 =	vpop (erf)  }
0x252: {  	v25 =	vld [tilespmem:$0x2770];
	v19 =	vadd.f32 v32, v19  }
0x253: {  	v35 =	vld [tilespmem:$0x2670];
	v33 =	vpop (erf)  }
0x254: {  	v36 =	vld [tilespmem:$0x26F0];
	v19 =	vadd.f32 v33, v19;
	_ =	sdelay $0x1  }
0x255: {  	v19 =	vmul.f32 $1.250000000e-01, v19  }
0x256: {  	v21 =	vmul.f32 $1.428571410e+01, v34  }
0x257: {  	v25 =	vmul.f32 $1.428571410e+01, v25;
	v37 =	vmul.f32 $1.428571410e+01, v35;
	v38 =	vld [tilespmem:$0x27F0];
	v19 =	vadd.f32 v19, v20  }
0x258: {  	v26 =	vld [tilespmem:$0x2870];
	v24 =	vmul.f32 $1.428571410e+01, v36;
	v21 =	vmul.f32 $1.442695020e+00, v21  }
0x259: {  	(erf) = vrcp.f32 v19;
	v19 =	vmul.f32 $1.442695020e+00, v37  }
0x25a: {  	v39 =	vmul.f32 $1.442695020e+00, v24;
	v40 =	vld [tilespmem:$0x28F0];
	(erf) = vpow2.f32 v21  }
0x25b: {  	v41 =	vmul.f32 $1.442695020e+00, v25;
	(erf) = vpow2.f32 v19  }
0x25c: {  	v42 =	vmul.f32 $1.428571410e+01, v38;
	(erf) = vpow2.f32 v39  }
0x25d: {  	v43 =	vld [tilespmem:$0x2970];
	v44 =	vmul.f32 $1.428571410e+01, v26  }
0x25e: {  	v45 =	vld [tilespmem:$0x29F0];
	v21 =	vmul.f32 $1.442695020e+00, v42;
	(erf) = vpow2.f32 v41  }
0x25f: {  	v24 =	vmul.f32 $1.428571410e+01, v40  }
0x260: {  	v46 =	vmul.f32 $1.442695020e+00, v44;
	(erf) = vpow2.f32 v21  }
0x261: {  	v47 =	vmul.f32 $1.442695020e+00, v24  }
0x262: {  	v19 =	vmul.f32 $1.428571410e+01, v43;
	v48 =	vpop (erf);
	(erf) = vpow2.f32 v46  }
0x263: {  	v25 =	vmul.f32 $1.428571410e+01, v45;
	v49 =	vpop (erf)  }
0x264: {  	v19 =	vmul.f32 $1.442695020e+00, v19;
	(erf) = vpow2.f32 v47;
	v50 =	vpop (erf)  }
0x265: {  	v51 =	vpop (erf)  }
0x266: {  	v52 =	vmul.f32 $1.442695020e+00, v25;
	(erf) = vpow2.f32 v19;
	v23 =	vadd.f32 v51, v50  }
0x267: {  	v53 =	vpop (erf)  }
0x268: {  	(erf) = vpow2.f32 v52;
	v23 =	vadd.f32 v53, v23  }
0x269: {  	v54 =	vpop (erf)  }
0x26a: {  	v19 =	vadd.f32 v54, v23  }
0x26b: {  	v55 =	vpop (erf)  }
0x26c: {  	v19 =	vadd.f32 v55, v19  }
0x26d: {  	v56 =	vpop (erf)  }
0x26e: {  	v19 =	vadd.f32 v56, v19  }
0x26f: {  	v57 =	vpop (erf)  }
0x270: {  	v19 =	vadd.f32 v57, v19  }
0x271: {  	v58 =	vpop (erf)  }
0x272: {  	v19 =	vadd.f32 v58, v19;
	_ =	sdelay $0x1  }
0x273: {  	v19 =	vmul.f32 $1.250000000e-01, v19;
	_ =	sdelay $0x1  }
0x274: {  	v19 =	vadd.f32 v19, v49;
	_ =	sdelay $0x1  }
0x275: {  	(erf) = vrcp.f32 v19  }
0x276: {  	v8 =	vmul.f32 v9, v8;
	_ =	sdelay $0x1  }
0x277: {  	[tilespmem:$0x2080] =	vst v8;
	v8 =	vmul.f32 v13, v12;
	_ =	sdelay $0x1  }
0x278: {  	[tilespmem:$0x20A0] =	vst v8;
	v8 =	vmul.f32 v17, v16  }
0x279: {  	v59 =	vmul.f32 v11, v10  }
0x27a: {  	[tilespmem:$0x20C0] =	vst v8;
	v60 =	vmul.f32 v15, v14  }
0x27b: {  	v61 =	vmul.f32 v61, v18;
	[tilespmem:$0x2090] =	vst v59  }
0x27c: {  	[tilespmem:$0x20B0] =	vst v60;
	v8 =	vmul.f32 v48, v20;
	v62 =	vpop (erf)  }
0x27d: {  	[tilespmem:$0x20D0] =	vst v61;
	v63 =	vmul.f32 v62, v49  }
0x27e: {  	p0 =	sne.s32 s7, $0x1;
	[tilespmem:$0x20E0] =	vst v8  }
.Ltmp0:
0x27f: {  	[tilespmem:$0x20F0] =	vst v63;
	(pc) =	sbr.rel @p0 .LBB2_1-.Ltmp0, $4  }
0x280: {  	[hbm4b:s6+s2] =	stream.linear.scatter [tilespmem:s30], [sflag:$0x2], $0x80, $0x38;
	[tilespmem:$0x2A00] =	vst v63  }
0x281: {  	_ =	swait.ge [sflag:s9], $0x80  }
0x282: {  	[sflag:s9] =	ssyncset.done $0x0  }
0x283: {  	s7 =	sadd.s32 $0xFFFFFFFF, s7;
	[sflag:s9] =	ssyncadd.s32 $0xFFFFFF80  }
0x284: {  	_ =	sfence.sel $0x180000  }
0x285: {  	[bflag:$0x0] =	sbarrier.arrive $0xFFFF  }
0x286: {  	p0 =	sne.s32 s1, $0x0;
	_ =	strace $0x90000047  }
0x287: {  	s0 =	sadd.s32 @!p0 $0x100000, s0;
	[bflag:$0x2] =	sbarrier.arrive $0xFFFF  }
0x288: {  	[sflag:s0] =	ssyncadd.tile.s32 @!p0 $0x1;
	_ =	shalt  }
.Lfunc_end2:
_tile_overlayer_lowered:
.L_overlay_start_2:
0x289: {  	(tag) =	ssettag $0x2  }
0x28a: {  	s0 =	rddreg [dreg:$0x0];
	s2 =	stileid.u32  }
0x28b: {  	s1 =	rddreg [dreg:$0x1];
	p0 =	sne.s32 s2, $0x0  }
0x28c: {  	s3 =	rddreg [dreg:$0x2];
	[bflag:$0x3] =	sbarrier.arrive $0xFFFF;
	s2 =	simm.s32 @!p0 $0x1C02  }
0x28d: {  	[timem:s3], [sflag:s2] =	dma.local @!p0 [hbm:s0], s1  }
0x28e: {  	s0 =	simm.s32 @!p0 $0x2  }
0x28f: {  	_ =	swait.ge @!p0 [sflag:s0], s1  }
0x290: {  	s1 =	ssub.s32 @!p0 $0x0, s1;
	[sflag:s0] =	ssyncset.done @!p0 $0x0  }
0x291: {  	[sflag:s0] =	ssyncadd.s32 @!p0 s1  }
0x292: {  	[bflag:$0x3] =	sbarrier.arrive $0xFFFF  }
0x293: {  	_ =	shalt  }

</sc_bundles>
